<compile_context>
chip_gen: v7x
topology: tpu7x:2x2x1
jax: 0.10.2.dev20260603
libtpu: 0.0.44.dev20260713+nightly
codegen_flags: <defaults>
</compile_context>

<pallas_src>
import functools

import jax
import jax.numpy as jnp
from jax import lax
from jax.experimental import pallas as pl
from jax.experimental.pallas import tpu as pltpu
from jax.experimental.pallas import tpu_sc as plsc

BATCH = 4096
SEQ = 200
D = 32
VOCAB = 1000000
VROWS = VOCAB // 4
FLAT = BATCH * SEQ
NC = 2
NS = 16
NW = NC * NS
PER_W = FLAT // NW
CH = 400
NCHUNK = PER_W // CH
G = 80
NG = CH // G
GPR = G // 16
IROWS = PER_W // G
LANES = 16
SCALE = float(D) ** 0.5


def _emb_body(qt_hbm, tbl_hbm, pos_hbm, out_hbm,
              qt_v, rows_v, out_v, pos_v, sem):
    wid = lax.axis_index("s") * NC + lax.axis_index("c")
    base = wid * PER_W

    pltpu.sync_copy(pos_hbm, pos_v)

    iota = lax.iota(jnp.int32, LANES)

    def chunk_body(g, _):
        row0 = pl.multiple_of(base + g * CH, CH)

        pltpu.sync_copy(qt_hbm.at[wid * NCHUNK + g], qt_v)

        copies = [
            pltpu.async_copy(
                tbl_hbm.at[qt_v.at[a]],
                rows_v.at[pl.ds(a * G, G)],
                sem,
            )
            for a in range(NG)
        ]
        for c in copies:
            c.wait()

        for a in range(NG):

            def grp_body(b, _, a=a):
                sl = pl.ds(b * LANES, LANES)
                toks = qt_v[NG + a, sl]
                offs = lax.shift_left(
                    lax.bitwise_and(toks, jnp.int32(3)), 5)
                j0 = a * G + b * LANES
                gi = a * GPR + b
                rows16 = j0 + iota
                for c in range(D):
                    val = plsc.load_gather(rows_v, [rows16, offs + c])
                    plsc.store_scatter(
                        out_v, [rows16, jnp.full((LANES,), c, jnp.int32)],
                        val + pos_v[gi, pl.ds(c * LANES, LANES)])
                return _

            lax.fori_loop(0, GPR, grp_body, None)

        pltpu.sync_copy(out_v, out_hbm.at[pl.ds(row0, CH)])
        return _

    lax.fori_loop(0, NCHUNK, chunk_body, None)


@jax.jit
def _emb_lookup(qt3d, tbl128, pos_table):
    mesh = plsc.VectorSubcoreMesh(core_axis_name="c", subcore_axis_name="s")
    fn = pl.kernel(
        _emb_body,
        mesh=mesh,
        compiler_params=pltpu.CompilerParams(needs_layout_passes=False),
        out_type=jax.ShapeDtypeStruct((FLAT, D), jnp.float32),
        scratch_types=[
            pltpu.VMEM((2 * NG, G), jnp.int32),
            pltpu.VMEM((CH, 128), jnp.float32),
            pltpu.VMEM((CH, D), jnp.float32),
            pltpu.VMEM((CH // LANES, D * LANES), jnp.float32),
            pltpu.SemaphoreType.DMA,
        ],
    )
    return fn(qt3d, tbl128, pos_table)


def kernel(inputs, token_table, pos_table):
    flat = inputs.astype(jnp.int32).reshape(FLAT)
    tok3d = flat.reshape(NW * NCHUNK, NG, G)
    q3d = (flat >> 2).reshape(NW * NCHUNK, NG, G)
    qt3d = jnp.concatenate([q3d, tok3d], axis=1)
    tbl128 = (token_table * SCALE).reshape(VROWS, 128)
    p_idx = (LANES * jnp.arange(CH // LANES)[:, None]
             + jnp.arange(LANES)[None, :]) % SEQ
    pos_w = pos_table[p_idx, :].transpose(0, 2, 1).reshape(
        CH // LANES, D * LANES)
    out = _emb_lookup(qt3d, tbl128, pos_w)
    return out.reshape(BATCH, SEQ, D)

# --- scband reference (transcript-rebuilt; emitter-appended) ---
"""Pipeline reference for scband-positional-embedding-15977278341418 (READ-ONLY COPY).

The authoritative reference and input builder live on the scoring server;
editing this copy changes nothing except your own understanding.
"""

import jax, jax.numpy as jnp
import numpy as np

SEQ_LEN = 200
VOCAB = 1000000
EMBED_DIM = 32
BATCH = 4096


def setup_inputs(seed: int = 0) -> dict:
    key = jax.random.key(seed)
    k1, k2, k3 = jax.random.split(key, 3)
    inputs = jax.random.randint(k1, (BATCH, SEQ_LEN), 0, VOCAB, dtype=jnp.int64 if jax.config.jax_enable_x64 else jnp.int32)
    token_table = jax.random.normal(k2, (VOCAB, EMBED_DIM), dtype=jnp.float32) * 0.02
    pos_table = jax.random.normal(k3, (SEQ_LEN, EMBED_DIM), dtype=jnp.float32) * 0.02
    return {"inputs": inputs, "token_table": token_table, "pos_table": pos_table}


def reference(inputs, token_table, pos_table):
    length = inputs.shape[-1]
    positions = jnp.arange(length)
    embed_scale = jnp.sqrt(jnp.asarray(EMBED_DIM, dtype=jnp.float32))
    embedded_tokens = jnp.take(token_table, inputs, axis=0)
    embedded_tokens = embedded_tokens * embed_scale
    embedded_positions = jnp.take(pos_table, positions, axis=0)
    return embedded_tokens + embedded_positions

if __name__ == "__main__":
    import jax
    _d = setup_inputs()
    print(jax.jit(kernel)(*tuple(_d.values())))

</pallas_src>

<mosaic_0001>
#map = affine_map<(d0, d1) -> (0, 0, 0)>
#map1 = affine_map<(d0, d1) -> (0, 0)>
module attributes {stable_mosaic.version = 14 : i64} {
  func.func @_emb_body(%arg0: i32, %arg1: i32, %arg2: memref<2048x10x80xi32, #tpu.memory_space<hbm>>, %arg3: memref<250000x128xf32, #tpu.memory_space<hbm>>, %arg4: memref<25x512xf32, #tpu.memory_space<hbm>>, %arg5: memref<819200x32xf32, #tpu.memory_space<hbm>>, %arg6: memref<10x80xi32, #tpu.memory_space<vmem>>, %arg7: memref<400x128xf32, #tpu.memory_space<vmem>>, %arg8: memref<400x32xf32, #tpu.memory_space<vmem>>, %arg9: memref<25x512xf32, #tpu.memory_space<vmem>>, %arg10: memref<!tpu.dma_semaphore, #tpu.memory_space<semaphore_mem>>) attributes {dimension_semantics = [#tpu.dimension_semantics<core_parallel>, #tpu.dimension_semantics<subcore_parallel>], iteration_bounds = array<i64: 2, 16>, scalar_prefetch = 0 : i64, scratch_operands = 5 : i64, tpu.core_type = #tpu.core_type<sc_vector_subcore>, window_params = [{transform_indices = #map}, {transform_indices = #map1}, {transform_indices = #map1}, {transform_indices = #map1}]} {
    %mul3A = arith.constant 2 : i32
    %mul3A_0 = arith.muli %arg1, %mul3A : i32
    %add3A = arith.addi %mul3A_0, %arg0 : i32
    %mul3A_1 = arith.constant 25600 : i32
    %mul3A_2 = arith.muli %add3A, %mul3A_1 : i32
    "tpu.region"() ({
      %run_scoped3A = tpu.sem_alloc : memref<!tpu.dma_semaphore, #tpu.memory_space<semaphore_mem>>
      tpu.enqueue_dma source(%arg4 : memref<25x512xf32, #tpu.memory_space<hbm>>) target(%arg9 : memref<25x512xf32, #tpu.memory_space<vmem>>) target_semaphore(%run_scoped3A : memref<!tpu.dma_semaphore, #tpu.memory_space<semaphore_mem>>)
      tpu.wait_dma2 semaphore(%run_scoped3A : memref<!tpu.dma_semaphore, #tpu.memory_space<semaphore_mem>>) src(%arg4 : memref<25x512xf32, #tpu.memory_space<hbm>>) dst(%arg9 : memref<25x512xf32, #tpu.memory_space<vmem>>)
      tpu.yield
    }) : () -> ()
    %iota3A = tpu.iota {dimensions = array<i32: 0>} : vector<16xi32>
    %scan3A = arith.constant 0 : i32
    %scan3A_3 = arith.constant 64 : i32
    %scan3A_4 = arith.addi %scan3A, %scan3A_3 : i32
    %scan3A_5 = arith.constant 1 : i32
    scf.for %scan3A_7 = %scan3A to %scan3A_4 step %scan3A_5  : i32 {
      %mul3A_8 = arith.constant 400 : i32
      %mul3A_9 = arith.muli %scan3A_7, %mul3A_8 : i32
      %add3A_10 = arith.addi %mul3A_2, %mul3A_9 : i32
      %multiple_of3A = tpu.assume_multiple %add3A_10, 400 : i32
      %mul3A_11 = arith.constant 64 : i32
      %mul3A_12 = arith.muli %add3A, %mul3A_11 : i32
      %add3A_13 = arith.addi %mul3A_12, %scan3A_7 : i32
      "tpu.region"() ({
        %run_scoped3A = tpu.sem_alloc : memref<!tpu.dma_semaphore, #tpu.memory_space<semaphore_mem>>
        %dma_start3A_137 = arith.constant 0 : i32
        %dma_start3A_138 = arith.constant 0 : i32
        %dma_start3A_139 = tpu.memref_slice %arg2[%add3A_13, %dma_start3A_137, %dma_start3A_138] : memref<2048x10x80xi32, #tpu.memory_space<hbm>> -> memref<1x10x80xi32, #tpu.memory_space<hbm>>
        %dma_start3A_140 = tpu.memref_squeeze %dma_start3A_139 : memref<1x10x80xi32, #tpu.memory_space<hbm>> -> memref<10x80xi32, #tpu.memory_space<hbm>>
        %dma_start3A_141 = arith.constant 0 : i32
        %dma_start3A_142 = arith.constant 0 : i32
        %dma_start3A_143 = tpu.memref_slice %arg2[%add3A_13, %dma_start3A_141, %dma_start3A_142] : memref<2048x10x80xi32, #tpu.memory_space<hbm>> -> memref<1x10x80xi32, #tpu.memory_space<hbm>>
        %dma_start3A_144 = tpu.memref_squeeze %dma_start3A_143 : memref<1x10x80xi32, #tpu.memory_space<hbm>> -> memref<10x80xi32, #tpu.memory_space<hbm>>
        tpu.enqueue_dma source(%dma_start3A_144 : memref<10x80xi32, #tpu.memory_space<hbm>>) target(%arg6 : memref<10x80xi32, #tpu.memory_space<vmem>>) target_semaphore(%run_scoped3A : memref<!tpu.dma_semaphore, #tpu.memory_space<semaphore_mem>>)
        %dma_wait3A_145 = arith.constant 0 : i32
        %dma_wait3A_146 = arith.constant 0 : i32
        %dma_wait3A_147 = tpu.memref_slice %arg2[%add3A_13, %dma_wait3A_145, %dma_wait3A_146] : memref<2048x10x80xi32, #tpu.memory_space<hbm>> -> memref<1x10x80xi32, #tpu.memory_space<hbm>>
        %dma_wait3A_148 = tpu.memref_squeeze %dma_wait3A_147 : memref<1x10x80xi32, #tpu.memory_space<hbm>> -> memref<10x80xi32, #tpu.memory_space<hbm>>
        %dma_wait3A_149 = arith.constant 0 : i32
        %dma_wait3A_150 = arith.constant 0 : i32
        %dma_wait3A_151 = tpu.memref_slice %arg2[%add3A_13, %dma_wait3A_149, %dma_wait3A_150] : memref<2048x10x80xi32, #tpu.memory_space<hbm>> -> memref<1x10x80xi32, #tpu.memory_space<hbm>>
        %dma_wait3A_152 = tpu.memref_squeeze %dma_wait3A_151 : memref<1x10x80xi32, #tpu.memory_space<hbm>> -> memref<10x80xi32, #tpu.memory_space<hbm>>
        tpu.wait_dma2 semaphore(%run_scoped3A : memref<!tpu.dma_semaphore, #tpu.memory_space<semaphore_mem>>) src(%dma_wait3A_152 : memref<10x80xi32, #tpu.memory_space<hbm>>) dst(%arg6 : memref<10x80xi32, #tpu.memory_space<vmem>>)
        tpu.yield
      }) : () -> ()
      %dma_start3A = arith.constant 0 : i32
      %dma_start3A_14 = arith.constant 0 : i32
      %dma_start3A_15 = arith.constant 0 : i32
      %dma_start3A_16 = tpu.memref_slice %arg7[%dma_start3A_14, %dma_start3A_15] : memref<400x128xf32, #tpu.memory_space<vmem>> -> memref<80x128xf32, #tpu.memory_space<vmem>>
      %dma_start3A_17 = arith.constant 0 : i32
      %dma_start3A_18 = tpu.memref_slice %arg6[%dma_start3A, %dma_start3A_17] : memref<10x80xi32, #tpu.memory_space<vmem>> -> memref<1x80xi32, #tpu.memory_space<vmem>>
      %dma_start3A_19 = tpu.memref_squeeze %dma_start3A_18 : memref<1x80xi32, #tpu.memory_space<vmem>> -> memref<80xi32, #tpu.memory_space<vmem>>
      %dma_start3A_20 = arith.constant 0 : i32
      %dma_start3A_21 = arith.constant 0 : i32
      %dma_start3A_22 = tpu.memref_slice %arg3[%dma_start3A_20, %dma_start3A_21] : memref<250000x128xf32, #tpu.memory_space<hbm>> -> memref<250000x128xf32, #tpu.memory_space<hbm>>
      tpu.enqueue_indirect_dma source(%dma_start3A_22 : memref<250000x128xf32, #tpu.memory_space<hbm>>) target(%dma_start3A_16 : memref<80x128xf32, #tpu.memory_space<vmem>>) offsets(%dma_start3A_19 : memref<80xi32, #tpu.memory_space<vmem>>) semaphore(%arg10 : memref<!tpu.dma_semaphore, #tpu.memory_space<semaphore_mem>>)
      %dma_start3A_23 = arith.constant 1 : i32
      %dma_start3A_24 = arith.constant 80 : i32
      %dma_start3A_25 = arith.constant 0 : i32
      %dma_start3A_26 = tpu.memref_slice %arg7[%dma_start3A_24, %dma_start3A_25] : memref<400x128xf32, #tpu.memory_space<vmem>> -> memref<80x128xf32, #tpu.memory_space<vmem>>
      %dma_start3A_27 = arith.constant 0 : i32
      %dma_start3A_28 = tpu.memref_slice %arg6[%dma_start3A_23, %dma_start3A_27] : memref<10x80xi32, #tpu.memory_space<vmem>> -> memref<1x80xi32, #tpu.memory_space<vmem>>
      %dma_start3A_29 = tpu.memref_squeeze %dma_start3A_28 : memref<1x80xi32, #tpu.memory_space<vmem>> -> memref<80xi32, #tpu.memory_space<vmem>>
      %dma_start3A_30 = arith.constant 0 : i32
      %dma_start3A_31 = arith.constant 0 : i32
      %dma_start3A_32 = tpu.memref_slice %arg3[%dma_start3A_30, %dma_start3A_31] : memref<250000x128xf32, #tpu.memory_space<hbm>> -> memref<250000x128xf32, #tpu.memory_space<hbm>>
      tpu.enqueue_indirect_dma source(%dma_start3A_32 : memref<250000x128xf32, #tpu.memory_space<hbm>>) target(%dma_start3A_26 : memref<80x128xf32, #tpu.memory_space<vmem>>) offsets(%dma_start3A_29 : memref<80xi32, #tpu.memory_space<vmem>>) semaphore(%arg10 : memref<!tpu.dma_semaphore, #tpu.memory_space<semaphore_mem>>)
      %dma_start3A_33 = arith.constant 2 : i32
      %dma_start3A_34 = arith.constant 160 : i32
      %dma_start3A_35 = arith.constant 0 : i32
      %dma_start3A_36 = tpu.memref_slice %arg7[%dma_start3A_34, %dma_start3A_35] : memref<400x128xf32, #tpu.memory_space<vmem>> -> memref<80x128xf32, #tpu.memory_space<vmem>>
      %dma_start3A_37 = arith.constant 0 : i32
      %dma_start3A_38 = tpu.memref_slice %arg6[%dma_start3A_33, %dma_start3A_37] : memref<10x80xi32, #tpu.memory_space<vmem>> -> memref<1x80xi32, #tpu.memory_space<vmem>>
      %dma_start3A_39 = tpu.memref_squeeze %dma_start3A_38 : memref<1x80xi32, #tpu.memory_space<vmem>> -> memref<80xi32, #tpu.memory_space<vmem>>
      %dma_start3A_40 = arith.constant 0 : i32
      %dma_start3A_41 = arith.constant 0 : i32
      %dma_start3A_42 = tpu.memref_slice %arg3[%dma_start3A_40, %dma_start3A_41] : memref<250000x128xf32, #tpu.memory_space<hbm>> -> memref<250000x128xf32, #tpu.memory_space<hbm>>
      tpu.enqueue_indirect_dma source(%dma_start3A_42 : memref<250000x128xf32, #tpu.memory_space<hbm>>) target(%dma_start3A_36 : memref<80x128xf32, #tpu.memory_space<vmem>>) offsets(%dma_start3A_39 : memref<80xi32, #tpu.memory_space<vmem>>) semaphore(%arg10 : memref<!tpu.dma_semaphore, #tpu.memory_space<semaphore_mem>>)
      %dma_start3A_43 = arith.constant 3 : i32
      %dma_start3A_44 = arith.constant 240 : i32
      %dma_start3A_45 = arith.constant 0 : i32
      %dma_start3A_46 = tpu.memref_slice %arg7[%dma_start3A_44, %dma_start3A_45] : memref<400x128xf32, #tpu.memory_space<vmem>> -> memref<80x128xf32, #tpu.memory_space<vmem>>
      %dma_start3A_47 = arith.constant 0 : i32
      %dma_start3A_48 = tpu.memref_slice %arg6[%dma_start3A_43, %dma_start3A_47] : memref<10x80xi32, #tpu.memory_space<vmem>> -> memref<1x80xi32, #tpu.memory_space<vmem>>
      %dma_start3A_49 = tpu.memref_squeeze %dma_start3A_48 : memref<1x80xi32, #tpu.memory_space<vmem>> -> memref<80xi32, #tpu.memory_space<vmem>>
      %dma_start3A_50 = arith.constant 0 : i32
      %dma_start3A_51 = arith.constant 0 : i32
      %dma_start3A_52 = tpu.memref_slice %arg3[%dma_start3A_50, %dma_start3A_51] : memref<250000x128xf32, #tpu.memory_space<hbm>> -> memref<250000x128xf32, #tpu.memory_space<hbm>>
      tpu.enqueue_indirect_dma source(%dma_start3A_52 : memref<250000x128xf32, #tpu.memory_space<hbm>>) target(%dma_start3A_46 : memref<80x128xf32, #tpu.memory_space<vmem>>) offsets(%dma_start3A_49 : memref<80xi32, #tpu.memory_space<vmem>>) semaphore(%arg10 : memref<!tpu.dma_semaphore, #tpu.memory_space<semaphore_mem>>)
      %dma_start3A_53 = arith.constant 4 : i32
      %dma_start3A_54 = arith.constant 320 : i32
      %dma_start3A_55 = arith.constant 0 : i32
      %dma_start3A_56 = tpu.memref_slice %arg7[%dma_start3A_54, %dma_start3A_55] : memref<400x128xf32, #tpu.memory_space<vmem>> -> memref<80x128xf32, #tpu.memory_space<vmem>>
      %dma_start3A_57 = arith.constant 0 : i32
      %dma_start3A_58 = tpu.memref_slice %arg6[%dma_start3A_53, %dma_start3A_57] : memref<10x80xi32, #tpu.memory_space<vmem>> -> memref<1x80xi32, #tpu.memory_space<vmem>>
      %dma_start3A_59 = tpu.memref_squeeze %dma_start3A_58 : memref<1x80xi32, #tpu.memory_space<vmem>> -> memref<80xi32, #tpu.memory_space<vmem>>
      %dma_start3A_60 = arith.constant 0 : i32
      %dma_start3A_61 = arith.constant 0 : i32
      %dma_start3A_62 = tpu.memref_slice %arg3[%dma_start3A_60, %dma_start3A_61] : memref<250000x128xf32, #tpu.memory_space<hbm>> -> memref<250000x128xf32, #tpu.memory_space<hbm>>
      tpu.enqueue_indirect_dma source(%dma_start3A_62 : memref<250000x128xf32, #tpu.memory_space<hbm>>) target(%dma_start3A_56 : memref<80x128xf32, #tpu.memory_space<vmem>>) offsets(%dma_start3A_59 : memref<80xi32, #tpu.memory_space<vmem>>) semaphore(%arg10 : memref<!tpu.dma_semaphore, #tpu.memory_space<semaphore_mem>>)
      %dma_wait3A = arith.constant 0 : i32
      %dma_wait3A_63 = arith.constant 0 : i32
      %dma_wait3A_64 = arith.constant 0 : i32
      %dma_wait3A_65 = tpu.memref_slice %arg7[%dma_wait3A_63, %dma_wait3A_64] : memref<400x128xf32, #tpu.memory_space<vmem>> -> memref<80x128xf32, #tpu.memory_space<vmem>>
      %dma_wait3A_66 = arith.constant 0 : i32
      %dma_wait3A_67 = tpu.memref_slice %arg6[%dma_wait3A, %dma_wait3A_66] : memref<10x80xi32, #tpu.memory_space<vmem>> -> memref<1x80xi32, #tpu.memory_space<vmem>>
      %dma_wait3A_68 = tpu.memref_squeeze %dma_wait3A_67 : memref<1x80xi32, #tpu.memory_space<vmem>> -> memref<80xi32, #tpu.memory_space<vmem>>
      %dma_wait3A_69 = arith.constant 0 : i32
      %dma_wait3A_70 = arith.constant 0 : i32
      %dma_wait3A_71 = tpu.memref_slice %arg3[%dma_wait3A_69, %dma_wait3A_70] : memref<250000x128xf32, #tpu.memory_space<hbm>> -> memref<250000x128xf32, #tpu.memory_space<hbm>>
      tpu.wait_indirect_dma semaphore(%arg10 : memref<!tpu.dma_semaphore, #tpu.memory_space<semaphore_mem>>) src(%dma_wait3A_71 : memref<250000x128xf32, #tpu.memory_space<hbm>>) dst(%dma_wait3A_65 : memref<80x128xf32, #tpu.memory_space<vmem>>)
      %dma_wait3A_72 = arith.constant 1 : i32
      %dma_wait3A_73 = arith.constant 80 : i32
      %dma_wait3A_74 = arith.constant 0 : i32
      %dma_wait3A_75 = tpu.memref_slice %arg7[%dma_wait3A_73, %dma_wait3A_74] : memref<400x128xf32, #tpu.memory_space<vmem>> -> memref<80x128xf32, #tpu.memory_space<vmem>>
      %dma_wait3A_76 = arith.constant 0 : i32
      %dma_wait3A_77 = tpu.memref_slice %arg6[%dma_wait3A_72, %dma_wait3A_76] : memref<10x80xi32, #tpu.memory_space<vmem>> -> memref<1x80xi32, #tpu.memory_space<vmem>>
      %dma_wait3A_78 = tpu.memref_squeeze %dma_wait3A_77 : memref<1x80xi32, #tpu.memory_space<vmem>> -> memref<80xi32, #tpu.memory_space<vmem>>
      %dma_wait3A_79 = arith.constant 0 : i32
      %dma_wait3A_80 = arith.constant 0 : i32
      %dma_wait3A_81 = tpu.memref_slice %arg3[%dma_wait3A_79, %dma_wait3A_80] : memref<250000x128xf32, #tpu.memory_space<hbm>> -> memref<250000x128xf32, #tpu.memory_space<hbm>>
      tpu.wait_indirect_dma semaphore(%arg10 : memref<!tpu.dma_semaphore, #tpu.memory_space<semaphore_mem>>) src(%dma_wait3A_81 : memref<250000x128xf32, #tpu.memory_space<hbm>>) dst(%dma_wait3A_75 : memref<80x128xf32, #tpu.memory_space<vmem>>)
      %dma_wait3A_82 = arith.constant 2 : i32
      %dma_wait3A_83 = arith.constant 160 : i32
      %dma_wait3A_84 = arith.constant 0 : i32
      %dma_wait3A_85 = tpu.memref_slice %arg7[%dma_wait3A_83, %dma_wait3A_84] : memref<400x128xf32, #tpu.memory_space<vmem>> -> memref<80x128xf32, #tpu.memory_space<vmem>>
      %dma_wait3A_86 = arith.constant 0 : i32
      %dma_wait3A_87 = tpu.memref_slice %arg6[%dma_wait3A_82, %dma_wait3A_86] : memref<10x80xi32, #tpu.memory_space<vmem>> -> memref<1x80xi32, #tpu.memory_space<vmem>>
      %dma_wait3A_88 = tpu.memref_squeeze %dma_wait3A_87 : memref<1x80xi32, #tpu.memory_space<vmem>> -> memref<80xi32, #tpu.memory_space<vmem>>
      %dma_wait3A_89 = arith.constant 0 : i32
      %dma_wait3A_90 = arith.constant 0 : i32
      %dma_wait3A_91 = tpu.memref_slice %arg3[%dma_wait3A_89, %dma_wait3A_90] : memref<250000x128xf32, #tpu.memory_space<hbm>> -> memref<250000x128xf32, #tpu.memory_space<hbm>>
      tpu.wait_indirect_dma semaphore(%arg10 : memref<!tpu.dma_semaphore, #tpu.memory_space<semaphore_mem>>) src(%dma_wait3A_91 : memref<250000x128xf32, #tpu.memory_space<hbm>>) dst(%dma_wait3A_85 : memref<80x128xf32, #tpu.memory_space<vmem>>)
      %dma_wait3A_92 = arith.constant 3 : i32
      %dma_wait3A_93 = arith.constant 240 : i32
      %dma_wait3A_94 = arith.constant 0 : i32
      %dma_wait3A_95 = tpu.memref_slice %arg7[%dma_wait3A_93, %dma_wait3A_94] : memref<400x128xf32, #tpu.memory_space<vmem>> -> memref<80x128xf32, #tpu.memory_space<vmem>>
      %dma_wait3A_96 = arith.constant 0 : i32
      %dma_wait3A_97 = tpu.memref_slice %arg6[%dma_wait3A_92, %dma_wait3A_96] : memref<10x80xi32, #tpu.memory_space<vmem>> -> memref<1x80xi32, #tpu.memory_space<vmem>>
      %dma_wait3A_98 = tpu.memref_squeeze %dma_wait3A_97 : memref<1x80xi32, #tpu.memory_space<vmem>> -> memref<80xi32, #tpu.memory_space<vmem>>
      %dma_wait3A_99 = arith.constant 0 : i32
      %dma_wait3A_100 = arith.constant 0 : i32
      %dma_wait3A_101 = tpu.memref_slice %arg3[%dma_wait3A_99, %dma_wait3A_100] : memref<250000x128xf32, #tpu.memory_space<hbm>> -> memref<250000x128xf32, #tpu.memory_space<hbm>>
      tpu.wait_indirect_dma semaphore(%arg10 : memref<!tpu.dma_semaphore, #tpu.memory_space<semaphore_mem>>) src(%dma_wait3A_101 : memref<250000x128xf32, #tpu.memory_space<hbm>>) dst(%dma_wait3A_95 : memref<80x128xf32, #tpu.memory_space<vmem>>)
      %dma_wait3A_102 = arith.constant 4 : i32
      %dma_wait3A_103 = arith.constant 320 : i32
      %dma_wait3A_104 = arith.constant 0 : i32
      %dma_wait3A_105 = tpu.memref_slice %arg7[%dma_wait3A_103, %dma_wait3A_104] : memref<400x128xf32, #tpu.memory_space<vmem>> -> memref<80x128xf32, #tpu.memory_space<vmem>>
      %dma_wait3A_106 = arith.constant 0 : i32
      %dma_wait3A_107 = tpu.memref_slice %arg6[%dma_wait3A_102, %dma_wait3A_106] : memref<10x80xi32, #tpu.memory_space<vmem>> -> memref<1x80xi32, #tpu.memory_space<vmem>>
      %dma_wait3A_108 = tpu.memref_squeeze %dma_wait3A_107 : memref<1x80xi32, #tpu.memory_space<vmem>> -> memref<80xi32, #tpu.memory_space<vmem>>
      %dma_wait3A_109 = arith.constant 0 : i32
      %dma_wait3A_110 = arith.constant 0 : i32
      %dma_wait3A_111 = tpu.memref_slice %arg3[%dma_wait3A_109, %dma_wait3A_110] : memref<250000x128xf32, #tpu.memory_space<hbm>> -> memref<250000x128xf32, #tpu.memory_space<hbm>>
      tpu.wait_indirect_dma semaphore(%arg10 : memref<!tpu.dma_semaphore, #tpu.memory_space<semaphore_mem>>) src(%dma_wait3A_111 : memref<250000x128xf32, #tpu.memory_space<hbm>>) dst(%dma_wait3A_105 : memref<80x128xf32, #tpu.memory_space<vmem>>)
      %scan3A_112 = arith.constant 0 : i32
      %scan3A_113 = arith.constant 5 : i32
      %scan3A_114 = arith.addi %scan3A_112, %scan3A_113 : i32
      %scan3A_115 = arith.constant 1 : i32
      scf.for %scan3A_137 = %scan3A_112 to %scan3A_114 step %scan3A_115  : i32 {
        %mul3A_138 = arith.constant 16 : i32
        %mul3A_139 = arith.muli %scan3A_137, %mul3A_138 : i32
        %get3A = arith.constant 5 : i32
        %get3A_140 = arith.index_cast %get3A : i32 to index
        %get3A_141 = arith.index_cast %mul3A_139 : i32 to index
        %get3A_142 = tpu.vector_load %arg6[%get3A_140, %get3A_141] {strides = array<i32>} : memref<10x80xi32, #tpu.memory_space<vmem>>, vector<16xi32>,
        %and3A = arith.constant 3 : i32
        %and3A_143 = vector.broadcast %and3A : i32 to vector<16xi32>
        %and3A_144 = arith.andi %get3A_142, %and3A_143 : vector<16xi32>
        %shift_left3A = arith.constant 5 : i32
        %shift_left3A_145 = vector.broadcast %shift_left3A : i32 to vector<16xi32>
        %shift_left3A_146 = arith.shli %and3A_144, %shift_left3A_145 : vector<16xi32>
        %mul3A_147 = arith.constant 16 : i32
        %mul3A_148 = arith.muli %scan3A_137, %mul3A_147 : i32
        %add3A_149 = arith.constant 0 : i32
        %add3A_150 = arith.addi %add3A_149, %mul3A_148 : i32
        %add3A_151 = arith.constant 0 : i32
        %add3A_152 = arith.addi %add3A_151, %scan3A_137 : i32
        %add3A_153 = vector.broadcast %add3A_150 : i32 to vector<16xi32>
        %add3A_154 = arith.addi %add3A_153, %iota3A : vector<16xi32>
        %add3A_155 = arith.constant 0 : i32
        %add3A_156 = vector.broadcast %add3A_155 : i32 to vector<16xi32>
        %add3A_157 = arith.addi %shift_left3A_146, %add3A_156 : vector<16xi32>
        %gather3A = tpu.vector_load_idx %arg7[%add3A_154, %add3A_157] : memref<400x128xf32, #tpu.memory_space<vmem>>[vector<16xi32>, vector<16xi32>], vector<16xf32>,
        %broadcast_in_dim3A = arith.constant 0 : i32
        %broadcast_in_dim3A_158 = vector.broadcast %broadcast_in_dim3A : i32 to vector<16xi32>
        %get3A_159 = arith.index_cast %add3A_152 : i32 to index
        %get3A_160 = arith.constant 0 : index
        %get3A_161 = tpu.vector_load %arg9[%get3A_159, %get3A_160] {strides = array<i32>} : memref<25x512xf32, #tpu.memory_space<vmem>>, vector<16xf32>,
        %add3A_162 = arith.addf %gather3A, %get3A_161 : vector<16xf32>
        tpu.vector_store_idx %arg8[%add3A_154, %broadcast_in_dim3A_158], %add3A_162 : memref<400x32xf32, #tpu.memory_space<vmem>>[vector<16xi32>, vector<16xi32>], vector<16xf32>,
        %add3A_163 = arith.constant 1 : i32
        %add3A_164 = vector.broadcast %add3A_163 : i32 to vector<16xi32>
        %add3A_165 = arith.addi %shift_left3A_146, %add3A_164 : vector<16xi32>
        %gather3A_166 = tpu.vector_load_idx %arg7[%add3A_154, %add3A_165] : memref<400x128xf32, #tpu.memory_space<vmem>>[vector<16xi32>, vector<16xi32>], vector<16xf32>,
        %broadcast_in_dim3A_167 = arith.constant 1 : i32
        %broadcast_in_dim3A_168 = vector.broadcast %broadcast_in_dim3A_167 : i32 to vector<16xi32>
        %get3A_169 = arith.index_cast %add3A_152 : i32 to index
        %get3A_170 = arith.constant 16 : index
        %get3A_171 = tpu.vector_load %arg9[%get3A_169, %get3A_170] {strides = array<i32>} : memref<25x512xf32, #tpu.memory_space<vmem>>, vector<16xf32>,
        %add3A_172 = arith.addf %gather3A_166, %get3A_171 : vector<16xf32>
        tpu.vector_store_idx %arg8[%add3A_154, %broadcast_in_dim3A_168], %add3A_172 : memref<400x32xf32, #tpu.memory_space<vmem>>[vector<16xi32>, vector<16xi32>], vector<16xf32>,
        %add3A_173 = arith.constant 2 : i32
        %add3A_174 = vector.broadcast %add3A_173 : i32 to vector<16xi32>
        %add3A_175 = arith.addi %shift_left3A_146, %add3A_174 : vector<16xi32>
        %gather3A_176 = tpu.vector_load_idx %arg7[%add3A_154, %add3A_175] : memref<400x128xf32, #tpu.memory_space<vmem>>[vector<16xi32>, vector<16xi32>], vector<16xf32>,
        %broadcast_in_dim3A_177 = arith.constant 2 : i32
        %broadcast_in_dim3A_178 = vector.broadcast %broadcast_in_dim3A_177 : i32 to vector<16xi32>
        %get3A_179 = arith.index_cast %add3A_152 : i32 to index
        %get3A_180 = arith.constant 32 : index
        %get3A_181 = tpu.vector_load %arg9[%get3A_179, %get3A_180] {strides = array<i32>} : memref<25x512xf32, #tpu.memory_space<vmem>>, vector<16xf32>,
        %add3A_182 = arith.addf %gather3A_176, %get3A_181 : vector<16xf32>
        tpu.vector_store_idx %arg8[%add3A_154, %broadcast_in_dim3A_178], %add3A_182 : memref<400x32xf32, #tpu.memory_space<vmem>>[vector<16xi32>, vector<16xi32>], vector<16xf32>,
        %add3A_183 = arith.constant 3 : i32
        %add3A_184 = vector.broadcast %add3A_183 : i32 to vector<16xi32>
        %add3A_185 = arith.addi %shift_left3A_146, %add3A_184 : vector<16xi32>
        %gather3A_186 = tpu.vector_load_idx %arg7[%add3A_154, %add3A_185] : memref<400x128xf32, #tpu.memory_space<vmem>>[vector<16xi32>, vector<16xi32>], vector<16xf32>,
        %broadcast_in_dim3A_187 = arith.constant 3 : i32
        %broadcast_in_dim3A_188 = vector.broadcast %broadcast_in_dim3A_187 : i32 to vector<16xi32>
        %get3A_189 = arith.index_cast %add3A_152 : i32 to index
        %get3A_190 = arith.constant 48 : index
        %get3A_191 = tpu.vector_load %arg9[%get3A_189, %get3A_190] {strides = array<i32>} : memref<25x512xf32, #tpu.memory_space<vmem>>, vector<16xf32>,
        %add3A_192 = arith.addf %gather3A_186, %get3A_191 : vector<16xf32>
        tpu.vector_store_idx %arg8[%add3A_154, %broadcast_in_dim3A_188], %add3A_192 : memref<400x32xf32, #tpu.memory_space<vmem>>[vector<16xi32>, vector<16xi32>], vector<16xf32>,
        %add3A_193 = arith.constant 4 : i32
        %add3A_194 = vector.broadcast %add3A_193 : i32 to vector<16xi32>
        %add3A_195 = arith.addi %shift_left3A_146, %add3A_194 : vector<16xi32>
        %gather3A_196 = tpu.vector_load_idx %arg7[%add3A_154, %add3A_195] : memref<400x128xf32, #tpu.memory_space<vmem>>[vector<16xi32>, vector<16xi32>], vector<16xf32>,
        %broadcast_in_dim3A_197 = arith.constant 4 : i32
        %broadcast_in_dim3A_198 = vector.broadcast %broadcast_in_dim3A_197 : i32 to vector<16xi32>
        %get3A_199 = arith.index_cast %add3A_152 : i32 to index
        %get3A_200 = arith.constant 64 : index
        %get3A_201 = tpu.vector_load %arg9[%get3A_199, %get3A_200] {strides = array<i32>} : memref<25x512xf32, #tpu.memory_space<vmem>>, vector<16xf32>,
        %add3A_202 = arith.addf %gather3A_196, %get3A_201 : vector<16xf32>
        tpu.vector_store_idx %arg8[%add3A_154, %broadcast_in_dim3A_198], %add3A_202 : memref<400x32xf32, #tpu.memory_space<vmem>>[vector<16xi32>, vector<16xi32>], vector<16xf32>,
        %add3A_203 = arith.constant 5 : i32
        %add3A_204 = vector.broadcast %add3A_203 : i32 to vector<16xi32>
        %add3A_205 = arith.addi %shift_left3A_146, %add3A_204 : vector<16xi32>
        %gather3A_206 = tpu.vector_load_idx %arg7[%add3A_154, %add3A_205] : memref<400x128xf32, #tpu.memory_space<vmem>>[vector<16xi32>, vector<16xi32>], vector<16xf32>,
        %broadcast_in_dim3A_207 = arith.constant 5 : i32
        %broadcast_in_dim3A_208 = vector.broadcast %broadcast_in_dim3A_207 : i32 to vector<16xi32>
        %get3A_209 = arith.index_cast %add3A_152 : i32 to index
        %get3A_210 = arith.constant 80 : index
        %get3A_211 = tpu.vector_load %arg9[%get3A_209, %get3A_210] {strides = array<i32>} : memref<25x512xf32, #tpu.memory_space<vmem>>, vector<16xf32>,
        %add3A_212 = arith.addf %gather3A_206, %get3A_211 : vector<16xf32>
        tpu.vector_store_idx %arg8[%add3A_154, %broadcast_in_dim3A_208], %add3A_212 : memref<400x32xf32, #tpu.memory_space<vmem>>[vector<16xi32>, vector<16xi32>], vector<16xf32>,
        %add3A_213 = arith.constant 6 : i32
        %add3A_214 = vector.broadcast %add3A_213 : i32 to vector<16xi32>
        %add3A_215 = arith.addi %shift_left3A_146, %add3A_214 : vector<16xi32>
        %gather3A_216 = tpu.vector_load_idx %arg7[%add3A_154, %add3A_215] : memref<400x128xf32, #tpu.memory_space<vmem>>[vector<16xi32>, vector<16xi32>], vector<16xf32>,
        %broadcast_in_dim3A_217 = arith.constant 6 : i32
        %broadcast_in_dim3A_218 = vector.broadcast %broadcast_in_dim3A_217 : i32 to vector<16xi32>
        %get3A_219 = arith.index_cast %add3A_152 : i32 to index
        %get3A_220 = arith.constant 96 : index
        %get3A_221 = tpu.vector_load %arg9[%get3A_219, %get3A_220] {strides = array<i32>} : memref<25x512xf32, #tpu.memory_space<vmem>>, vector<16xf32>,
        %add3A_222 = arith.addf %gather3A_216, %get3A_221 : vector<16xf32>
        tpu.vector_store_idx %arg8[%add3A_154, %broadcast_in_dim3A_218], %add3A_222 : memref<400x32xf32, #tpu.memory_space<vmem>>[vector<16xi32>, vector<16xi32>], vector<16xf32>,
        %add3A_223 = arith.constant 7 : i32
        %add3A_224 = vector.broadcast %add3A_223 : i32 to vector<16xi32>
        %add3A_225 = arith.addi %shift_left3A_146, %add3A_224 : vector<16xi32>
        %gather3A_226 = tpu.vector_load_idx %arg7[%add3A_154, %add3A_225] : memref<400x128xf32, #tpu.memory_space<vmem>>[vector<16xi32>, vector<16xi32>], vector<16xf32>,
        %broadcast_in_dim3A_227 = arith.constant 7 : i32
        %broadcast_in_dim3A_228 = vector.broadcast %broadcast_in_dim3A_227 : i32 to vector<16xi32>
        %get3A_229 = arith.index_cast %add3A_152 : i32 to index
        %get3A_230 = arith.constant 112 : index
        %get3A_231 = tpu.vector_load %arg9[%get3A_229, %get3A_230] {strides = array<i32>} : memref<25x512xf32, #tpu.memory_space<vmem>>, vector<16xf32>,
        %add3A_232 = arith.addf %gather3A_226, %get3A_231 : vector<16xf32>
        tpu.vector_store_idx %arg8[%add3A_154, %broadcast_in_dim3A_228], %add3A_232 : memref<400x32xf32, #tpu.memory_space<vmem>>[vector<16xi32>, vector<16xi32>], vector<16xf32>,
        %add3A_233 = arith.constant 8 : i32
        %add3A_234 = vector.broadcast %add3A_233 : i32 to vector<16xi32>
        %add3A_235 = arith.addi %shift_left3A_146, %add3A_234 : vector<16xi32>
        %gather3A_236 = tpu.vector_load_idx %arg7[%add3A_154, %add3A_235] : memref<400x128xf32, #tpu.memory_space<vmem>>[vector<16xi32>, vector<16xi32>], vector<16xf32>,
        %broadcast_in_dim3A_237 = arith.constant 8 : i32
        %broadcast_in_dim3A_238 = vector.broadcast %broadcast_in_dim3A_237 : i32 to vector<16xi32>
        %get3A_239 = arith.index_cast %add3A_152 : i32 to index
        %get3A_240 = arith.constant 128 : index
        %get3A_241 = tpu.vector_load %arg9[%get3A_239, %get3A_240] {strides = array<i32>} : memref<25x512xf32, #tpu.memory_space<vmem>>, vector<16xf32>,
        %add3A_242 = arith.addf %gather3A_236, %get3A_241 : vector<16xf32>
        tpu.vector_store_idx %arg8[%add3A_154, %broadcast_in_dim3A_238], %add3A_242 : memref<400x32xf32, #tpu.memory_space<vmem>>[vector<16xi32>, vector<16xi32>], vector<16xf32>,
        %add3A_243 = arith.constant 9 : i32
        %add3A_244 = vector.broadcast %add3A_243 : i32 to vector<16xi32>
        %add3A_245 = arith.addi %shift_left3A_146, %add3A_244 : vector<16xi32>
        %gather3A_246 = tpu.vector_load_idx %arg7[%add3A_154, %add3A_245] : memref<400x128xf32, #tpu.memory_space<vmem>>[vector<16xi32>, vector<16xi32>], vector<16xf32>,
        %broadcast_in_dim3A_247 = arith.constant 9 : i32
        %broadcast_in_dim3A_248 = vector.broadcast %broadcast_in_dim3A_247 : i32 to vector<16xi32>
        %get3A_249 = arith.index_cast %add3A_152 : i32 to index
        %get3A_250 = arith.constant 144 : index
        %get3A_251 = tpu.vector_load %arg9[%get3A_249, %get3A_250] {strides = array<i32>} : memref<25x512xf32, #tpu.memory_space<vmem>>, vector<16xf32>,
        %add3A_252 = arith.addf %gather3A_246, %get3A_251 : vector<16xf32>
        tpu.vector_store_idx %arg8[%add3A_154, %broadcast_in_dim3A_248], %add3A_252 : memref<400x32xf32, #tpu.memory_space<vmem>>[vector<16xi32>, vector<16xi32>], vector<16xf32>,
        %add3A_253 = arith.constant 10 : i32
        %add3A_254 = vector.broadcast %add3A_253 : i32 to vector<16xi32>
        %add3A_255 = arith.addi %shift_left3A_146, %add3A_254 : vector<16xi32>
        %gather3A_256 = tpu.vector_load_idx %arg7[%add3A_154, %add3A_255] : memref<400x128xf32, #tpu.memory_space<vmem>>[vector<16xi32>, vector<16xi32>], vector<16xf32>,
        %broadcast_in_dim3A_257 = arith.constant 10 : i32
        %broadcast_in_dim3A_258 = vector.broadcast %broadcast_in_dim3A_257 : i32 to vector<16xi32>
        %get3A_259 = arith.index_cast %add3A_152 : i32 to index
        %get3A_260 = arith.constant 160 : index
        %get3A_261 = tpu.vector_load %arg9[%get3A_259, %get3A_260] {strides = array<i32>} : memref<25x512xf32, #tpu.memory_space<vmem>>, vector<16xf32>,
        %add3A_262 = arith.addf %gather3A_256, %get3A_261 : vector<16xf32>
        tpu.vector_store_idx %arg8[%add3A_154, %broadcast_in_dim3A_258], %add3A_262 : memref<400x32xf32, #tpu.memory_space<vmem>>[vector<16xi32>, vector<16xi32>], vector<16xf32>,
        %add3A_263 = arith.constant 11 : i32
        %add3A_264 = vector.broadcast %add3A_263 : i32 to vector<16xi32>
        %add3A_265 = arith.addi %shift_left3A_146, %add3A_264 : vector<16xi32>
        %gather3A_266 = tpu.vector_load_idx %arg7[%add3A_154, %add3A_265] : memref<400x128xf32, #tpu.memory_space<vmem>>[vector<16xi32>, vector<16xi32>], vector<16xf32>,
        %broadcast_in_dim3A_267 = arith.constant 11 : i32
        %broadcast_in_dim3A_268 = vector.broadcast %broadcast_in_dim3A_267 : i32 to vector<16xi32>
        %get3A_269 = arith.index_cast %add3A_152 : i32 to index
        %get3A_270 = arith.constant 176 : index
        %get3A_271 = tpu.vector_load %arg9[%get3A_269, %get3A_270] {strides = array<i32>} : memref<25x512xf32, #tpu.memory_space<vmem>>, vector<16xf32>,
        %add3A_272 = arith.addf %gather3A_266, %get3A_271 : vector<16xf32>
        tpu.vector_store_idx %arg8[%add3A_154, %broadcast_in_dim3A_268], %add3A_272 : memref<400x32xf32, #tpu.memory_space<vmem>>[vector<16xi32>, vector<16xi32>], vector<16xf32>,
        %add3A_273 = arith.constant 12 : i32
        %add3A_274 = vector.broadcast %add3A_273 : i32 to vector<16xi32>
        %add3A_275 = arith.addi %shift_left3A_146, %add3A_274 : vector<16xi32>
        %gather3A_276 = tpu.vector_load_idx %arg7[%add3A_154, %add3A_275] : memref<400x128xf32, #tpu.memory_space<vmem>>[vector<16xi32>, vector<16xi32>], vector<16xf32>,
        %broadcast_in_dim3A_277 = arith.constant 12 : i32
        %broadcast_in_dim3A_278 = vector.broadcast %broadcast_in_dim3A_277 : i32 to vector<16xi32>
        %get3A_279 = arith.index_cast %add3A_152 : i32 to index
        %get3A_280 = arith.constant 192 : index
        %get3A_281 = tpu.vector_load %arg9[%get3A_279, %get3A_280] {strides = array<i32>} : memref<25x512xf32, #tpu.memory_space<vmem>>, vector<16xf32>,
        %add3A_282 = arith.addf %gather3A_276, %get3A_281 : vector<16xf32>
        tpu.vector_store_idx %arg8[%add3A_154, %broadcast_in_dim3A_278], %add3A_282 : memref<400x32xf32, #tpu.memory_space<vmem>>[vector<16xi32>, vector<16xi32>], vector<16xf32>,
        %add3A_283 = arith.constant 13 : i32
        %add3A_284 = vector.broadcast %add3A_283 : i32 to vector<16xi32>
        %add3A_285 = arith.addi %shift_left3A_146, %add3A_284 : vector<16xi32>
        %gather3A_286 = tpu.vector_load_idx %arg7[%add3A_154, %add3A_285] : memref<400x128xf32, #tpu.memory_space<vmem>>[vector<16xi32>, vector<16xi32>], vector<16xf32>,
        %broadcast_in_dim3A_287 = arith.constant 13 : i32
        %broadcast_in_dim3A_288 = vector.broadcast %broadcast_in_dim3A_287 : i32 to vector<16xi32>
        %get3A_289 = arith.index_cast %add3A_152 : i32 to index
        %get3A_290 = arith.constant 208 : index
        %get3A_291 = tpu.vector_load %arg9[%get3A_289, %get3A_290] {strides = array<i32>} : memref<25x512xf32, #tpu.memory_space<vmem>>, vector<16xf32>,
        %add3A_292 = arith.addf %gather3A_286, %get3A_291 : vector<16xf32>
        tpu.vector_store_idx %arg8[%add3A_154, %broadcast_in_dim3A_288], %add3A_292 : memref<400x32xf32, #tpu.memory_space<vmem>>[vector<16xi32>, vector<16xi32>], vector<16xf32>,
        %add3A_293 = arith.constant 14 : i32
        %add3A_294 = vector.broadcast %add3A_293 : i32 to vector<16xi32>
        %add3A_295 = arith.addi %shift_left3A_146, %add3A_294 : vector<16xi32>
        %gather3A_296 = tpu.vector_load_idx %arg7[%add3A_154, %add3A_295] : memref<400x128xf32, #tpu.memory_space<vmem>>[vector<16xi32>, vector<16xi32>], vector<16xf32>,
        %broadcast_in_dim3A_297 = arith.constant 14 : i32
        %broadcast_in_dim3A_298 = vector.broadcast %broadcast_in_dim3A_297 : i32 to vector<16xi32>
        %get3A_299 = arith.index_cast %add3A_152 : i32 to index
        %get3A_300 = arith.constant 224 : index
        %get3A_301 = tpu.vector_load %arg9[%get3A_299, %get3A_300] {strides = array<i32>} : memref<25x512xf32, #tpu.memory_space<vmem>>, vector<16xf32>,
        %add3A_302 = arith.addf %gather3A_296, %get3A_301 : vector<16xf32>
        tpu.vector_store_idx %arg8[%add3A_154, %broadcast_in_dim3A_298], %add3A_302 : memref<400x32xf32, #tpu.memory_space<vmem>>[vector<16xi32>, vector<16xi32>], vector<16xf32>,
        %add3A_303 = arith.constant 15 : i32
        %add3A_304 = vector.broadcast %add3A_303 : i32 to vector<16xi32>
        %add3A_305 = arith.addi %shift_left3A_146, %add3A_304 : vector<16xi32>
        %gather3A_306 = tpu.vector_load_idx %arg7[%add3A_154, %add3A_305] : memref<400x128xf32, #tpu.memory_space<vmem>>[vector<16xi32>, vector<16xi32>], vector<16xf32>,
        %broadcast_in_dim3A_307 = arith.constant 15 : i32
        %broadcast_in_dim3A_308 = vector.broadcast %broadcast_in_dim3A_307 : i32 to vector<16xi32>
        %get3A_309 = arith.index_cast %add3A_152 : i32 to index
        %get3A_310 = arith.constant 240 : index
        %get3A_311 = tpu.vector_load %arg9[%get3A_309, %get3A_310] {strides = array<i32>} : memref<25x512xf32, #tpu.memory_space<vmem>>, vector<16xf32>,
        %add3A_312 = arith.addf %gather3A_306, %get3A_311 : vector<16xf32>
        tpu.vector_store_idx %arg8[%add3A_154, %broadcast_in_dim3A_308], %add3A_312 : memref<400x32xf32, #tpu.memory_space<vmem>>[vector<16xi32>, vector<16xi32>], vector<16xf32>,
        %add3A_313 = arith.constant 16 : i32
        %add3A_314 = vector.broadcast %add3A_313 : i32 to vector<16xi32>
        %add3A_315 = arith.addi %shift_left3A_146, %add3A_314 : vector<16xi32>
        %gather3A_316 = tpu.vector_load_idx %arg7[%add3A_154, %add3A_315] : memref<400x128xf32, #tpu.memory_space<vmem>>[vector<16xi32>, vector<16xi32>], vector<16xf32>,
        %broadcast_in_dim3A_317 = arith.constant 16 : i32
        %broadcast_in_dim3A_318 = vector.broadcast %broadcast_in_dim3A_317 : i32 to vector<16xi32>
        %get3A_319 = arith.index_cast %add3A_152 : i32 to index
        %get3A_320 = arith.constant 256 : index
        %get3A_321 = tpu.vector_load %arg9[%get3A_319, %get3A_320] {strides = array<i32>} : memref<25x512xf32, #tpu.memory_space<vmem>>, vector<16xf32>,
        %add3A_322 = arith.addf %gather3A_316, %get3A_321 : vector<16xf32>
        tpu.vector_store_idx %arg8[%add3A_154, %broadcast_in_dim3A_318], %add3A_322 : memref<400x32xf32, #tpu.memory_space<vmem>>[vector<16xi32>, vector<16xi32>], vector<16xf32>,
        %add3A_323 = arith.constant 17 : i32
        %add3A_324 = vector.broadcast %add3A_323 : i32 to vector<16xi32>
        %add3A_325 = arith.addi %shift_left3A_146, %add3A_324 : vector<16xi32>
        %gather3A_326 = tpu.vector_load_idx %arg7[%add3A_154, %add3A_325] : memref<400x128xf32, #tpu.memory_space<vmem>>[vector<16xi32>, vector<16xi32>], vector<16xf32>,
        %broadcast_in_dim3A_327 = arith.constant 17 : i32
        %broadcast_in_dim3A_328 = vector.broadcast %broadcast_in_dim3A_327 : i32 to vector<16xi32>
        %get3A_329 = arith.index_cast %add3A_152 : i32 to index
        %get3A_330 = arith.constant 272 : index
        %get3A_331 = tpu.vector_load %arg9[%get3A_329, %get3A_330] {strides = array<i32>} : memref<25x512xf32, #tpu.memory_space<vmem>>, vector<16xf32>,
        %add3A_332 = arith.addf %gather3A_326, %get3A_331 : vector<16xf32>
        tpu.vector_store_idx %arg8[%add3A_154, %broadcast_in_dim3A_328], %add3A_332 : memref<400x32xf32, #tpu.memory_space<vmem>>[vector<16xi32>, vector<16xi32>], vector<16xf32>,
        %add3A_333 = arith.constant 18 : i32
        %add3A_334 = vector.broadcast %add3A_333 : i32 to vector<16xi32>
        %add3A_335 = arith.addi %shift_left3A_146, %add3A_334 : vector<16xi32>
        %gather3A_336 = tpu.vector_load_idx %arg7[%add3A_154, %add3A_335] : memref<400x128xf32, #tpu.memory_space<vmem>>[vector<16xi32>, vector<16xi32>], vector<16xf32>,
        %broadcast_in_dim3A_337 = arith.constant 18 : i32
        %broadcast_in_dim3A_338 = vector.broadcast %broadcast_in_dim3A_337 : i32 to vector<16xi32>
        %get3A_339 = arith.index_cast %add3A_152 : i32 to index
        %get3A_340 = arith.constant 288 : index
        %get3A_341 = tpu.vector_load %arg9[%get3A_339, %get3A_340] {strides = array<i32>} : memref<25x512xf32, #tpu.memory_space<vmem>>, vector<16xf32>,
        %add3A_342 = arith.addf %gather3A_336, %get3A_341 : vector<16xf32>
        tpu.vector_store_idx %arg8[%add3A_154, %broadcast_in_dim3A_338], %add3A_342 : memref<400x32xf32, #tpu.memory_space<vmem>>[vector<16xi32>, vector<16xi32>], vector<16xf32>,
        %add3A_343 = arith.constant 19 : i32
        %add3A_344 = vector.broadcast %add3A_343 : i32 to vector<16xi32>
        %add3A_345 = arith.addi %shift_left3A_146, %add3A_344 : vector<16xi32>
        %gather3A_346 = tpu.vector_load_idx %arg7[%add3A_154, %add3A_345] : memref<400x128xf32, #tpu.memory_space<vmem>>[vector<16xi32>, vector<16xi32>], vector<16xf32>,
        %broadcast_in_dim3A_347 = arith.constant 19 : i32
        %broadcast_in_dim3A_348 = vector.broadcast %broadcast_in_dim3A_347 : i32 to vector<16xi32>
        %get3A_349 = arith.index_cast %add3A_152 : i32 to index
        %get3A_350 = arith.constant 304 : index
        %get3A_351 = tpu.vector_load %arg9[%get3A_349, %get3A_350] {strides = array<i32>} : memref<25x512xf32, #tpu.memory_space<vmem>>, vector<16xf32>,
        %add3A_352 = arith.addf %gather3A_346, %get3A_351 : vector<16xf32>
        tpu.vector_store_idx %arg8[%add3A_154, %broadcast_in_dim3A_348], %add3A_352 : memref<400x32xf32, #tpu.memory_space<vmem>>[vector<16xi32>, vector<16xi32>], vector<16xf32>,
        %add3A_353 = arith.constant 20 : i32
        %add3A_354 = vector.broadcast %add3A_353 : i32 to vector<16xi32>
        %add3A_355 = arith.addi %shift_left3A_146, %add3A_354 : vector<16xi32>
        %gather3A_356 = tpu.vector_load_idx %arg7[%add3A_154, %add3A_355] : memref<400x128xf32, #tpu.memory_space<vmem>>[vector<16xi32>, vector<16xi32>], vector<16xf32>,
        %broadcast_in_dim3A_357 = arith.constant 20 : i32
        %broadcast_in_dim3A_358 = vector.broadcast %broadcast_in_dim3A_357 : i32 to vector<16xi32>
        %get3A_359 = arith.index_cast %add3A_152 : i32 to index
        %get3A_360 = arith.constant 320 : index
        %get3A_361 = tpu.vector_load %arg9[%get3A_359, %get3A_360] {strides = array<i32>} : memref<25x512xf32, #tpu.memory_space<vmem>>, vector<16xf32>,
        %add3A_362 = arith.addf %gather3A_356, %get3A_361 : vector<16xf32>
        tpu.vector_store_idx %arg8[%add3A_154, %broadcast_in_dim3A_358], %add3A_362 : memref<400x32xf32, #tpu.memory_space<vmem>>[vector<16xi32>, vector<16xi32>], vector<16xf32>,
        %add3A_363 = arith.constant 21 : i32
        %add3A_364 = vector.broadcast %add3A_363 : i32 to vector<16xi32>
        %add3A_365 = arith.addi %shift_left3A_146, %add3A_364 : vector<16xi32>
        %gather3A_366 = tpu.vector_load_idx %arg7[%add3A_154, %add3A_365] : memref<400x128xf32, #tpu.memory_space<vmem>>[vector<16xi32>, vector<16xi32>], vector<16xf32>,
        %broadcast_in_dim3A_367 = arith.constant 21 : i32
        %broadcast_in_dim3A_368 = vector.broadcast %broadcast_in_dim3A_367 : i32 to vector<16xi32>
        %get3A_369 = arith.index_cast %add3A_152 : i32 to index
        %get3A_370 = arith.constant 336 : index
        %get3A_371 = tpu.vector_load %arg9[%get3A_369, %get3A_370] {strides = array<i32>} : memref<25x512xf32, #tpu.memory_space<vmem>>, vector<16xf32>,
        %add3A_372 = arith.addf %gather3A_366, %get3A_371 : vector<16xf32>
        tpu.vector_store_idx %arg8[%add3A_154, %broadcast_in_dim3A_368], %add3A_372 : memref<400x32xf32, #tpu.memory_space<vmem>>[vector<16xi32>, vector<16xi32>], vector<16xf32>,
        %add3A_373 = arith.constant 22 : i32
        %add3A_374 = vector.broadcast %add3A_373 : i32 to vector<16xi32>
        %add3A_375 = arith.addi %shift_left3A_146, %add3A_374 : vector<16xi32>
        %gather3A_376 = tpu.vector_load_idx %arg7[%add3A_154, %add3A_375] : memref<400x128xf32, #tpu.memory_space<vmem>>[vector<16xi32>, vector<16xi32>], vector<16xf32>,
        %broadcast_in_dim3A_377 = arith.constant 22 : i32
        %broadcast_in_dim3A_378 = vector.broadcast %broadcast_in_dim3A_377 : i32 to vector<16xi32>
        %get3A_379 = arith.index_cast %add3A_152 : i32 to index
        %get3A_380 = arith.constant 352 : index
        %get3A_381 = tpu.vector_load %arg9[%get3A_379, %get3A_380] {strides = array<i32>} : memref<25x512xf32, #tpu.memory_space<vmem>>, vector<16xf32>,
        %add3A_382 = arith.addf %gather3A_376, %get3A_381 : vector<16xf32>
        tpu.vector_store_idx %arg8[%add3A_154, %broadcast_in_dim3A_378], %add3A_382 : memref<400x32xf32, #tpu.memory_space<vmem>>[vector<16xi32>, vector<16xi32>], vector<16xf32>,
        %add3A_383 = arith.constant 23 : i32
        %add3A_384 = vector.broadcast %add3A_383 : i32 to vector<16xi32>
        %add3A_385 = arith.addi %shift_left3A_146, %add3A_384 : vector<16xi32>
        %gather3A_386 = tpu.vector_load_idx %arg7[%add3A_154, %add3A_385] : memref<400x128xf32, #tpu.memory_space<vmem>>[vector<16xi32>, vector<16xi32>], vector<16xf32>,
        %broadcast_in_dim3A_387 = arith.constant 23 : i32
        %broadcast_in_dim3A_388 = vector.broadcast %broadcast_in_dim3A_387 : i32 to vector<16xi32>
        %get3A_389 = arith.index_cast %add3A_152 : i32 to index
        %get3A_390 = arith.constant 368 : index
        %get3A_391 = tpu.vector_load %arg9[%get3A_389, %get3A_390] {strides = array<i32>} : memref<25x512xf32, #tpu.memory_space<vmem>>, vector<16xf32>,
        %add3A_392 = arith.addf %gather3A_386, %get3A_391 : vector<16xf32>
        tpu.vector_store_idx %arg8[%add3A_154, %broadcast_in_dim3A_388], %add3A_392 : memref<400x32xf32, #tpu.memory_space<vmem>>[vector<16xi32>, vector<16xi32>], vector<16xf32>,
        %add3A_393 = arith.constant 24 : i32
        %add3A_394 = vector.broadcast %add3A_393 : i32 to vector<16xi32>
        %add3A_395 = arith.addi %shift_left3A_146, %add3A_394 : vector<16xi32>
        %gather3A_396 = tpu.vector_load_idx %arg7[%add3A_154, %add3A_395] : memref<400x128xf32, #tpu.memory_space<vmem>>[vector<16xi32>, vector<16xi32>], vector<16xf32>,
        %broadcast_in_dim3A_397 = arith.constant 24 : i32
        %broadcast_in_dim3A_398 = vector.broadcast %broadcast_in_dim3A_397 : i32 to vector<16xi32>
        %get3A_399 = arith.index_cast %add3A_152 : i32 to index
        %get3A_400 = arith.constant 384 : index
        %get3A_401 = tpu.vector_load %arg9[%get3A_399, %get3A_400] {strides = array<i32>} : memref<25x512xf32, #tpu.memory_space<vmem>>, vector<16xf32>,
        %add3A_402 = arith.addf %gather3A_396, %get3A_401 : vector<16xf32>
        tpu.vector_store_idx %arg8[%add3A_154, %broadcast_in_dim3A_398], %add3A_402 : memref<400x32xf32, #tpu.memory_space<vmem>>[vector<16xi32>, vector<16xi32>], vector<16xf32>,
        %add3A_403 = arith.constant 25 : i32
        %add3A_404 = vector.broadcast %add3A_403 : i32 to vector<16xi32>
        %add3A_405 = arith.addi %shift_left3A_146, %add3A_404 : vector<16xi32>
        %gather3A_406 = tpu.vector_load_idx %arg7[%add3A_154, %add3A_405] : memref<400x128xf32, #tpu.memory_space<vmem>>[vector<16xi32>, vector<16xi32>], vector<16xf32>,
        %broadcast_in_dim3A_407 = arith.constant 25 : i32
        %broadcast_in_dim3A_408 = vector.broadcast %broadcast_in_dim3A_407 : i32 to vector<16xi32>
        %get3A_409 = arith.index_cast %add3A_152 : i32 to index
        %get3A_410 = arith.constant 400 : index
        %get3A_411 = tpu.vector_load %arg9[%get3A_409, %get3A_410] {strides = array<i32>} : memref<25x512xf32, #tpu.memory_space<vmem>>, vector<16xf32>,
        %add3A_412 = arith.addf %gather3A_406, %get3A_411 : vector<16xf32>
        tpu.vector_store_idx %arg8[%add3A_154, %broadcast_in_dim3A_408], %add3A_412 : memref<400x32xf32, #tpu.memory_space<vmem>>[vector<16xi32>, vector<16xi32>], vector<16xf32>,
        %add3A_413 = arith.constant 26 : i32
        %add3A_414 = vector.broadcast %add3A_413 : i32 to vector<16xi32>
        %add3A_415 = arith.addi %shift_left3A_146, %add3A_414 : vector<16xi32>
        %gather3A_416 = tpu.vector_load_idx %arg7[%add3A_154, %add3A_415] : memref<400x128xf32, #tpu.memory_space<vmem>>[vector<16xi32>, vector<16xi32>], vector<16xf32>,
        %broadcast_in_dim3A_417 = arith.constant 26 : i32
        %broadcast_in_dim3A_418 = vector.broadcast %broadcast_in_dim3A_417 : i32 to vector<16xi32>
        %get3A_419 = arith.index_cast %add3A_152 : i32 to index
        %get3A_420 = arith.constant 416 : index
        %get3A_421 = tpu.vector_load %arg9[%get3A_419, %get3A_420] {strides = array<i32>} : memref<25x512xf32, #tpu.memory_space<vmem>>, vector<16xf32>,
        %add3A_422 = arith.addf %gather3A_416, %get3A_421 : vector<16xf32>
        tpu.vector_store_idx %arg8[%add3A_154, %broadcast_in_dim3A_418], %add3A_422 : memref<400x32xf32, #tpu.memory_space<vmem>>[vector<16xi32>, vector<16xi32>], vector<16xf32>,
        %add3A_423 = arith.constant 27 : i32
        %add3A_424 = vector.broadcast %add3A_423 : i32 to vector<16xi32>
        %add3A_425 = arith.addi %shift_left3A_146, %add3A_424 : vector<16xi32>
        %gather3A_426 = tpu.vector_load_idx %arg7[%add3A_154, %add3A_425] : memref<400x128xf32, #tpu.memory_space<vmem>>[vector<16xi32>, vector<16xi32>], vector<16xf32>,
        %broadcast_in_dim3A_427 = arith.constant 27 : i32
        %broadcast_in_dim3A_428 = vector.broadcast %broadcast_in_dim3A_427 : i32 to vector<16xi32>
        %get3A_429 = arith.index_cast %add3A_152 : i32 to index
        %get3A_430 = arith.constant 432 : index
        %get3A_431 = tpu.vector_load %arg9[%get3A_429, %get3A_430] {strides = array<i32>} : memref<25x512xf32, #tpu.memory_space<vmem>>, vector<16xf32>,
        %add3A_432 = arith.addf %gather3A_426, %get3A_431 : vector<16xf32>
        tpu.vector_store_idx %arg8[%add3A_154, %broadcast_in_dim3A_428], %add3A_432 : memref<400x32xf32, #tpu.memory_space<vmem>>[vector<16xi32>, vector<16xi32>], vector<16xf32>,
        %add3A_433 = arith.constant 28 : i32
        %add3A_434 = vector.broadcast %add3A_433 : i32 to vector<16xi32>
        %add3A_435 = arith.addi %shift_left3A_146, %add3A_434 : vector<16xi32>
        %gather3A_436 = tpu.vector_load_idx %arg7[%add3A_154, %add3A_435] : memref<400x128xf32, #tpu.memory_space<vmem>>[vector<16xi32>, vector<16xi32>], vector<16xf32>,
        %broadcast_in_dim3A_437 = arith.constant 28 : i32
        %broadcast_in_dim3A_438 = vector.broadcast %broadcast_in_dim3A_437 : i32 to vector<16xi32>
        %get3A_439 = arith.index_cast %add3A_152 : i32 to index
        %get3A_440 = arith.constant 448 : index
        %get3A_441 = tpu.vector_load %arg9[%get3A_439, %get3A_440] {strides = array<i32>} : memref<25x512xf32, #tpu.memory_space<vmem>>, vector<16xf32>,
        %add3A_442 = arith.addf %gather3A_436, %get3A_441 : vector<16xf32>
        tpu.vector_store_idx %arg8[%add3A_154, %broadcast_in_dim3A_438], %add3A_442 : memref<400x32xf32, #tpu.memory_space<vmem>>[vector<16xi32>, vector<16xi32>], vector<16xf32>,
        %add3A_443 = arith.constant 29 : i32
        %add3A_444 = vector.broadcast %add3A_443 : i32 to vector<16xi32>
        %add3A_445 = arith.addi %shift_left3A_146, %add3A_444 : vector<16xi32>
        %gather3A_446 = tpu.vector_load_idx %arg7[%add3A_154, %add3A_445] : memref<400x128xf32, #tpu.memory_space<vmem>>[vector<16xi32>, vector<16xi32>], vector<16xf32>,
        %broadcast_in_dim3A_447 = arith.constant 29 : i32
        %broadcast_in_dim3A_448 = vector.broadcast %broadcast_in_dim3A_447 : i32 to vector<16xi32>
        %get3A_449 = arith.index_cast %add3A_152 : i32 to index
        %get3A_450 = arith.constant 464 : index
        %get3A_451 = tpu.vector_load %arg9[%get3A_449, %get3A_450] {strides = array<i32>} : memref<25x512xf32, #tpu.memory_space<vmem>>, vector<16xf32>,
        %add3A_452 = arith.addf %gather3A_446, %get3A_451 : vector<16xf32>
        tpu.vector_store_idx %arg8[%add3A_154, %broadcast_in_dim3A_448], %add3A_452 : memref<400x32xf32, #tpu.memory_space<vmem>>[vector<16xi32>, vector<16xi32>], vector<16xf32>,
        %add3A_453 = arith.constant 30 : i32
        %add3A_454 = vector.broadcast %add3A_453 : i32 to vector<16xi32>
        %add3A_455 = arith.addi %shift_left3A_146, %add3A_454 : vector<16xi32>
        %gather3A_456 = tpu.vector_load_idx %arg7[%add3A_154, %add3A_455] : memref<400x128xf32, #tpu.memory_space<vmem>>[vector<16xi32>, vector<16xi32>], vector<16xf32>,
        %broadcast_in_dim3A_457 = arith.constant 30 : i32
        %broadcast_in_dim3A_458 = vector.broadcast %broadcast_in_dim3A_457 : i32 to vector<16xi32>
        %get3A_459 = arith.index_cast %add3A_152 : i32 to index
        %get3A_460 = arith.constant 480 : index
        %get3A_461 = tpu.vector_load %arg9[%get3A_459, %get3A_460] {strides = array<i32>} : memref<25x512xf32, #tpu.memory_space<vmem>>, vector<16xf32>,
        %add3A_462 = arith.addf %gather3A_456, %get3A_461 : vector<16xf32>
        tpu.vector_store_idx %arg8[%add3A_154, %broadcast_in_dim3A_458], %add3A_462 : memref<400x32xf32, #tpu.memory_space<vmem>>[vector<16xi32>, vector<16xi32>], vector<16xf32>,
        %add3A_463 = arith.constant 31 : i32
        %add3A_464 = vector.broadcast %add3A_463 : i32 to vector<16xi32>
        %add3A_465 = arith.addi %shift_left3A_146, %add3A_464 : vector<16xi32>
        %gather3A_466 = tpu.vector_load_idx %arg7[%add3A_154, %add3A_465] : memref<400x128xf32, #tpu.memory_space<vmem>>[vector<16xi32>, vector<16xi32>], vector<16xf32>,
        %broadcast_in_dim3A_467 = arith.constant 31 : i32
        %broadcast_in_dim3A_468 = vector.broadcast %broadcast_in_dim3A_467 : i32 to vector<16xi32>
        %get3A_469 = arith.index_cast %add3A_152 : i32 to index
        %get3A_470 = arith.constant 496 : index
        %get3A_471 = tpu.vector_load %arg9[%get3A_469, %get3A_470] {strides = array<i32>} : memref<25x512xf32, #tpu.memory_space<vmem>>, vector<16xf32>,
        %add3A_472 = arith.addf %gather3A_466, %get3A_471 : vector<16xf32>
        tpu.vector_store_idx %arg8[%add3A_154, %broadcast_in_dim3A_468], %add3A_472 : memref<400x32xf32, #tpu.memory_space<vmem>>[vector<16xi32>, vector<16xi32>], vector<16xf32>,
      }
      %scan3A_116 = arith.constant 5 : i32
      %scan3A_117 = arith.constant 0 : i32
      %scan3A_118 = arith.constant 5 : i32
      %scan3A_119 = arith.addi %scan3A_117, %scan3A_118 : i32
      %scan3A_120 = arith.constant 1 : i32
      scf.for %scan3A_137 = %scan3A_117 to %scan3A_119 step %scan3A_120  : i32 {
        %mul3A_138 = arith.constant 16 : i32
        %mul3A_139 = arith.muli %scan3A_137, %mul3A_138 : i32
        %get3A = arith.constant 6 : i32
        %get3A_140 = arith.index_cast %get3A : i32 to index
        %get3A_141 = arith.index_cast %mul3A_139 : i32 to index
        %get3A_142 = tpu.vector_load %arg6[%get3A_140, %get3A_141] {strides = array<i32>} : memref<10x80xi32, #tpu.memory_space<vmem>>, vector<16xi32>,
        %and3A = arith.constant 3 : i32
        %and3A_143 = vector.broadcast %and3A : i32 to vector<16xi32>
        %and3A_144 = arith.andi %get3A_142, %and3A_143 : vector<16xi32>
        %shift_left3A = arith.constant 5 : i32
        %shift_left3A_145 = vector.broadcast %shift_left3A : i32 to vector<16xi32>
        %shift_left3A_146 = arith.shli %and3A_144, %shift_left3A_145 : vector<16xi32>
        %mul3A_147 = arith.constant 16 : i32
        %mul3A_148 = arith.muli %scan3A_137, %mul3A_147 : i32
        %add3A_149 = arith.constant 80 : i32
        %add3A_150 = arith.addi %add3A_149, %mul3A_148 : i32
        %add3A_151 = arith.constant 5 : i32
        %add3A_152 = arith.addi %add3A_151, %scan3A_137 : i32
        %add3A_153 = vector.broadcast %add3A_150 : i32 to vector<16xi32>
        %add3A_154 = arith.addi %add3A_153, %iota3A : vector<16xi32>
        %add3A_155 = arith.constant 0 : i32
        %add3A_156 = vector.broadcast %add3A_155 : i32 to vector<16xi32>
        %add3A_157 = arith.addi %shift_left3A_146, %add3A_156 : vector<16xi32>
        %gather3A = tpu.vector_load_idx %arg7[%add3A_154, %add3A_157] : memref<400x128xf32, #tpu.memory_space<vmem>>[vector<16xi32>, vector<16xi32>], vector<16xf32>,
        %broadcast_in_dim3A = arith.constant 0 : i32
        %broadcast_in_dim3A_158 = vector.broadcast %broadcast_in_dim3A : i32 to vector<16xi32>
        %get3A_159 = arith.index_cast %add3A_152 : i32 to index
        %get3A_160 = arith.constant 0 : index
        %get3A_161 = tpu.vector_load %arg9[%get3A_159, %get3A_160] {strides = array<i32>} : memref<25x512xf32, #tpu.memory_space<vmem>>, vector<16xf32>,
        %add3A_162 = arith.addf %gather3A, %get3A_161 : vector<16xf32>
        tpu.vector_store_idx %arg8[%add3A_154, %broadcast_in_dim3A_158], %add3A_162 : memref<400x32xf32, #tpu.memory_space<vmem>>[vector<16xi32>, vector<16xi32>], vector<16xf32>,
        %add3A_163 = arith.constant 1 : i32
        %add3A_164 = vector.broadcast %add3A_163 : i32 to vector<16xi32>
        %add3A_165 = arith.addi %shift_left3A_146, %add3A_164 : vector<16xi32>
        %gather3A_166 = tpu.vector_load_idx %arg7[%add3A_154, %add3A_165] : memref<400x128xf32, #tpu.memory_space<vmem>>[vector<16xi32>, vector<16xi32>], vector<16xf32>,
        %broadcast_in_dim3A_167 = arith.constant 1 : i32
        %broadcast_in_dim3A_168 = vector.broadcast %broadcast_in_dim3A_167 : i32 to vector<16xi32>
        %get3A_169 = arith.index_cast %add3A_152 : i32 to index
        %get3A_170 = arith.constant 16 : index
        %get3A_171 = tpu.vector_load %arg9[%get3A_169, %get3A_170] {strides = array<i32>} : memref<25x512xf32, #tpu.memory_space<vmem>>, vector<16xf32>,
        %add3A_172 = arith.addf %gather3A_166, %get3A_171 : vector<16xf32>
        tpu.vector_store_idx %arg8[%add3A_154, %broadcast_in_dim3A_168], %add3A_172 : memref<400x32xf32, #tpu.memory_space<vmem>>[vector<16xi32>, vector<16xi32>], vector<16xf32>,
        %add3A_173 = arith.constant 2 : i32
        %add3A_174 = vector.broadcast %add3A_173 : i32 to vector<16xi32>
        %add3A_175 = arith.addi %shift_left3A_146, %add3A_174 : vector<16xi32>
        %gather3A_176 = tpu.vector_load_idx %arg7[%add3A_154, %add3A_175] : memref<400x128xf32, #tpu.memory_space<vmem>>[vector<16xi32>, vector<16xi32>], vector<16xf32>,
        %broadcast_in_dim3A_177 = arith.constant 2 : i32
        %broadcast_in_dim3A_178 = vector.broadcast %broadcast_in_dim3A_177 : i32 to vector<16xi32>
        %get3A_179 = arith.index_cast %add3A_152 : i32 to index
        %get3A_180 = arith.constant 32 : index
        %get3A_181 = tpu.vector_load %arg9[%get3A_179, %get3A_180] {strides = array<i32>} : memref<25x512xf32, #tpu.memory_space<vmem>>, vector<16xf32>,
        %add3A_182 = arith.addf %gather3A_176, %get3A_181 : vector<16xf32>
        tpu.vector_store_idx %arg8[%add3A_154, %broadcast_in_dim3A_178], %add3A_182 : memref<400x32xf32, #tpu.memory_space<vmem>>[vector<16xi32>, vector<16xi32>], vector<16xf32>,
        %add3A_183 = arith.constant 3 : i32
        %add3A_184 = vector.broadcast %add3A_183 : i32 to vector<16xi32>
        %add3A_185 = arith.addi %shift_left3A_146, %add3A_184 : vector<16xi32>
        %gather3A_186 = tpu.vector_load_idx %arg7[%add3A_154, %add3A_185] : memref<400x128xf32, #tpu.memory_space<vmem>>[vector<16xi32>, vector<16xi32>], vector<16xf32>,
        %broadcast_in_dim3A_187 = arith.constant 3 : i32
        %broadcast_in_dim3A_188 = vector.broadcast %broadcast_in_dim3A_187 : i32 to vector<16xi32>
        %get3A_189 = arith.index_cast %add3A_152 : i32 to index
        %get3A_190 = arith.constant 48 : index
        %get3A_191 = tpu.vector_load %arg9[%get3A_189, %get3A_190] {strides = array<i32>} : memref<25x512xf32, #tpu.memory_space<vmem>>, vector<16xf32>,
        %add3A_192 = arith.addf %gather3A_186, %get3A_191 : vector<16xf32>
        tpu.vector_store_idx %arg8[%add3A_154, %broadcast_in_dim3A_188], %add3A_192 : memref<400x32xf32, #tpu.memory_space<vmem>>[vector<16xi32>, vector<16xi32>], vector<16xf32>,
        %add3A_193 = arith.constant 4 : i32
        %add3A_194 = vector.broadcast %add3A_193 : i32 to vector<16xi32>
        %add3A_195 = arith.addi %shift_left3A_146, %add3A_194 : vector<16xi32>
        %gather3A_196 = tpu.vector_load_idx %arg7[%add3A_154, %add3A_195] : memref<400x128xf32, #tpu.memory_space<vmem>>[vector<16xi32>, vector<16xi32>], vector<16xf32>,
        %broadcast_in_dim3A_197 = arith.constant 4 : i32
        %broadcast_in_dim3A_198 = vector.broadcast %broadcast_in_dim3A_197 : i32 to vector<16xi32>
        %get3A_199 = arith.index_cast %add3A_152 : i32 to index
        %get3A_200 = arith.constant 64 : index
        %get3A_201 = tpu.vector_load %arg9[%get3A_199, %get3A_200] {strides = array<i32>} : memref<25x512xf32, #tpu.memory_space<vmem>>, vector<16xf32>,
        %add3A_202 = arith.addf %gather3A_196, %get3A_201 : vector<16xf32>
        tpu.vector_store_idx %arg8[%add3A_154, %broadcast_in_dim3A_198], %add3A_202 : memref<400x32xf32, #tpu.memory_space<vmem>>[vector<16xi32>, vector<16xi32>], vector<16xf32>,
        %add3A_203 = arith.constant 5 : i32
        %add3A_204 = vector.broadcast %add3A_203 : i32 to vector<16xi32>
        %add3A_205 = arith.addi %shift_left3A_146, %add3A_204 : vector<16xi32>
        %gather3A_206 = tpu.vector_load_idx %arg7[%add3A_154, %add3A_205] : memref<400x128xf32, #tpu.memory_space<vmem>>[vector<16xi32>, vector<16xi32>], vector<16xf32>,
        %broadcast_in_dim3A_207 = arith.constant 5 : i32
        %broadcast_in_dim3A_208 = vector.broadcast %broadcast_in_dim3A_207 : i32 to vector<16xi32>
        %get3A_209 = arith.index_cast %add3A_152 : i32 to index
        %get3A_210 = arith.constant 80 : index
        %get3A_211 = tpu.vector_load %arg9[%get3A_209, %get3A_210] {strides = array<i32>} : memref<25x512xf32, #tpu.memory_space<vmem>>, vector<16xf32>,
        %add3A_212 = arith.addf %gather3A_206, %get3A_211 : vector<16xf32>
        tpu.vector_store_idx %arg8[%add3A_154, %broadcast_in_dim3A_208], %add3A_212 : memref<400x32xf32, #tpu.memory_space<vmem>>[vector<16xi32>, vector<16xi32>], vector<16xf32>,
        %add3A_213 = arith.constant 6 : i32
        %add3A_214 = vector.broadcast %add3A_213 : i32 to vector<16xi32>
        %add3A_215 = arith.addi %shift_left3A_146, %add3A_214 : vector<16xi32>
        %gather3A_216 = tpu.vector_load_idx %arg7[%add3A_154, %add3A_215] : memref<400x128xf32, #tpu.memory_space<vmem>>[vector<16xi32>, vector<16xi32>], vector<16xf32>,
        %broadcast_in_dim3A_217 = arith.constant 6 : i32
        %broadcast_in_dim3A_218 = vector.broadcast %broadcast_in_dim3A_217 : i32 to vector<16xi32>
        %get3A_219 = arith.index_cast %add3A_152 : i32 to index
        %get3A_220 = arith.constant 96 : index
        %get3A_221 = tpu.vector_load %arg9[%get3A_219, %get3A_220] {strides = array<i32>} : memref<25x512xf32, #tpu.memory_space<vmem>>, vector<16xf32>,
        %add3A_222 = arith.addf %gather3A_216, %get3A_221 : vector<16xf32>
        tpu.vector_store_idx %arg8[%add3A_154, %broadcast_in_dim3A_218], %add3A_222 : memref<400x32xf32, #tpu.memory_space<vmem>>[vector<16xi32>, vector<16xi32>], vector<16xf32>,
        %add3A_223 = arith.constant 7 : i32
        %add3A_224 = vector.broadcast %add3A_223 : i32 to vector<16xi32>
        %add3A_225 = arith.addi %shift_left3A_146, %add3A_224 : vector<16xi32>
        %gather3A_226 = tpu.vector_load_idx %arg7[%add3A_154, %add3A_225] : memref<400x128xf32, #tpu.memory_space<vmem>>[vector<16xi32>, vector<16xi32>], vector<16xf32>,
        %broadcast_in_dim3A_227 = arith.constant 7 : i32
        %broadcast_in_dim3A_228 = vector.broadcast %broadcast_in_dim3A_227 : i32 to vector<16xi32>
        %get3A_229 = arith.index_cast %add3A_152 : i32 to index
        %get3A_230 = arith.constant 112 : index
        %get3A_231 = tpu.vector_load %arg9[%get3A_229, %get3A_230] {strides = array<i32>} : memref<25x512xf32, #tpu.memory_space<vmem>>, vector<16xf32>,
        %add3A_232 = arith.addf %gather3A_226, %get3A_231 : vector<16xf32>
        tpu.vector_store_idx %arg8[%add3A_154, %broadcast_in_dim3A_228], %add3A_232 : memref<400x32xf32, #tpu.memory_space<vmem>>[vector<16xi32>, vector<16xi32>], vector<16xf32>,
        %add3A_233 = arith.constant 8 : i32
        %add3A_234 = vector.broadcast %add3A_233 : i32 to vector<16xi32>
        %add3A_235 = arith.addi %shift_left3A_146, %add3A_234 : vector<16xi32>
        %gather3A_236 = tpu.vector_load_idx %arg7[%add3A_154, %add3A_235] : memref<400x128xf32, #tpu.memory_space<vmem>>[vector<16xi32>, vector<16xi32>], vector<16xf32>,
        %broadcast_in_dim3A_237 = arith.constant 8 : i32
        %broadcast_in_dim3A_238 = vector.broadcast %broadcast_in_dim3A_237 : i32 to vector<16xi32>
        %get3A_239 = arith.index_cast %add3A_152 : i32 to index
        %get3A_240 = arith.constant 128 : index
        %get3A_241 = tpu.vector_load %arg9[%get3A_239, %get3A_240] {strides = array<i32>} : memref<25x512xf32, #tpu.memory_space<vmem>>, vector<16xf32>,
        %add3A_242 = arith.addf %gather3A_236, %get3A_241 : vector<16xf32>
        tpu.vector_store_idx %arg8[%add3A_154, %broadcast_in_dim3A_238], %add3A_242 : memref<400x32xf32, #tpu.memory_space<vmem>>[vector<16xi32>, vector<16xi32>], vector<16xf32>,
        %add3A_243 = arith.constant 9 : i32
        %add3A_244 = vector.broadcast %add3A_243 : i32 to vector<16xi32>
        %add3A_245 = arith.addi %shift_left3A_146, %add3A_244 : vector<16xi32>
        %gather3A_246 = tpu.vector_load_idx %arg7[%add3A_154, %add3A_245] : memref<400x128xf32, #tpu.memory_space<vmem>>[vector<16xi32>, vector<16xi32>], vector<16xf32>,
        %broadcast_in_dim3A_247 = arith.constant 9 : i32
        %broadcast_in_dim3A_248 = vector.broadcast %broadcast_in_dim3A_247 : i32 to vector<16xi32>
        %get3A_249 = arith.index_cast %add3A_152 : i32 to index
        %get3A_250 = arith.constant 144 : index
        %get3A_251 = tpu.vector_load %arg9[%get3A_249, %get3A_250] {strides = array<i32>} : memref<25x512xf32, #tpu.memory_space<vmem>>, vector<16xf32>,
        %add3A_252 = arith.addf %gather3A_246, %get3A_251 : vector<16xf32>
        tpu.vector_store_idx %arg8[%add3A_154, %broadcast_in_dim3A_248], %add3A_252 : memref<400x32xf32, #tpu.memory_space<vmem>>[vector<16xi32>, vector<16xi32>], vector<16xf32>,
        %add3A_253 = arith.constant 10 : i32
        %add3A_254 = vector.broadcast %add3A_253 : i32 to vector<16xi32>
        %add3A_255 = arith.addi %shift_left3A_146, %add3A_254 : vector<16xi32>
        %gather3A_256 = tpu.vector_load_idx %arg7[%add3A_154, %add3A_255] : memref<400x128xf32, #tpu.memory_space<vmem>>[vector<16xi32>, vector<16xi32>], vector<16xf32>,
        %broadcast_in_dim3A_257 = arith.constant 10 : i32
        %broadcast_in_dim3A_258 = vector.broadcast %broadcast_in_dim3A_257 : i32 to vector<16xi32>
        %get3A_259 = arith.index_cast %add3A_152 : i32 to index
        %get3A_260 = arith.constant 160 : index
        %get3A_261 = tpu.vector_load %arg9[%get3A_259, %get3A_260] {strides = array<i32>} : memref<25x512xf32, #tpu.memory_space<vmem>>, vector<16xf32>,
        %add3A_262 = arith.addf %gather3A_256, %get3A_261 : vector<16xf32>
        tpu.vector_store_idx %arg8[%add3A_154, %broadcast_in_dim3A_258], %add3A_262 : memref<400x32xf32, #tpu.memory_space<vmem>>[vector<16xi32>, vector<16xi32>], vector<16xf32>,
        %add3A_263 = arith.constant 11 : i32
        %add3A_264 = vector.broadcast %add3A_263 : i32 to vector<16xi32>
        %add3A_265 = arith.addi %shift_left3A_146, %add3A_264 : vector<16xi32>
        %gather3A_266 = tpu.vector_load_idx %arg7[%add3A_154, %add3A_265] : memref<400x128xf32, #tpu.memory_space<vmem>>[vector<16xi32>, vector<16xi32>], vector<16xf32>,
        %broadcast_in_dim3A_267 = arith.constant 11 : i32
        %broadcast_in_dim3A_268 = vector.broadcast %broadcast_in_dim3A_267 : i32 to vector<16xi32>
        %get3A_269 = arith.index_cast %add3A_152 : i32 to index
        %get3A_270 = arith.constant 176 : index
        %get3A_271 = tpu.vector_load %arg9[%get3A_269, %get3A_270] {strides = array<i32>} : memref<25x512xf32, #tpu.memory_space<vmem>>, vector<16xf32>,
        %add3A_272 = arith.addf %gather3A_266, %get3A_271 : vector<16xf32>
        tpu.vector_store_idx %arg8[%add3A_154, %broadcast_in_dim3A_268], %add3A_272 : memref<400x32xf32, #tpu.memory_space<vmem>>[vector<16xi32>, vector<16xi32>], vector<16xf32>,
        %add3A_273 = arith.constant 12 : i32
        %add3A_274 = vector.broadcast %add3A_273 : i32 to vector<16xi32>
        %add3A_275 = arith.addi %shift_left3A_146, %add3A_274 : vector<16xi32>
        %gather3A_276 = tpu.vector_load_idx %arg7[%add3A_154, %add3A_275] : memref<400x128xf32, #tpu.memory_space<vmem>>[vector<16xi32>, vector<16xi32>], vector<16xf32>,
        %broadcast_in_dim3A_277 = arith.constant 12 : i32
        %broadcast_in_dim3A_278 = vector.broadcast %broadcast_in_dim3A_277 : i32 to vector<16xi32>
        %get3A_279 = arith.index_cast %add3A_152 : i32 to index
        %get3A_280 = arith.constant 192 : index
        %get3A_281 = tpu.vector_load %arg9[%get3A_279, %get3A_280] {strides = array<i32>} : memref<25x512xf32, #tpu.memory_space<vmem>>, vector<16xf32>,
        %add3A_282 = arith.addf %gather3A_276, %get3A_281 : vector<16xf32>
        tpu.vector_store_idx %arg8[%add3A_154, %broadcast_in_dim3A_278], %add3A_282 : memref<400x32xf32, #tpu.memory_space<vmem>>[vector<16xi32>, vector<16xi32>], vector<16xf32>,
        %add3A_283 = arith.constant 13 : i32
        %add3A_284 = vector.broadcast %add3A_283 : i32 to vector<16xi32>
        %add3A_285 = arith.addi %shift_left3A_146, %add3A_284 : vector<16xi32>
        %gather3A_286 = tpu.vector_load_idx %arg7[%add3A_154, %add3A_285] : memref<400x128xf32, #tpu.memory_space<vmem>>[vector<16xi32>, vector<16xi32>], vector<16xf32>,
        %broadcast_in_dim3A_287 = arith.constant 13 : i32
        %broadcast_in_dim3A_288 = vector.broadcast %broadcast_in_dim3A_287 : i32 to vector<16xi32>
        %get3A_289 = arith.index_cast %add3A_152 : i32 to index
        %get3A_290 = arith.constant 208 : index
        %get3A_291 = tpu.vector_load %arg9[%get3A_289, %get3A_290] {strides = array<i32>} : memref<25x512xf32, #tpu.memory_space<vmem>>, vector<16xf32>,
        %add3A_292 = arith.addf %gather3A_286, %get3A_291 : vector<16xf32>
        tpu.vector_store_idx %arg8[%add3A_154, %broadcast_in_dim3A_288], %add3A_292 : memref<400x32xf32, #tpu.memory_space<vmem>>[vector<16xi32>, vector<16xi32>], vector<16xf32>,
        %add3A_293 = arith.constant 14 : i32
        %add3A_294 = vector.broadcast %add3A_293 : i32 to vector<16xi32>
        %add3A_295 = arith.addi %shift_left3A_146, %add3A_294 : vector<16xi32>
        %gather3A_296 = tpu.vector_load_idx %arg7[%add3A_154, %add3A_295] : memref<400x128xf32, #tpu.memory_space<vmem>>[vector<16xi32>, vector<16xi32>], vector<16xf32>,
        %broadcast_in_dim3A_297 = arith.constant 14 : i32
        %broadcast_in_dim3A_298 = vector.broadcast %broadcast_in_dim3A_297 : i32 to vector<16xi32>
        %get3A_299 = arith.index_cast %add3A_152 : i32 to index
        %get3A_300 = arith.constant 224 : index
        %get3A_301 = tpu.vector_load %arg9[%get3A_299, %get3A_300] {strides = array<i32>} : memref<25x512xf32, #tpu.memory_space<vmem>>, vector<16xf32>,
        %add3A_302 = arith.addf %gather3A_296, %get3A_301 : vector<16xf32>
        tpu.vector_store_idx %arg8[%add3A_154, %broadcast_in_dim3A_298], %add3A_302 : memref<400x32xf32, #tpu.memory_space<vmem>>[vector<16xi32>, vector<16xi32>], vector<16xf32>,
        %add3A_303 = arith.constant 15 : i32
        %add3A_304 = vector.broadcast %add3A_303 : i32 to vector<16xi32>
        %add3A_305 = arith.addi %shift_left3A_146, %add3A_304 : vector<16xi32>
        %gather3A_306 = tpu.vector_load_idx %arg7[%add3A_154, %add3A_305] : memref<400x128xf32, #tpu.memory_space<vmem>>[vector<16xi32>, vector<16xi32>], vector<16xf32>,
        %broadcast_in_dim3A_307 = arith.constant 15 : i32
        %broadcast_in_dim3A_308 = vector.broadcast %broadcast_in_dim3A_307 : i32 to vector<16xi32>
        %get3A_309 = arith.index_cast %add3A_152 : i32 to index
        %get3A_310 = arith.constant 240 : index
        %get3A_311 = tpu.vector_load %arg9[%get3A_309, %get3A_310] {strides = array<i32>} : memref<25x512xf32, #tpu.memory_space<vmem>>, vector<16xf32>,
        %add3A_312 = arith.addf %gather3A_306, %get3A_311 : vector<16xf32>
        tpu.vector_store_idx %arg8[%add3A_154, %broadcast_in_dim3A_308], %add3A_312 : memref<400x32xf32, #tpu.memory_space<vmem>>[vector<16xi32>, vector<16xi32>], vector<16xf32>,
        %add3A_313 = arith.constant 16 : i32
        %add3A_314 = vector.broadcast %add3A_313 : i32 to vector<16xi32>
        %add3A_315 = arith.addi %shift_left3A_146, %add3A_314 : vector<16xi32>
        %gather3A_316 = tpu.vector_load_idx %arg7[%add3A_154, %add3A_315] : memref<400x128xf32, #tpu.memory_space<vmem>>[vector<16xi32>, vector<16xi32>], vector<16xf32>,
        %broadcast_in_dim3A_317 = arith.constant 16 : i32
        %broadcast_in_dim3A_318 = vector.broadcast %broadcast_in_dim3A_317 : i32 to vector<16xi32>
        %get3A_319 = arith.index_cast %add3A_152 : i32 to index
        %get3A_320 = arith.constant 256 : index
        %get3A_321 = tpu.vector_load %arg9[%get3A_319, %get3A_320] {strides = array<i32>} : memref<25x512xf32, #tpu.memory_space<vmem>>, vector<16xf32>,
        %add3A_322 = arith.addf %gather3A_316, %get3A_321 : vector<16xf32>
        tpu.vector_store_idx %arg8[%add3A_154, %broadcast_in_dim3A_318], %add3A_322 : memref<400x32xf32, #tpu.memory_space<vmem>>[vector<16xi32>, vector<16xi32>], vector<16xf32>,
        %add3A_323 = arith.constant 17 : i32
        %add3A_324 = vector.broadcast %add3A_323 : i32 to vector<16xi32>
        %add3A_325 = arith.addi %shift_left3A_146, %add3A_324 : vector<16xi32>
        %gather3A_326 = tpu.vector_load_idx %arg7[%add3A_154, %add3A_325] : memref<400x128xf32, #tpu.memory_space<vmem>>[vector<16xi32>, vector<16xi32>], vector<16xf32>,
        %broadcast_in_dim3A_327 = arith.constant 17 : i32
        %broadcast_in_dim3A_328 = vector.broadcast %broadcast_in_dim3A_327 : i32 to vector<16xi32>
        %get3A_329 = arith.index_cast %add3A_152 : i32 to index
        %get3A_330 = arith.constant 272 : index
        %get3A_331 = tpu.vector_load %arg9[%get3A_329, %get3A_330] {strides = array<i32>} : memref<25x512xf32, #tpu.memory_space<vmem>>, vector<16xf32>,
        %add3A_332 = arith.addf %gather3A_326, %get3A_331 : vector<16xf32>
        tpu.vector_store_idx %arg8[%add3A_154, %broadcast_in_dim3A_328], %add3A_332 : memref<400x32xf32, #tpu.memory_space<vmem>>[vector<16xi32>, vector<16xi32>], vector<16xf32>,
        %add3A_333 = arith.constant 18 : i32
        %add3A_334 = vector.broadcast %add3A_333 : i32 to vector<16xi32>
        %add3A_335 = arith.addi %shift_left3A_146, %add3A_334 : vector<16xi32>
        %gather3A_336 = tpu.vector_load_idx %arg7[%add3A_154, %add3A_335] : memref<400x128xf32, #tpu.memory_space<vmem>>[vector<16xi32>, vector<16xi32>], vector<16xf32>,
        %broadcast_in_dim3A_337 = arith.constant 18 : i32
        %broadcast_in_dim3A_338 = vector.broadcast %broadcast_in_dim3A_337 : i32 to vector<16xi32>
        %get3A_339 = arith.index_cast %add3A_152 : i32 to index
        %get3A_340 = arith.constant 288 : index
        %get3A_341 = tpu.vector_load %arg9[%get3A_339, %get3A_340] {strides = array<i32>} : memref<25x512xf32, #tpu.memory_space<vmem>>, vector<16xf32>,
        %add3A_342 = arith.addf %gather3A_336, %get3A_341 : vector<16xf32>
        tpu.vector_store_idx %arg8[%add3A_154, %broadcast_in_dim3A_338], %add3A_342 : memref<400x32xf32, #tpu.memory_space<vmem>>[vector<16xi32>, vector<16xi32>], vector<16xf32>,
        %add3A_343 = arith.constant 19 : i32
        %add3A_344 = vector.broadcast %add3A_343 : i32 to vector<16xi32>
        %add3A_345 = arith.addi %shift_left3A_146, %add3A_344 : vector<16xi32>
        %gather3A_346 = tpu.vector_load_idx %arg7[%add3A_154, %add3A_345] : memref<400x128xf32, #tpu.memory_space<vmem>>[vector<16xi32>, vector<16xi32>], vector<16xf32>,
        %broadcast_in_dim3A_347 = arith.constant 19 : i32
        %broadcast_in_dim3A_348 = vector.broadcast %broadcast_in_dim3A_347 : i32 to vector<16xi32>
        %get3A_349 = arith.index_cast %add3A_152 : i32 to index
        %get3A_350 = arith.constant 304 : index
        %get3A_351 = tpu.vector_load %arg9[%get3A_349, %get3A_350] {strides = array<i32>} : memref<25x512xf32, #tpu.memory_space<vmem>>, vector<16xf32>,
        %add3A_352 = arith.addf %gather3A_346, %get3A_351 : vector<16xf32>
        tpu.vector_store_idx %arg8[%add3A_154, %broadcast_in_dim3A_348], %add3A_352 : memref<400x32xf32, #tpu.memory_space<vmem>>[vector<16xi32>, vector<16xi32>], vector<16xf32>,
        %add3A_353 = arith.constant 20 : i32
        %add3A_354 = vector.broadcast %add3A_353 : i32 to vector<16xi32>
        %add3A_355 = arith.addi %shift_left3A_146, %add3A_354 : vector<16xi32>
        %gather3A_356 = tpu.vector_load_idx %arg7[%add3A_154, %add3A_355] : memref<400x128xf32, #tpu.memory_space<vmem>>[vector<16xi32>, vector<16xi32>], vector<16xf32>,
        %broadcast_in_dim3A_357 = arith.constant 20 : i32
        %broadcast_in_dim3A_358 = vector.broadcast %broadcast_in_dim3A_357 : i32 to vector<16xi32>
        %get3A_359 = arith.index_cast %add3A_152 : i32 to index
        %get3A_360 = arith.constant 320 : index
        %get3A_361 = tpu.vector_load %arg9[%get3A_359, %get3A_360] {strides = array<i32>} : memref<25x512xf32, #tpu.memory_space<vmem>>, vector<16xf32>,
        %add3A_362 = arith.addf %gather3A_356, %get3A_361 : vector<16xf32>
        tpu.vector_store_idx %arg8[%add3A_154, %broadcast_in_dim3A_358], %add3A_362 : memref<400x32xf32, #tpu.memory_space<vmem>>[vector<16xi32>, vector<16xi32>], vector<16xf32>,
        %add3A_363 = arith.constant 21 : i32
        %add3A_364 = vector.broadcast %add3A_363 : i32 to vector<16xi32>
        %add3A_365 = arith.addi %shift_left3A_146, %add3A_364 : vector<16xi32>
        %gather3A_366 = tpu.vector_load_idx %arg7[%add3A_154, %add3A_365] : memref<400x128xf32, #tpu.memory_space<vmem>>[vector<16xi32>, vector<16xi32>], vector<16xf32>,
        %broadcast_in_dim3A_367 = arith.constant 21 : i32
        %broadcast_in_dim3A_368 = vector.broadcast %broadcast_in_dim3A_367 : i32 to vector<16xi32>
        %get3A_369 = arith.index_cast %add3A_152 : i32 to index
        %get3A_370 = arith.constant 336 : index
        %get3A_371 = tpu.vector_load %arg9[%get3A_369, %get3A_370] {strides = array<i32>} : memref<25x512xf32, #tpu.memory_space<vmem>>, vector<16xf32>,
        %add3A_372 = arith.addf %gather3A_366, %get3A_371 : vector<16xf32>
        tpu.vector_store_idx %arg8[%add3A_154, %broadcast_in_dim3A_368], %add3A_372 : memref<400x32xf32, #tpu.memory_space<vmem>>[vector<16xi32>, vector<16xi32>], vector<16xf32>,
        %add3A_373 = arith.constant 22 : i32
        %add3A_374 = vector.broadcast %add3A_373 : i32 to vector<16xi32>
        %add3A_375 = arith.addi %shift_left3A_146, %add3A_374 : vector<16xi32>
        %gather3A_376 = tpu.vector_load_idx %arg7[%add3A_154, %add3A_375] : memref<400x128xf32, #tpu.memory_space<vmem>>[vector<16xi32>, vector<16xi32>], vector<16xf32>,
        %broadcast_in_dim3A_377 = arith.constant 22 : i32
        %broadcast_in_dim3A_378 = vector.broadcast %broadcast_in_dim3A_377 : i32 to vector<16xi32>
        %get3A_379 = arith.index_cast %add3A_152 : i32 to index
        %get3A_380 = arith.constant 352 : index
        %get3A_381 = tpu.vector_load %arg9[%get3A_379, %get3A_380] {strides = array<i32>} : memref<25x512xf32, #tpu.memory_space<vmem>>, vector<16xf32>,
        %add3A_382 = arith.addf %gather3A_376, %get3A_381 : vector<16xf32>
        tpu.vector_store_idx %arg8[%add3A_154, %broadcast_in_dim3A_378], %add3A_382 : memref<400x32xf32, #tpu.memory_space<vmem>>[vector<16xi32>, vector<16xi32>], vector<16xf32>,
        %add3A_383 = arith.constant 23 : i32
        %add3A_384 = vector.broadcast %add3A_383 : i32 to vector<16xi32>
        %add3A_385 = arith.addi %shift_left3A_146, %add3A_384 : vector<16xi32>
        %gather3A_386 = tpu.vector_load_idx %arg7[%add3A_154, %add3A_385] : memref<400x128xf32, #tpu.memory_space<vmem>>[vector<16xi32>, vector<16xi32>], vector<16xf32>,
        %broadcast_in_dim3A_387 = arith.constant 23 : i32
        %broadcast_in_dim3A_388 = vector.broadcast %broadcast_in_dim3A_387 : i32 to vector<16xi32>
        %get3A_389 = arith.index_cast %add3A_152 : i32 to index
        %get3A_390 = arith.constant 368 : index
        %get3A_391 = tpu.vector_load %arg9[%get3A_389, %get3A_390] {strides = array<i32>} : memref<25x512xf32, #tpu.memory_space<vmem>>, vector<16xf32>,
        %add3A_392 = arith.addf %gather3A_386, %get3A_391 : vector<16xf32>
        tpu.vector_store_idx %arg8[%add3A_154, %broadcast_in_dim3A_388], %add3A_392 : memref<400x32xf32, #tpu.memory_space<vmem>>[vector<16xi32>, vector<16xi32>], vector<16xf32>,
        %add3A_393 = arith.constant 24 : i32
        %add3A_394 = vector.broadcast %add3A_393 : i32 to vector<16xi32>
        %add3A_395 = arith.addi %shift_left3A_146, %add3A_394 : vector<16xi32>
        %gather3A_396 = tpu.vector_load_idx %arg7[%add3A_154, %add3A_395] : memref<400x128xf32, #tpu.memory_space<vmem>>[vector<16xi32>, vector<16xi32>], vector<16xf32>,
        %broadcast_in_dim3A_397 = arith.constant 24 : i32
        %broadcast_in_dim3A_398 = vector.broadcast %broadcast_in_dim3A_397 : i32 to vector<16xi32>
        %get3A_399 = arith.index_cast %add3A_152 : i32 to index
        %get3A_400 = arith.constant 384 : index
        %get3A_401 = tpu.vector_load %arg9[%get3A_399, %get3A_400] {strides = array<i32>} : memref<25x512xf32, #tpu.memory_space<vmem>>, vector<16xf32>,
        %add3A_402 = arith.addf %gather3A_396, %get3A_401 : vector<16xf32>
        tpu.vector_store_idx %arg8[%add3A_154, %broadcast_in_dim3A_398], %add3A_402 : memref<400x32xf32, #tpu.memory_space<vmem>>[vector<16xi32>, vector<16xi32>], vector<16xf32>,
        %add3A_403 = arith.constant 25 : i32
        %add3A_404 = vector.broadcast %add3A_403 : i32 to vector<16xi32>
        %add3A_405 = arith.addi %shift_left3A_146, %add3A_404 : vector<16xi32>
        %gather3A_406 = tpu.vector_load_idx %arg7[%add3A_154, %add3A_405] : memref<400x128xf32, #tpu.memory_space<vmem>>[vector<16xi32>, vector<16xi32>], vector<16xf32>,
        %broadcast_in_dim3A_407 = arith.constant 25 : i32
        %broadcast_in_dim3A_408 = vector.broadcast %broadcast_in_dim3A_407 : i32 to vector<16xi32>
        %get3A_409 = arith.index_cast %add3A_152 : i32 to index
        %get3A_410 = arith.constant 400 : index
        %get3A_411 = tpu.vector_load %arg9[%get3A_409, %get3A_410] {strides = array<i32>} : memref<25x512xf32, #tpu.memory_space<vmem>>, vector<16xf32>,
        %add3A_412 = arith.addf %gather3A_406, %get3A_411 : vector<16xf32>
        tpu.vector_store_idx %arg8[%add3A_154, %broadcast_in_dim3A_408], %add3A_412 : memref<400x32xf32, #tpu.memory_space<vmem>>[vector<16xi32>, vector<16xi32>], vector<16xf32>,
        %add3A_413 = arith.constant 26 : i32
        %add3A_414 = vector.broadcast %add3A_413 : i32 to vector<16xi32>
        %add3A_415 = arith.addi %shift_left3A_146, %add3A_414 : vector<16xi32>
        %gather3A_416 = tpu.vector_load_idx %arg7[%add3A_154, %add3A_415] : memref<400x128xf32, #tpu.memory_space<vmem>>[vector<16xi32>, vector<16xi32>], vector<16xf32>,
        %broadcast_in_dim3A_417 = arith.constant 26 : i32
        %broadcast_in_dim3A_418 = vector.broadcast %broadcast_in_dim3A_417 : i32 to vector<16xi32>
        %get3A_419 = arith.index_cast %add3A_152 : i32 to index
        %get3A_420 = arith.constant 416 : index
        %get3A_421 = tpu.vector_load %arg9[%get3A_419, %get3A_420] {strides = array<i32>} : memref<25x512xf32, #tpu.memory_space<vmem>>, vector<16xf32>,
        %add3A_422 = arith.addf %gather3A_416, %get3A_421 : vector<16xf32>
        tpu.vector_store_idx %arg8[%add3A_154, %broadcast_in_dim3A_418], %add3A_422 : memref<400x32xf32, #tpu.memory_space<vmem>>[vector<16xi32>, vector<16xi32>], vector<16xf32>,
        %add3A_423 = arith.constant 27 : i32
        %add3A_424 = vector.broadcast %add3A_423 : i32 to vector<16xi32>
        %add3A_425 = arith.addi %shift_left3A_146, %add3A_424 : vector<16xi32>
        %gather3A_426 = tpu.vector_load_idx %arg7[%add3A_154, %add3A_425] : memref<400x128xf32, #tpu.memory_space<vmem>>[vector<16xi32>, vector<16xi32>], vector<16xf32>,
        %broadcast_in_dim3A_427 = arith.constant 27 : i32
        %broadcast_in_dim3A_428 = vector.broadcast %broadcast_in_dim3A_427 : i32 to vector<16xi32>
        %get3A_429 = arith.index_cast %add3A_152 : i32 to index
        %get3A_430 = arith.constant 432 : index
        %get3A_431 = tpu.vector_load %arg9[%get3A_429, %get3A_430] {strides = array<i32>} : memref<25x512xf32, #tpu.memory_space<vmem>>, vector<16xf32>,
        %add3A_432 = arith.addf %gather3A_426, %get3A_431 : vector<16xf32>
        tpu.vector_store_idx %arg8[%add3A_154, %broadcast_in_dim3A_428], %add3A_432 : memref<400x32xf32, #tpu.memory_space<vmem>>[vector<16xi32>, vector<16xi32>], vector<16xf32>,
        %add3A_433 = arith.constant 28 : i32
        %add3A_434 = vector.broadcast %add3A_433 : i32 to vector<16xi32>
        %add3A_435 = arith.addi %shift_left3A_146, %add3A_434 : vector<16xi32>
        %gather3A_436 = tpu.vector_load_idx %arg7[%add3A_154, %add3A_435] : memref<400x128xf32, #tpu.memory_space<vmem>>[vector<16xi32>, vector<16xi32>], vector<16xf32>,
        %broadcast_in_dim3A_437 = arith.constant 28 : i32
        %broadcast_in_dim3A_438 = vector.broadcast %broadcast_in_dim3A_437 : i32 to vector<16xi32>
        %get3A_439 = arith.index_cast %add3A_152 : i32 to index
        %get3A_440 = arith.constant 448 : index
        %get3A_441 = tpu.vector_load %arg9[%get3A_439, %get3A_440] {strides = array<i32>} : memref<25x512xf32, #tpu.memory_space<vmem>>, vector<16xf32>,
        %add3A_442 = arith.addf %gather3A_436, %get3A_441 : vector<16xf32>
        tpu.vector_store_idx %arg8[%add3A_154, %broadcast_in_dim3A_438], %add3A_442 : memref<400x32xf32, #tpu.memory_space<vmem>>[vector<16xi32>, vector<16xi32>], vector<16xf32>,
        %add3A_443 = arith.constant 29 : i32
        %add3A_444 = vector.broadcast %add3A_443 : i32 to vector<16xi32>
        %add3A_445 = arith.addi %shift_left3A_146, %add3A_444 : vector<16xi32>
        %gather3A_446 = tpu.vector_load_idx %arg7[%add3A_154, %add3A_445] : memref<400x128xf32, #tpu.memory_space<vmem>>[vector<16xi32>, vector<16xi32>], vector<16xf32>,
        %broadcast_in_dim3A_447 = arith.constant 29 : i32
        %broadcast_in_dim3A_448 = vector.broadcast %broadcast_in_dim3A_447 : i32 to vector<16xi32>
        %get3A_449 = arith.index_cast %add3A_152 : i32 to index
        %get3A_450 = arith.constant 464 : index
        %get3A_451 = tpu.vector_load %arg9[%get3A_449, %get3A_450] {strides = array<i32>} : memref<25x512xf32, #tpu.memory_space<vmem>>, vector<16xf32>,
        %add3A_452 = arith.addf %gather3A_446, %get3A_451 : vector<16xf32>
        tpu.vector_store_idx %arg8[%add3A_154, %broadcast_in_dim3A_448], %add3A_452 : memref<400x32xf32, #tpu.memory_space<vmem>>[vector<16xi32>, vector<16xi32>], vector<16xf32>,
        %add3A_453 = arith.constant 30 : i32
        %add3A_454 = vector.broadcast %add3A_453 : i32 to vector<16xi32>
        %add3A_455 = arith.addi %shift_left3A_146, %add3A_454 : vector<16xi32>
        %gather3A_456 = tpu.vector_load_idx %arg7[%add3A_154, %add3A_455] : memref<400x128xf32, #tpu.memory_space<vmem>>[vector<16xi32>, vector<16xi32>], vector<16xf32>,
        %broadcast_in_dim3A_457 = arith.constant 30 : i32
        %broadcast_in_dim3A_458 = vector.broadcast %broadcast_in_dim3A_457 : i32 to vector<16xi32>
        %get3A_459 = arith.index_cast %add3A_152 : i32 to index
        %get3A_460 = arith.constant 480 : index
        %get3A_461 = tpu.vector_load %arg9[%get3A_459, %get3A_460] {strides = array<i32>} : memref<25x512xf32, #tpu.memory_space<vmem>>, vector<16xf32>,
        %add3A_462 = arith.addf %gather3A_456, %get3A_461 : vector<16xf32>
        tpu.vector_store_idx %arg8[%add3A_154, %broadcast_in_dim3A_458], %add3A_462 : memref<400x32xf32, #tpu.memory_space<vmem>>[vector<16xi32>, vector<16xi32>], vector<16xf32>,
        %add3A_463 = arith.constant 31 : i32
        %add3A_464 = vector.broadcast %add3A_463 : i32 to vector<16xi32>
        %add3A_465 = arith.addi %shift_left3A_146, %add3A_464 : vector<16xi32>
        %gather3A_466 = tpu.vector_load_idx %arg7[%add3A_154, %add3A_465] : memref<400x128xf32, #tpu.memory_space<vmem>>[vector<16xi32>, vector<16xi32>], vector<16xf32>,
        %broadcast_in_dim3A_467 = arith.constant 31 : i32
        %broadcast_in_dim3A_468 = vector.broadcast %broadcast_in_dim3A_467 : i32 to vector<16xi32>
        %get3A_469 = arith.index_cast %add3A_152 : i32 to index
        %get3A_470 = arith.constant 496 : index
        %get3A_471 = tpu.vector_load %arg9[%get3A_469, %get3A_470] {strides = array<i32>} : memref<25x512xf32, #tpu.memory_space<vmem>>, vector<16xf32>,
        %add3A_472 = arith.addf %gather3A_466, %get3A_471 : vector<16xf32>
        tpu.vector_store_idx %arg8[%add3A_154, %broadcast_in_dim3A_468], %add3A_472 : memref<400x32xf32, #tpu.memory_space<vmem>>[vector<16xi32>, vector<16xi32>], vector<16xf32>,
      }
      %scan3A_121 = arith.constant 5 : i32
      %scan3A_122 = arith.constant 0 : i32
      %scan3A_123 = arith.constant 5 : i32
      %scan3A_124 = arith.addi %scan3A_122, %scan3A_123 : i32
      %scan3A_125 = arith.constant 1 : i32
      scf.for %scan3A_137 = %scan3A_122 to %scan3A_124 step %scan3A_125  : i32 {
        %mul3A_138 = arith.constant 16 : i32
        %mul3A_139 = arith.muli %scan3A_137, %mul3A_138 : i32
        %get3A = arith.constant 7 : i32
        %get3A_140 = arith.index_cast %get3A : i32 to index
        %get3A_141 = arith.index_cast %mul3A_139 : i32 to index
        %get3A_142 = tpu.vector_load %arg6[%get3A_140, %get3A_141] {strides = array<i32>} : memref<10x80xi32, #tpu.memory_space<vmem>>, vector<16xi32>,
        %and3A = arith.constant 3 : i32
        %and3A_143 = vector.broadcast %and3A : i32 to vector<16xi32>
        %and3A_144 = arith.andi %get3A_142, %and3A_143 : vector<16xi32>
        %shift_left3A = arith.constant 5 : i32
        %shift_left3A_145 = vector.broadcast %shift_left3A : i32 to vector<16xi32>
        %shift_left3A_146 = arith.shli %and3A_144, %shift_left3A_145 : vector<16xi32>
        %mul3A_147 = arith.constant 16 : i32
        %mul3A_148 = arith.muli %scan3A_137, %mul3A_147 : i32
        %add3A_149 = arith.constant 160 : i32
        %add3A_150 = arith.addi %add3A_149, %mul3A_148 : i32
        %add3A_151 = arith.constant 10 : i32
        %add3A_152 = arith.addi %add3A_151, %scan3A_137 : i32
        %add3A_153 = vector.broadcast %add3A_150 : i32 to vector<16xi32>
        %add3A_154 = arith.addi %add3A_153, %iota3A : vector<16xi32>
        %add3A_155 = arith.constant 0 : i32
        %add3A_156 = vector.broadcast %add3A_155 : i32 to vector<16xi32>
        %add3A_157 = arith.addi %shift_left3A_146, %add3A_156 : vector<16xi32>
        %gather3A = tpu.vector_load_idx %arg7[%add3A_154, %add3A_157] : memref<400x128xf32, #tpu.memory_space<vmem>>[vector<16xi32>, vector<16xi32>], vector<16xf32>,
        %broadcast_in_dim3A = arith.constant 0 : i32
        %broadcast_in_dim3A_158 = vector.broadcast %broadcast_in_dim3A : i32 to vector<16xi32>
        %get3A_159 = arith.index_cast %add3A_152 : i32 to index
        %get3A_160 = arith.constant 0 : index
        %get3A_161 = tpu.vector_load %arg9[%get3A_159, %get3A_160] {strides = array<i32>} : memref<25x512xf32, #tpu.memory_space<vmem>>, vector<16xf32>,
        %add3A_162 = arith.addf %gather3A, %get3A_161 : vector<16xf32>
        tpu.vector_store_idx %arg8[%add3A_154, %broadcast_in_dim3A_158], %add3A_162 : memref<400x32xf32, #tpu.memory_space<vmem>>[vector<16xi32>, vector<16xi32>], vector<16xf32>,
        %add3A_163 = arith.constant 1 : i32
        %add3A_164 = vector.broadcast %add3A_163 : i32 to vector<16xi32>
        %add3A_165 = arith.addi %shift_left3A_146, %add3A_164 : vector<16xi32>
        %gather3A_166 = tpu.vector_load_idx %arg7[%add3A_154, %add3A_165] : memref<400x128xf32, #tpu.memory_space<vmem>>[vector<16xi32>, vector<16xi32>], vector<16xf32>,
        %broadcast_in_dim3A_167 = arith.constant 1 : i32
        %broadcast_in_dim3A_168 = vector.broadcast %broadcast_in_dim3A_167 : i32 to vector<16xi32>
        %get3A_169 = arith.index_cast %add3A_152 : i32 to index
        %get3A_170 = arith.constant 16 : index
        %get3A_171 = tpu.vector_load %arg9[%get3A_169, %get3A_170] {strides = array<i32>} : memref<25x512xf32, #tpu.memory_space<vmem>>, vector<16xf32>,
        %add3A_172 = arith.addf %gather3A_166, %get3A_171 : vector<16xf32>
        tpu.vector_store_idx %arg8[%add3A_154, %broadcast_in_dim3A_168], %add3A_172 : memref<400x32xf32, #tpu.memory_space<vmem>>[vector<16xi32>, vector<16xi32>], vector<16xf32>,
        %add3A_173 = arith.constant 2 : i32
        %add3A_174 = vector.broadcast %add3A_173 : i32 to vector<16xi32>
        %add3A_175 = arith.addi %shift_left3A_146, %add3A_174 : vector<16xi32>
        %gather3A_176 = tpu.vector_load_idx %arg7[%add3A_154, %add3A_175] : memref<400x128xf32, #tpu.memory_space<vmem>>[vector<16xi32>, vector<16xi32>], vector<16xf32>,
        %broadcast_in_dim3A_177 = arith.constant 2 : i32
        %broadcast_in_dim3A_178 = vector.broadcast %broadcast_in_dim3A_177 : i32 to vector<16xi32>
        %get3A_179 = arith.index_cast %add3A_152 : i32 to index
        %get3A_180 = arith.constant 32 : index
        %get3A_181 = tpu.vector_load %arg9[%get3A_179, %get3A_180] {strides = array<i32>} : memref<25x512xf32, #tpu.memory_space<vmem>>, vector<16xf32>,
        %add3A_182 = arith.addf %gather3A_176, %get3A_181 : vector<16xf32>
        tpu.vector_store_idx %arg8[%add3A_154, %broadcast_in_dim3A_178], %add3A_182 : memref<400x32xf32, #tpu.memory_space<vmem>>[vector<16xi32>, vector<16xi32>], vector<16xf32>,
        %add3A_183 = arith.constant 3 : i32
        %add3A_184 = vector.broadcast %add3A_183 : i32 to vector<16xi32>
        %add3A_185 = arith.addi %shift_left3A_146, %add3A_184 : vector<16xi32>
        %gather3A_186 = tpu.vector_load_idx %arg7[%add3A_154, %add3A_185] : memref<400x128xf32, #tpu.memory_space<vmem>>[vector<16xi32>, vector<16xi32>], vector<16xf32>,
        %broadcast_in_dim3A_187 = arith.constant 3 : i32
        %broadcast_in_dim3A_188 = vector.broadcast %broadcast_in_dim3A_187 : i32 to vector<16xi32>
        %get3A_189 = arith.index_cast %add3A_152 : i32 to index
        %get3A_190 = arith.constant 48 : index
        %get3A_191 = tpu.vector_load %arg9[%get3A_189, %get3A_190] {strides = array<i32>} : memref<25x512xf32, #tpu.memory_space<vmem>>, vector<16xf32>,
        %add3A_192 = arith.addf %gather3A_186, %get3A_191 : vector<16xf32>
        tpu.vector_store_idx %arg8[%add3A_154, %broadcast_in_dim3A_188], %add3A_192 : memref<400x32xf32, #tpu.memory_space<vmem>>[vector<16xi32>, vector<16xi32>], vector<16xf32>,
        %add3A_193 = arith.constant 4 : i32
        %add3A_194 = vector.broadcast %add3A_193 : i32 to vector<16xi32>
        %add3A_195 = arith.addi %shift_left3A_146, %add3A_194 : vector<16xi32>
        %gather3A_196 = tpu.vector_load_idx %arg7[%add3A_154, %add3A_195] : memref<400x128xf32, #tpu.memory_space<vmem>>[vector<16xi32>, vector<16xi32>], vector<16xf32>,
        %broadcast_in_dim3A_197 = arith.constant 4 : i32
        %broadcast_in_dim3A_198 = vector.broadcast %broadcast_in_dim3A_197 : i32 to vector<16xi32>
        %get3A_199 = arith.index_cast %add3A_152 : i32 to index
        %get3A_200 = arith.constant 64 : index
        %get3A_201 = tpu.vector_load %arg9[%get3A_199, %get3A_200] {strides = array<i32>} : memref<25x512xf32, #tpu.memory_space<vmem>>, vector<16xf32>,
        %add3A_202 = arith.addf %gather3A_196, %get3A_201 : vector<16xf32>
        tpu.vector_store_idx %arg8[%add3A_154, %broadcast_in_dim3A_198], %add3A_202 : memref<400x32xf32, #tpu.memory_space<vmem>>[vector<16xi32>, vector<16xi32>], vector<16xf32>,
        %add3A_203 = arith.constant 5 : i32
        %add3A_204 = vector.broadcast %add3A_203 : i32 to vector<16xi32>
        %add3A_205 = arith.addi %shift_left3A_146, %add3A_204 : vector<16xi32>
        %gather3A_206 = tpu.vector_load_idx %arg7[%add3A_154, %add3A_205] : memref<400x128xf32, #tpu.memory_space<vmem>>[vector<16xi32>, vector<16xi32>], vector<16xf32>,
        %broadcast_in_dim3A_207 = arith.constant 5 : i32
        %broadcast_in_dim3A_208 = vector.broadcast %broadcast_in_dim3A_207 : i32 to vector<16xi32>
        %get3A_209 = arith.index_cast %add3A_152 : i32 to index
        %get3A_210 = arith.constant 80 : index
        %get3A_211 = tpu.vector_load %arg9[%get3A_209, %get3A_210] {strides = array<i32>} : memref<25x512xf32, #tpu.memory_space<vmem>>, vector<16xf32>,
        %add3A_212 = arith.addf %gather3A_206, %get3A_211 : vector<16xf32>
        tpu.vector_store_idx %arg8[%add3A_154, %broadcast_in_dim3A_208], %add3A_212 : memref<400x32xf32, #tpu.memory_space<vmem>>[vector<16xi32>, vector<16xi32>], vector<16xf32>,
        %add3A_213 = arith.constant 6 : i32
        %add3A_214 = vector.broadcast %add3A_213 : i32 to vector<16xi32>
        %add3A_215 = arith.addi %shift_left3A_146, %add3A_214 : vector<16xi32>
        %gather3A_216 = tpu.vector_load_idx %arg7[%add3A_154, %add3A_215] : memref<400x128xf32, #tpu.memory_space<vmem>>[vector<16xi32>, vector<16xi32>], vector<16xf32>,
        %broadcast_in_dim3A_217 = arith.constant 6 : i32
        %broadcast_in_dim3A_218 = vector.broadcast %broadcast_in_dim3A_217 : i32 to vector<16xi32>
        %get3A_219 = arith.index_cast %add3A_152 : i32 to index
        %get3A_220 = arith.constant 96 : index
        %get3A_221 = tpu.vector_load %arg9[%get3A_219, %get3A_220] {strides = array<i32>} : memref<25x512xf32, #tpu.memory_space<vmem>>, vector<16xf32>,
        %add3A_222 = arith.addf %gather3A_216, %get3A_221 : vector<16xf32>
        tpu.vector_store_idx %arg8[%add3A_154, %broadcast_in_dim3A_218], %add3A_222 : memref<400x32xf32, #tpu.memory_space<vmem>>[vector<16xi32>, vector<16xi32>], vector<16xf32>,
        %add3A_223 = arith.constant 7 : i32
        %add3A_224 = vector.broadcast %add3A_223 : i32 to vector<16xi32>
        %add3A_225 = arith.addi %shift_left3A_146, %add3A_224 : vector<16xi32>
        %gather3A_226 = tpu.vector_load_idx %arg7[%add3A_154, %add3A_225] : memref<400x128xf32, #tpu.memory_space<vmem>>[vector<16xi32>, vector<16xi32>], vector<16xf32>,
        %broadcast_in_dim3A_227 = arith.constant 7 : i32
        %broadcast_in_dim3A_228 = vector.broadcast %broadcast_in_dim3A_227 : i32 to vector<16xi32>
        %get3A_229 = arith.index_cast %add3A_152 : i32 to index
        %get3A_230 = arith.constant 112 : index
        %get3A_231 = tpu.vector_load %arg9[%get3A_229, %get3A_230] {strides = array<i32>} : memref<25x512xf32, #tpu.memory_space<vmem>>, vector<16xf32>,
        %add3A_232 = arith.addf %gather3A_226, %get3A_231 : vector<16xf32>
        tpu.vector_store_idx %arg8[%add3A_154, %broadcast_in_dim3A_228], %add3A_232 : memref<400x32xf32, #tpu.memory_space<vmem>>[vector<16xi32>, vector<16xi32>], vector<16xf32>,
        %add3A_233 = arith.constant 8 : i32
        %add3A_234 = vector.broadcast %add3A_233 : i32 to vector<16xi32>
        %add3A_235 = arith.addi %shift_left3A_146, %add3A_234 : vector<16xi32>
        %gather3A_236 = tpu.vector_load_idx %arg7[%add3A_154, %add3A_235] : memref<400x128xf32, #tpu.memory_space<vmem>>[vector<16xi32>, vector<16xi32>], vector<16xf32>,
        %broadcast_in_dim3A_237 = arith.constant 8 : i32
        %broadcast_in_dim3A_238 = vector.broadcast %broadcast_in_dim3A_237 : i32 to vector<16xi32>
        %get3A_239 = arith.index_cast %add3A_152 : i32 to index
        %get3A_240 = arith.constant 128 : index
        %get3A_241 = tpu.vector_load %arg9[%get3A_239, %get3A_240] {strides = array<i32>} : memref<25x512xf32, #tpu.memory_space<vmem>>, vector<16xf32>,
        %add3A_242 = arith.addf %gather3A_236, %get3A_241 : vector<16xf32>
        tpu.vector_store_idx %arg8[%add3A_154, %broadcast_in_dim3A_238], %add3A_242 : memref<400x32xf32, #tpu.memory_space<vmem>>[vector<16xi32>, vector<16xi32>], vector<16xf32>,
        %add3A_243 = arith.constant 9 : i32
        %add3A_244 = vector.broadcast %add3A_243 : i32 to vector<16xi32>
        %add3A_245 = arith.addi %shift_left3A_146, %add3A_244 : vector<16xi32>
        %gather3A_246 = tpu.vector_load_idx %arg7[%add3A_154, %add3A_245] : memref<400x128xf32, #tpu.memory_space<vmem>>[vector<16xi32>, vector<16xi32>], vector<16xf32>,
        %broadcast_in_dim3A_247 = arith.constant 9 : i32
        %broadcast_in_dim3A_248 = vector.broadcast %broadcast_in_dim3A_247 : i32 to vector<16xi32>
        %get3A_249 = arith.index_cast %add3A_152 : i32 to index
        %get3A_250 = arith.constant 144 : index
        %get3A_251 = tpu.vector_load %arg9[%get3A_249, %get3A_250] {strides = array<i32>} : memref<25x512xf32, #tpu.memory_space<vmem>>, vector<16xf32>,
        %add3A_252 = arith.addf %gather3A_246, %get3A_251 : vector<16xf32>
        tpu.vector_store_idx %arg8[%add3A_154, %broadcast_in_dim3A_248], %add3A_252 : memref<400x32xf32, #tpu.memory_space<vmem>>[vector<16xi32>, vector<16xi32>], vector<16xf32>,
        %add3A_253 = arith.constant 10 : i32
        %add3A_254 = vector.broadcast %add3A_253 : i32 to vector<16xi32>
        %add3A_255 = arith.addi %shift_left3A_146, %add3A_254 : vector<16xi32>
        %gather3A_256 = tpu.vector_load_idx %arg7[%add3A_154, %add3A_255] : memref<400x128xf32, #tpu.memory_space<vmem>>[vector<16xi32>, vector<16xi32>], vector<16xf32>,
        %broadcast_in_dim3A_257 = arith.constant 10 : i32
        %broadcast_in_dim3A_258 = vector.broadcast %broadcast_in_dim3A_257 : i32 to vector<16xi32>
        %get3A_259 = arith.index_cast %add3A_152 : i32 to index
        %get3A_260 = arith.constant 160 : index
        %get3A_261 = tpu.vector_load %arg9[%get3A_259, %get3A_260] {strides = array<i32>} : memref<25x512xf32, #tpu.memory_space<vmem>>, vector<16xf32>,
        %add3A_262 = arith.addf %gather3A_256, %get3A_261 : vector<16xf32>
        tpu.vector_store_idx %arg8[%add3A_154, %broadcast_in_dim3A_258], %add3A_262 : memref<400x32xf32, #tpu.memory_space<vmem>>[vector<16xi32>, vector<16xi32>], vector<16xf32>,
        %add3A_263 = arith.constant 11 : i32
        %add3A_264 = vector.broadcast %add3A_263 : i32 to vector<16xi32>
        %add3A_265 = arith.addi %shift_left3A_146, %add3A_264 : vector<16xi32>
        %gather3A_266 = tpu.vector_load_idx %arg7[%add3A_154, %add3A_265] : memref<400x128xf32, #tpu.memory_space<vmem>>[vector<16xi32>, vector<16xi32>], vector<16xf32>,
        %broadcast_in_dim3A_267 = arith.constant 11 : i32
        %broadcast_in_dim3A_268 = vector.broadcast %broadcast_in_dim3A_267 : i32 to vector<16xi32>
        %get3A_269 = arith.index_cast %add3A_152 : i32 to index
        %get3A_270 = arith.constant 176 : index
        %get3A_271 = tpu.vector_load %arg9[%get3A_269, %get3A_270] {strides = array<i32>} : memref<25x512xf32, #tpu.memory_space<vmem>>, vector<16xf32>,
        %add3A_272 = arith.addf %gather3A_266, %get3A_271 : vector<16xf32>
        tpu.vector_store_idx %arg8[%add3A_154, %broadcast_in_dim3A_268], %add3A_272 : memref<400x32xf32, #tpu.memory_space<vmem>>[vector<16xi32>, vector<16xi32>], vector<16xf32>,
        %add3A_273 = arith.constant 12 : i32
        %add3A_274 = vector.broadcast %add3A_273 : i32 to vector<16xi32>
        %add3A_275 = arith.addi %shift_left3A_146, %add3A_274 : vector<16xi32>
        %gather3A_276 = tpu.vector_load_idx %arg7[%add3A_154, %add3A_275] : memref<400x128xf32, #tpu.memory_space<vmem>>[vector<16xi32>, vector<16xi32>], vector<16xf32>,
        %broadcast_in_dim3A_277 = arith.constant 12 : i32
        %broadcast_in_dim3A_278 = vector.broadcast %broadcast_in_dim3A_277 : i32 to vector<16xi32>
        %get3A_279 = arith.index_cast %add3A_152 : i32 to index
        %get3A_280 = arith.constant 192 : index
        %get3A_281 = tpu.vector_load %arg9[%get3A_279, %get3A_280] {strides = array<i32>} : memref<25x512xf32, #tpu.memory_space<vmem>>, vector<16xf32>,
        %add3A_282 = arith.addf %gather3A_276, %get3A_281 : vector<16xf32>
        tpu.vector_store_idx %arg8[%add3A_154, %broadcast_in_dim3A_278], %add3A_282 : memref<400x32xf32, #tpu.memory_space<vmem>>[vector<16xi32>, vector<16xi32>], vector<16xf32>,
        %add3A_283 = arith.constant 13 : i32
        %add3A_284 = vector.broadcast %add3A_283 : i32 to vector<16xi32>
        %add3A_285 = arith.addi %shift_left3A_146, %add3A_284 : vector<16xi32>
        %gather3A_286 = tpu.vector_load_idx %arg7[%add3A_154, %add3A_285] : memref<400x128xf32, #tpu.memory_space<vmem>>[vector<16xi32>, vector<16xi32>], vector<16xf32>,
        %broadcast_in_dim3A_287 = arith.constant 13 : i32
        %broadcast_in_dim3A_288 = vector.broadcast %broadcast_in_dim3A_287 : i32 to vector<16xi32>
        %get3A_289 = arith.index_cast %add3A_152 : i32 to index
        %get3A_290 = arith.constant 208 : index
        %get3A_291 = tpu.vector_load %arg9[%get3A_289, %get3A_290] {strides = array<i32>} : memref<25x512xf32, #tpu.memory_space<vmem>>, vector<16xf32>,
        %add3A_292 = arith.addf %gather3A_286, %get3A_291 : vector<16xf32>
        tpu.vector_store_idx %arg8[%add3A_154, %broadcast_in_dim3A_288], %add3A_292 : memref<400x32xf32, #tpu.memory_space<vmem>>[vector<16xi32>, vector<16xi32>], vector<16xf32>,
        %add3A_293 = arith.constant 14 : i32
        %add3A_294 = vector.broadcast %add3A_293 : i32 to vector<16xi32>
        %add3A_295 = arith.addi %shift_left3A_146, %add3A_294 : vector<16xi32>
        %gather3A_296 = tpu.vector_load_idx %arg7[%add3A_154, %add3A_295] : memref<400x128xf32, #tpu.memory_space<vmem>>[vector<16xi32>, vector<16xi32>], vector<16xf32>,
        %broadcast_in_dim3A_297 = arith.constant 14 : i32
        %broadcast_in_dim3A_298 = vector.broadcast %broadcast_in_dim3A_297 : i32 to vector<16xi32>
        %get3A_299 = arith.index_cast %add3A_152 : i32 to index
        %get3A_300 = arith.constant 224 : index
        %get3A_301 = tpu.vector_load %arg9[%get3A_299, %get3A_300] {strides = array<i32>} : memref<25x512xf32, #tpu.memory_space<vmem>>, vector<16xf32>,
        %add3A_302 = arith.addf %gather3A_296, %get3A_301 : vector<16xf32>
        tpu.vector_store_idx %arg8[%add3A_154, %broadcast_in_dim3A_298], %add3A_302 : memref<400x32xf32, #tpu.memory_space<vmem>>[vector<16xi32>, vector<16xi32>], vector<16xf32>,
        %add3A_303 = arith.constant 15 : i32
        %add3A_304 = vector.broadcast %add3A_303 : i32 to vector<16xi32>
        %add3A_305 = arith.addi %shift_left3A_146, %add3A_304 : vector<16xi32>
        %gather3A_306 = tpu.vector_load_idx %arg7[%add3A_154, %add3A_305] : memref<400x128xf32, #tpu.memory_space<vmem>>[vector<16xi32>, vector<16xi32>], vector<16xf32>,
        %broadcast_in_dim3A_307 = arith.constant 15 : i32
        %broadcast_in_dim3A_308 = vector.broadcast %broadcast_in_dim3A_307 : i32 to vector<16xi32>
        %get3A_309 = arith.index_cast %add3A_152 : i32 to index
        %get3A_310 = arith.constant 240 : index
        %get3A_311 = tpu.vector_load %arg9[%get3A_309, %get3A_310] {strides = array<i32>} : memref<25x512xf32, #tpu.memory_space<vmem>>, vector<16xf32>,
        %add3A_312 = arith.addf %gather3A_306, %get3A_311 : vector<16xf32>
        tpu.vector_store_idx %arg8[%add3A_154, %broadcast_in_dim3A_308], %add3A_312 : memref<400x32xf32, #tpu.memory_space<vmem>>[vector<16xi32>, vector<16xi32>], vector<16xf32>,
        %add3A_313 = arith.constant 16 : i32
        %add3A_314 = vector.broadcast %add3A_313 : i32 to vector<16xi32>
        %add3A_315 = arith.addi %shift_left3A_146, %add3A_314 : vector<16xi32>
        %gather3A_316 = tpu.vector_load_idx %arg7[%add3A_154, %add3A_315] : memref<400x128xf32, #tpu.memory_space<vmem>>[vector<16xi32>, vector<16xi32>], vector<16xf32>,
        %broadcast_in_dim3A_317 = arith.constant 16 : i32
        %broadcast_in_dim3A_318 = vector.broadcast %broadcast_in_dim3A_317 : i32 to vector<16xi32>
        %get3A_319 = arith.index_cast %add3A_152 : i32 to index
        %get3A_320 = arith.constant 256 : index
        %get3A_321 = tpu.vector_load %arg9[%get3A_319, %get3A_320] {strides = array<i32>} : memref<25x512xf32, #tpu.memory_space<vmem>>, vector<16xf32>,
        %add3A_322 = arith.addf %gather3A_316, %get3A_321 : vector<16xf32>
        tpu.vector_store_idx %arg8[%add3A_154, %broadcast_in_dim3A_318], %add3A_322 : memref<400x32xf32, #tpu.memory_space<vmem>>[vector<16xi32>, vector<16xi32>], vector<16xf32>,
        %add3A_323 = arith.constant 17 : i32
        %add3A_324 = vector.broadcast %add3A_323 : i32 to vector<16xi32>
        %add3A_325 = arith.addi %shift_left3A_146, %add3A_324 : vector<16xi32>
        %gather3A_326 = tpu.vector_load_idx %arg7[%add3A_154, %add3A_325] : memref<400x128xf32, #tpu.memory_space<vmem>>[vector<16xi32>, vector<16xi32>], vector<16xf32>,
        %broadcast_in_dim3A_327 = arith.constant 17 : i32
        %broadcast_in_dim3A_328 = vector.broadcast %broadcast_in_dim3A_327 : i32 to vector<16xi32>
        %get3A_329 = arith.index_cast %add3A_152 : i32 to index
        %get3A_330 = arith.constant 272 : index
        %get3A_331 = tpu.vector_load %arg9[%get3A_329, %get3A_330] {strides = array<i32>} : memref<25x512xf32, #tpu.memory_space<vmem>>, vector<16xf32>,
        %add3A_332 = arith.addf %gather3A_326, %get3A_331 : vector<16xf32>
        tpu.vector_store_idx %arg8[%add3A_154, %broadcast_in_dim3A_328], %add3A_332 : memref<400x32xf32, #tpu.memory_space<vmem>>[vector<16xi32>, vector<16xi32>], vector<16xf32>,
        %add3A_333 = arith.constant 18 : i32
        %add3A_334 = vector.broadcast %add3A_333 : i32 to vector<16xi32>
        %add3A_335 = arith.addi %shift_left3A_146, %add3A_334 : vector<16xi32>
        %gather3A_336 = tpu.vector_load_idx %arg7[%add3A_154, %add3A_335] : memref<400x128xf32, #tpu.memory_space<vmem>>[vector<16xi32>, vector<16xi32>], vector<16xf32>,
        %broadcast_in_dim3A_337 = arith.constant 18 : i32
        %broadcast_in_dim3A_338 = vector.broadcast %broadcast_in_dim3A_337 : i32 to vector<16xi32>
        %get3A_339 = arith.index_cast %add3A_152 : i32 to index
        %get3A_340 = arith.constant 288 : index
        %get3A_341 = tpu.vector_load %arg9[%get3A_339, %get3A_340] {strides = array<i32>} : memref<25x512xf32, #tpu.memory_space<vmem>>, vector<16xf32>,
        %add3A_342 = arith.addf %gather3A_336, %get3A_341 : vector<16xf32>
        tpu.vector_store_idx %arg8[%add3A_154, %broadcast_in_dim3A_338], %add3A_342 : memref<400x32xf32, #tpu.memory_space<vmem>>[vector<16xi32>, vector<16xi32>], vector<16xf32>,
        %add3A_343 = arith.constant 19 : i32
        %add3A_344 = vector.broadcast %add3A_343 : i32 to vector<16xi32>
        %add3A_345 = arith.addi %shift_left3A_146, %add3A_344 : vector<16xi32>
        %gather3A_346 = tpu.vector_load_idx %arg7[%add3A_154, %add3A_345] : memref<400x128xf32, #tpu.memory_space<vmem>>[vector<16xi32>, vector<16xi32>], vector<16xf32>,
        %broadcast_in_dim3A_347 = arith.constant 19 : i32
        %broadcast_in_dim3A_348 = vector.broadcast %broadcast_in_dim3A_347 : i32 to vector<16xi32>
        %get3A_349 = arith.index_cast %add3A_152 : i32 to index
        %get3A_350 = arith.constant 304 : index
        %get3A_351 = tpu.vector_load %arg9[%get3A_349, %get3A_350] {strides = array<i32>} : memref<25x512xf32, #tpu.memory_space<vmem>>, vector<16xf32>,
        %add3A_352 = arith.addf %gather3A_346, %get3A_351 : vector<16xf32>
        tpu.vector_store_idx %arg8[%add3A_154, %broadcast_in_dim3A_348], %add3A_352 : memref<400x32xf32, #tpu.memory_space<vmem>>[vector<16xi32>, vector<16xi32>], vector<16xf32>,
        %add3A_353 = arith.constant 20 : i32
        %add3A_354 = vector.broadcast %add3A_353 : i32 to vector<16xi32>
        %add3A_355 = arith.addi %shift_left3A_146, %add3A_354 : vector<16xi32>
        %gather3A_356 = tpu.vector_load_idx %arg7[%add3A_154, %add3A_355] : memref<400x128xf32, #tpu.memory_space<vmem>>[vector<16xi32>, vector<16xi32>], vector<16xf32>,
        %broadcast_in_dim3A_357 = arith.constant 20 : i32
        %broadcast_in_dim3A_358 = vector.broadcast %broadcast_in_dim3A_357 : i32 to vector<16xi32>
        %get3A_359 = arith.index_cast %add3A_152 : i32 to index
        %get3A_360 = arith.constant 320 : index
        %get3A_361 = tpu.vector_load %arg9[%get3A_359, %get3A_360] {strides = array<i32>} : memref<25x512xf32, #tpu.memory_space<vmem>>, vector<16xf32>,
        %add3A_362 = arith.addf %gather3A_356, %get3A_361 : vector<16xf32>
        tpu.vector_store_idx %arg8[%add3A_154, %broadcast_in_dim3A_358], %add3A_362 : memref<400x32xf32, #tpu.memory_space<vmem>>[vector<16xi32>, vector<16xi32>], vector<16xf32>,
        %add3A_363 = arith.constant 21 : i32
        %add3A_364 = vector.broadcast %add3A_363 : i32 to vector<16xi32>
        %add3A_365 = arith.addi %shift_left3A_146, %add3A_364 : vector<16xi32>
        %gather3A_366 = tpu.vector_load_idx %arg7[%add3A_154, %add3A_365] : memref<400x128xf32, #tpu.memory_space<vmem>>[vector<16xi32>, vector<16xi32>], vector<16xf32>,
        %broadcast_in_dim3A_367 = arith.constant 21 : i32
        %broadcast_in_dim3A_368 = vector.broadcast %broadcast_in_dim3A_367 : i32 to vector<16xi32>
        %get3A_369 = arith.index_cast %add3A_152 : i32 to index
        %get3A_370 = arith.constant 336 : index
        %get3A_371 = tpu.vector_load %arg9[%get3A_369, %get3A_370] {strides = array<i32>} : memref<25x512xf32, #tpu.memory_space<vmem>>, vector<16xf32>,
        %add3A_372 = arith.addf %gather3A_366, %get3A_371 : vector<16xf32>
        tpu.vector_store_idx %arg8[%add3A_154, %broadcast_in_dim3A_368], %add3A_372 : memref<400x32xf32, #tpu.memory_space<vmem>>[vector<16xi32>, vector<16xi32>], vector<16xf32>,
        %add3A_373 = arith.constant 22 : i32
        %add3A_374 = vector.broadcast %add3A_373 : i32 to vector<16xi32>
        %add3A_375 = arith.addi %shift_left3A_146, %add3A_374 : vector<16xi32>
        %gather3A_376 = tpu.vector_load_idx %arg7[%add3A_154, %add3A_375] : memref<400x128xf32, #tpu.memory_space<vmem>>[vector<16xi32>, vector<16xi32>], vector<16xf32>,
        %broadcast_in_dim3A_377 = arith.constant 22 : i32
        %broadcast_in_dim3A_378 = vector.broadcast %broadcast_in_dim3A_377 : i32 to vector<16xi32>
        %get3A_379 = arith.index_cast %add3A_152 : i32 to index
        %get3A_380 = arith.constant 352 : index
        %get3A_381 = tpu.vector_load %arg9[%get3A_379, %get3A_380] {strides = array<i32>} : memref<25x512xf32, #tpu.memory_space<vmem>>, vector<16xf32>,
        %add3A_382 = arith.addf %gather3A_376, %get3A_381 : vector<16xf32>
        tpu.vector_store_idx %arg8[%add3A_154, %broadcast_in_dim3A_378], %add3A_382 : memref<400x32xf32, #tpu.memory_space<vmem>>[vector<16xi32>, vector<16xi32>], vector<16xf32>,
        %add3A_383 = arith.constant 23 : i32
        %add3A_384 = vector.broadcast %add3A_383 : i32 to vector<16xi32>
        %add3A_385 = arith.addi %shift_left3A_146, %add3A_384 : vector<16xi32>
        %gather3A_386 = tpu.vector_load_idx %arg7[%add3A_154, %add3A_385] : memref<400x128xf32, #tpu.memory_space<vmem>>[vector<16xi32>, vector<16xi32>], vector<16xf32>,
        %broadcast_in_dim3A_387 = arith.constant 23 : i32
        %broadcast_in_dim3A_388 = vector.broadcast %broadcast_in_dim3A_387 : i32 to vector<16xi32>
        %get3A_389 = arith.index_cast %add3A_152 : i32 to index
        %get3A_390 = arith.constant 368 : index
        %get3A_391 = tpu.vector_load %arg9[%get3A_389, %get3A_390] {strides = array<i32>} : memref<25x512xf32, #tpu.memory_space<vmem>>, vector<16xf32>,
        %add3A_392 = arith.addf %gather3A_386, %get3A_391 : vector<16xf32>
        tpu.vector_store_idx %arg8[%add3A_154, %broadcast_in_dim3A_388], %add3A_392 : memref<400x32xf32, #tpu.memory_space<vmem>>[vector<16xi32>, vector<16xi32>], vector<16xf32>,
        %add3A_393 = arith.constant 24 : i32
        %add3A_394 = vector.broadcast %add3A_393 : i32 to vector<16xi32>
        %add3A_395 = arith.addi %shift_left3A_146, %add3A_394 : vector<16xi32>
        %gather3A_396 = tpu.vector_load_idx %arg7[%add3A_154, %add3A_395] : memref<400x128xf32, #tpu.memory_space<vmem>>[vector<16xi32>, vector<16xi32>], vector<16xf32>,
        %broadcast_in_dim3A_397 = arith.constant 24 : i32
        %broadcast_in_dim3A_398 = vector.broadcast %broadcast_in_dim3A_397 : i32 to vector<16xi32>
        %get3A_399 = arith.index_cast %add3A_152 : i32 to index
        %get3A_400 = arith.constant 384 : index
        %get3A_401 = tpu.vector_load %arg9[%get3A_399, %get3A_400] {strides = array<i32>} : memref<25x512xf32, #tpu.memory_space<vmem>>, vector<16xf32>,
        %add3A_402 = arith.addf %gather3A_396, %get3A_401 : vector<16xf32>
        tpu.vector_store_idx %arg8[%add3A_154, %broadcast_in_dim3A_398], %add3A_402 : memref<400x32xf32, #tpu.memory_space<vmem>>[vector<16xi32>, vector<16xi32>], vector<16xf32>,
        %add3A_403 = arith.constant 25 : i32
        %add3A_404 = vector.broadcast %add3A_403 : i32 to vector<16xi32>
        %add3A_405 = arith.addi %shift_left3A_146, %add3A_404 : vector<16xi32>
        %gather3A_406 = tpu.vector_load_idx %arg7[%add3A_154, %add3A_405] : memref<400x128xf32, #tpu.memory_space<vmem>>[vector<16xi32>, vector<16xi32>], vector<16xf32>,
        %broadcast_in_dim3A_407 = arith.constant 25 : i32
        %broadcast_in_dim3A_408 = vector.broadcast %broadcast_in_dim3A_407 : i32 to vector<16xi32>
        %get3A_409 = arith.index_cast %add3A_152 : i32 to index
        %get3A_410 = arith.constant 400 : index
        %get3A_411 = tpu.vector_load %arg9[%get3A_409, %get3A_410] {strides = array<i32>} : memref<25x512xf32, #tpu.memory_space<vmem>>, vector<16xf32>,
        %add3A_412 = arith.addf %gather3A_406, %get3A_411 : vector<16xf32>
        tpu.vector_store_idx %arg8[%add3A_154, %broadcast_in_dim3A_408], %add3A_412 : memref<400x32xf32, #tpu.memory_space<vmem>>[vector<16xi32>, vector<16xi32>], vector<16xf32>,
        %add3A_413 = arith.constant 26 : i32
        %add3A_414 = vector.broadcast %add3A_413 : i32 to vector<16xi32>
        %add3A_415 = arith.addi %shift_left3A_146, %add3A_414 : vector<16xi32>
        %gather3A_416 = tpu.vector_load_idx %arg7[%add3A_154, %add3A_415] : memref<400x128xf32, #tpu.memory_space<vmem>>[vector<16xi32>, vector<16xi32>], vector<16xf32>,
        %broadcast_in_dim3A_417 = arith.constant 26 : i32
        %broadcast_in_dim3A_418 = vector.broadcast %broadcast_in_dim3A_417 : i32 to vector<16xi32>
        %get3A_419 = arith.index_cast %add3A_152 : i32 to index
        %get3A_420 = arith.constant 416 : index
        %get3A_421 = tpu.vector_load %arg9[%get3A_419, %get3A_420] {strides = array<i32>} : memref<25x512xf32, #tpu.memory_space<vmem>>, vector<16xf32>,
        %add3A_422 = arith.addf %gather3A_416, %get3A_421 : vector<16xf32>
        tpu.vector_store_idx %arg8[%add3A_154, %broadcast_in_dim3A_418], %add3A_422 : memref<400x32xf32, #tpu.memory_space<vmem>>[vector<16xi32>, vector<16xi32>], vector<16xf32>,
        %add3A_423 = arith.constant 27 : i32
        %add3A_424 = vector.broadcast %add3A_423 : i32 to vector<16xi32>
        %add3A_425 = arith.addi %shift_left3A_146, %add3A_424 : vector<16xi32>
        %gather3A_426 = tpu.vector_load_idx %arg7[%add3A_154, %add3A_425] : memref<400x128xf32, #tpu.memory_space<vmem>>[vector<16xi32>, vector<16xi32>], vector<16xf32>,
        %broadcast_in_dim3A_427 = arith.constant 27 : i32
        %broadcast_in_dim3A_428 = vector.broadcast %broadcast_in_dim3A_427 : i32 to vector<16xi32>
        %get3A_429 = arith.index_cast %add3A_152 : i32 to index
        %get3A_430 = arith.constant 432 : index
        %get3A_431 = tpu.vector_load %arg9[%get3A_429, %get3A_430] {strides = array<i32>} : memref<25x512xf32, #tpu.memory_space<vmem>>, vector<16xf32>,
        %add3A_432 = arith.addf %gather3A_426, %get3A_431 : vector<16xf32>
        tpu.vector_store_idx %arg8[%add3A_154, %broadcast_in_dim3A_428], %add3A_432 : memref<400x32xf32, #tpu.memory_space<vmem>>[vector<16xi32>, vector<16xi32>], vector<16xf32>,
        %add3A_433 = arith.constant 28 : i32
        %add3A_434 = vector.broadcast %add3A_433 : i32 to vector<16xi32>
        %add3A_435 = arith.addi %shift_left3A_146, %add3A_434 : vector<16xi32>
        %gather3A_436 = tpu.vector_load_idx %arg7[%add3A_154, %add3A_435] : memref<400x128xf32, #tpu.memory_space<vmem>>[vector<16xi32>, vector<16xi32>], vector<16xf32>,
        %broadcast_in_dim3A_437 = arith.constant 28 : i32
        %broadcast_in_dim3A_438 = vector.broadcast %broadcast_in_dim3A_437 : i32 to vector<16xi32>
        %get3A_439 = arith.index_cast %add3A_152 : i32 to index
        %get3A_440 = arith.constant 448 : index
        %get3A_441 = tpu.vector_load %arg9[%get3A_439, %get3A_440] {strides = array<i32>} : memref<25x512xf32, #tpu.memory_space<vmem>>, vector<16xf32>,
        %add3A_442 = arith.addf %gather3A_436, %get3A_441 : vector<16xf32>
        tpu.vector_store_idx %arg8[%add3A_154, %broadcast_in_dim3A_438], %add3A_442 : memref<400x32xf32, #tpu.memory_space<vmem>>[vector<16xi32>, vector<16xi32>], vector<16xf32>,
        %add3A_443 = arith.constant 29 : i32
        %add3A_444 = vector.broadcast %add3A_443 : i32 to vector<16xi32>
        %add3A_445 = arith.addi %shift_left3A_146, %add3A_444 : vector<16xi32>
        %gather3A_446 = tpu.vector_load_idx %arg7[%add3A_154, %add3A_445] : memref<400x128xf32, #tpu.memory_space<vmem>>[vector<16xi32>, vector<16xi32>], vector<16xf32>,
        %broadcast_in_dim3A_447 = arith.constant 29 : i32
        %broadcast_in_dim3A_448 = vector.broadcast %broadcast_in_dim3A_447 : i32 to vector<16xi32>
        %get3A_449 = arith.index_cast %add3A_152 : i32 to index
        %get3A_450 = arith.constant 464 : index
        %get3A_451 = tpu.vector_load %arg9[%get3A_449, %get3A_450] {strides = array<i32>} : memref<25x512xf32, #tpu.memory_space<vmem>>, vector<16xf32>,
        %add3A_452 = arith.addf %gather3A_446, %get3A_451 : vector<16xf32>
        tpu.vector_store_idx %arg8[%add3A_154, %broadcast_in_dim3A_448], %add3A_452 : memref<400x32xf32, #tpu.memory_space<vmem>>[vector<16xi32>, vector<16xi32>], vector<16xf32>,
        %add3A_453 = arith.constant 30 : i32
        %add3A_454 = vector.broadcast %add3A_453 : i32 to vector<16xi32>
        %add3A_455 = arith.addi %shift_left3A_146, %add3A_454 : vector<16xi32>
        %gather3A_456 = tpu.vector_load_idx %arg7[%add3A_154, %add3A_455] : memref<400x128xf32, #tpu.memory_space<vmem>>[vector<16xi32>, vector<16xi32>], vector<16xf32>,
        %broadcast_in_dim3A_457 = arith.constant 30 : i32
        %broadcast_in_dim3A_458 = vector.broadcast %broadcast_in_dim3A_457 : i32 to vector<16xi32>
        %get3A_459 = arith.index_cast %add3A_152 : i32 to index
        %get3A_460 = arith.constant 480 : index
        %get3A_461 = tpu.vector_load %arg9[%get3A_459, %get3A_460] {strides = array<i32>} : memref<25x512xf32, #tpu.memory_space<vmem>>, vector<16xf32>,
        %add3A_462 = arith.addf %gather3A_456, %get3A_461 : vector<16xf32>
        tpu.vector_store_idx %arg8[%add3A_154, %broadcast_in_dim3A_458], %add3A_462 : memref<400x32xf32, #tpu.memory_space<vmem>>[vector<16xi32>, vector<16xi32>], vector<16xf32>,
        %add3A_463 = arith.constant 31 : i32
        %add3A_464 = vector.broadcast %add3A_463 : i32 to vector<16xi32>
        %add3A_465 = arith.addi %shift_left3A_146, %add3A_464 : vector<16xi32>
        %gather3A_466 = tpu.vector_load_idx %arg7[%add3A_154, %add3A_465] : memref<400x128xf32, #tpu.memory_space<vmem>>[vector<16xi32>, vector<16xi32>], vector<16xf32>,
        %broadcast_in_dim3A_467 = arith.constant 31 : i32
        %broadcast_in_dim3A_468 = vector.broadcast %broadcast_in_dim3A_467 : i32 to vector<16xi32>
        %get3A_469 = arith.index_cast %add3A_152 : i32 to index
        %get3A_470 = arith.constant 496 : index
        %get3A_471 = tpu.vector_load %arg9[%get3A_469, %get3A_470] {strides = array<i32>} : memref<25x512xf32, #tpu.memory_space<vmem>>, vector<16xf32>,
        %add3A_472 = arith.addf %gather3A_466, %get3A_471 : vector<16xf32>
        tpu.vector_store_idx %arg8[%add3A_154, %broadcast_in_dim3A_468], %add3A_472 : memref<400x32xf32, #tpu.memory_space<vmem>>[vector<16xi32>, vector<16xi32>], vector<16xf32>,
      }
      %scan3A_126 = arith.constant 5 : i32
      %scan3A_127 = arith.constant 0 : i32
      %scan3A_128 = arith.constant 5 : i32
      %scan3A_129 = arith.addi %scan3A_127, %scan3A_128 : i32
      %scan3A_130 = arith.constant 1 : i32
      scf.for %scan3A_137 = %scan3A_127 to %scan3A_129 step %scan3A_130  : i32 {
        %mul3A_138 = arith.constant 16 : i32
        %mul3A_139 = arith.muli %scan3A_137, %mul3A_138 : i32
        %get3A = arith.constant 8 : i32
        %get3A_140 = arith.index_cast %get3A : i32 to index
        %get3A_141 = arith.index_cast %mul3A_139 : i32 to index
        %get3A_142 = tpu.vector_load %arg6[%get3A_140, %get3A_141] {strides = array<i32>} : memref<10x80xi32, #tpu.memory_space<vmem>>, vector<16xi32>,
        %and3A = arith.constant 3 : i32
        %and3A_143 = vector.broadcast %and3A : i32 to vector<16xi32>
        %and3A_144 = arith.andi %get3A_142, %and3A_143 : vector<16xi32>
        %shift_left3A = arith.constant 5 : i32
        %shift_left3A_145 = vector.broadcast %shift_left3A : i32 to vector<16xi32>
        %shift_left3A_146 = arith.shli %and3A_144, %shift_left3A_145 : vector<16xi32>
        %mul3A_147 = arith.constant 16 : i32
        %mul3A_148 = arith.muli %scan3A_137, %mul3A_147 : i32
        %add3A_149 = arith.constant 240 : i32
        %add3A_150 = arith.addi %add3A_149, %mul3A_148 : i32
        %add3A_151 = arith.constant 15 : i32
        %add3A_152 = arith.addi %add3A_151, %scan3A_137 : i32
        %add3A_153 = vector.broadcast %add3A_150 : i32 to vector<16xi32>
        %add3A_154 = arith.addi %add3A_153, %iota3A : vector<16xi32>
        %add3A_155 = arith.constant 0 : i32
        %add3A_156 = vector.broadcast %add3A_155 : i32 to vector<16xi32>
        %add3A_157 = arith.addi %shift_left3A_146, %add3A_156 : vector<16xi32>
        %gather3A = tpu.vector_load_idx %arg7[%add3A_154, %add3A_157] : memref<400x128xf32, #tpu.memory_space<vmem>>[vector<16xi32>, vector<16xi32>], vector<16xf32>,
        %broadcast_in_dim3A = arith.constant 0 : i32
        %broadcast_in_dim3A_158 = vector.broadcast %broadcast_in_dim3A : i32 to vector<16xi32>
        %get3A_159 = arith.index_cast %add3A_152 : i32 to index
        %get3A_160 = arith.constant 0 : index
        %get3A_161 = tpu.vector_load %arg9[%get3A_159, %get3A_160] {strides = array<i32>} : memref<25x512xf32, #tpu.memory_space<vmem>>, vector<16xf32>,
        %add3A_162 = arith.addf %gather3A, %get3A_161 : vector<16xf32>
        tpu.vector_store_idx %arg8[%add3A_154, %broadcast_in_dim3A_158], %add3A_162 : memref<400x32xf32, #tpu.memory_space<vmem>>[vector<16xi32>, vector<16xi32>], vector<16xf32>,
        %add3A_163 = arith.constant 1 : i32
        %add3A_164 = vector.broadcast %add3A_163 : i32 to vector<16xi32>
        %add3A_165 = arith.addi %shift_left3A_146, %add3A_164 : vector<16xi32>
        %gather3A_166 = tpu.vector_load_idx %arg7[%add3A_154, %add3A_165] : memref<400x128xf32, #tpu.memory_space<vmem>>[vector<16xi32>, vector<16xi32>], vector<16xf32>,
        %broadcast_in_dim3A_167 = arith.constant 1 : i32
        %broadcast_in_dim3A_168 = vector.broadcast %broadcast_in_dim3A_167 : i32 to vector<16xi32>
        %get3A_169 = arith.index_cast %add3A_152 : i32 to index
        %get3A_170 = arith.constant 16 : index
        %get3A_171 = tpu.vector_load %arg9[%get3A_169, %get3A_170] {strides = array<i32>} : memref<25x512xf32, #tpu.memory_space<vmem>>, vector<16xf32>,
        %add3A_172 = arith.addf %gather3A_166, %get3A_171 : vector<16xf32>
        tpu.vector_store_idx %arg8[%add3A_154, %broadcast_in_dim3A_168], %add3A_172 : memref<400x32xf32, #tpu.memory_space<vmem>>[vector<16xi32>, vector<16xi32>], vector<16xf32>,
        %add3A_173 = arith.constant 2 : i32
        %add3A_174 = vector.broadcast %add3A_173 : i32 to vector<16xi32>
        %add3A_175 = arith.addi %shift_left3A_146, %add3A_174 : vector<16xi32>
        %gather3A_176 = tpu.vector_load_idx %arg7[%add3A_154, %add3A_175] : memref<400x128xf32, #tpu.memory_space<vmem>>[vector<16xi32>, vector<16xi32>], vector<16xf32>,
        %broadcast_in_dim3A_177 = arith.constant 2 : i32
        %broadcast_in_dim3A_178 = vector.broadcast %broadcast_in_dim3A_177 : i32 to vector<16xi32>
        %get3A_179 = arith.index_cast %add3A_152 : i32 to index
        %get3A_180 = arith.constant 32 : index
        %get3A_181 = tpu.vector_load %arg9[%get3A_179, %get3A_180] {strides = array<i32>} : memref<25x512xf32, #tpu.memory_space<vmem>>, vector<16xf32>,
        %add3A_182 = arith.addf %gather3A_176, %get3A_181 : vector<16xf32>
        tpu.vector_store_idx %arg8[%add3A_154, %broadcast_in_dim3A_178], %add3A_182 : memref<400x32xf32, #tpu.memory_space<vmem>>[vector<16xi32>, vector<16xi32>], vector<16xf32>,
        %add3A_183 = arith.constant 3 : i32
        %add3A_184 = vector.broadcast %add3A_183 : i32 to vector<16xi32>
        %add3A_185 = arith.addi %shift_left3A_146, %add3A_184 : vector<16xi32>
        %gather3A_186 = tpu.vector_load_idx %arg7[%add3A_154, %add3A_185] : memref<400x128xf32, #tpu.memory_space<vmem>>[vector<16xi32>, vector<16xi32>], vector<16xf32>,
        %broadcast_in_dim3A_187 = arith.constant 3 : i32
        %broadcast_in_dim3A_188 = vector.broadcast %broadcast_in_dim3A_187 : i32 to vector<16xi32>
        %get3A_189 = arith.index_cast %add3A_152 : i32 to index
        %get3A_190 = arith.constant 48 : index
        %get3A_191 = tpu.vector_load %arg9[%get3A_189, %get3A_190] {strides = array<i32>} : memref<25x512xf32, #tpu.memory_space<vmem>>, vector<16xf32>,
        %add3A_192 = arith.addf %gather3A_186, %get3A_191 : vector<16xf32>
        tpu.vector_store_idx %arg8[%add3A_154, %broadcast_in_dim3A_188], %add3A_192 : memref<400x32xf32, #tpu.memory_space<vmem>>[vector<16xi32>, vector<16xi32>], vector<16xf32>,
        %add3A_193 = arith.constant 4 : i32
        %add3A_194 = vector.broadcast %add3A_193 : i32 to vector<16xi32>
        %add3A_195 = arith.addi %shift_left3A_146, %add3A_194 : vector<16xi32>
        %gather3A_196 = tpu.vector_load_idx %arg7[%add3A_154, %add3A_195] : memref<400x128xf32, #tpu.memory_space<vmem>>[vector<16xi32>, vector<16xi32>], vector<16xf32>,
        %broadcast_in_dim3A_197 = arith.constant 4 : i32
        %broadcast_in_dim3A_198 = vector.broadcast %broadcast_in_dim3A_197 : i32 to vector<16xi32>
        %get3A_199 = arith.index_cast %add3A_152 : i32 to index
        %get3A_200 = arith.constant 64 : index
        %get3A_201 = tpu.vector_load %arg9[%get3A_199, %get3A_200] {strides = array<i32>} : memref<25x512xf32, #tpu.memory_space<vmem>>, vector<16xf32>,
        %add3A_202 = arith.addf %gather3A_196, %get3A_201 : vector<16xf32>
        tpu.vector_store_idx %arg8[%add3A_154, %broadcast_in_dim3A_198], %add3A_202 : memref<400x32xf32, #tpu.memory_space<vmem>>[vector<16xi32>, vector<16xi32>], vector<16xf32>,
        %add3A_203 = arith.constant 5 : i32
        %add3A_204 = vector.broadcast %add3A_203 : i32 to vector<16xi32>
        %add3A_205 = arith.addi %shift_left3A_146, %add3A_204 : vector<16xi32>
        %gather3A_206 = tpu.vector_load_idx %arg7[%add3A_154, %add3A_205] : memref<400x128xf32, #tpu.memory_space<vmem>>[vector<16xi32>, vector<16xi32>], vector<16xf32>,
        %broadcast_in_dim3A_207 = arith.constant 5 : i32
        %broadcast_in_dim3A_208 = vector.broadcast %broadcast_in_dim3A_207 : i32 to vector<16xi32>
        %get3A_209 = arith.index_cast %add3A_152 : i32 to index
        %get3A_210 = arith.constant 80 : index
        %get3A_211 = tpu.vector_load %arg9[%get3A_209, %get3A_210] {strides = array<i32>} : memref<25x512xf32, #tpu.memory_space<vmem>>, vector<16xf32>,
        %add3A_212 = arith.addf %gather3A_206, %get3A_211 : vector<16xf32>
        tpu.vector_store_idx %arg8[%add3A_154, %broadcast_in_dim3A_208], %add3A_212 : memref<400x32xf32, #tpu.memory_space<vmem>>[vector<16xi32>, vector<16xi32>], vector<16xf32>,
        %add3A_213 = arith.constant 6 : i32
        %add3A_214 = vector.broadcast %add3A_213 : i32 to vector<16xi32>
        %add3A_215 = arith.addi %shift_left3A_146, %add3A_214 : vector<16xi32>
        %gather3A_216 = tpu.vector_load_idx %arg7[%add3A_154, %add3A_215] : memref<400x128xf32, #tpu.memory_space<vmem>>[vector<16xi32>, vector<16xi32>], vector<16xf32>,
        %broadcast_in_dim3A_217 = arith.constant 6 : i32
        %broadcast_in_dim3A_218 = vector.broadcast %broadcast_in_dim3A_217 : i32 to vector<16xi32>
        %get3A_219 = arith.index_cast %add3A_152 : i32 to index
        %get3A_220 = arith.constant 96 : index
        %get3A_221 = tpu.vector_load %arg9[%get3A_219, %get3A_220] {strides = array<i32>} : memref<25x512xf32, #tpu.memory_space<vmem>>, vector<16xf32>,
        %add3A_222 = arith.addf %gather3A_216, %get3A_221 : vector<16xf32>
        tpu.vector_store_idx %arg8[%add3A_154, %broadcast_in_dim3A_218], %add3A_222 : memref<400x32xf32, #tpu.memory_space<vmem>>[vector<16xi32>, vector<16xi32>], vector<16xf32>,
        %add3A_223 = arith.constant 7 : i32
        %add3A_224 = vector.broadcast %add3A_223 : i32 to vector<16xi32>
        %add3A_225 = arith.addi %shift_left3A_146, %add3A_224 : vector<16xi32>
        %gather3A_226 = tpu.vector_load_idx %arg7[%add3A_154, %add3A_225] : memref<400x128xf32, #tpu.memory_space<vmem>>[vector<16xi32>, vector<16xi32>], vector<16xf32>,
        %broadcast_in_dim3A_227 = arith.constant 7 : i32
        %broadcast_in_dim3A_228 = vector.broadcast %broadcast_in_dim3A_227 : i32 to vector<16xi32>
        %get3A_229 = arith.index_cast %add3A_152 : i32 to index
        %get3A_230 = arith.constant 112 : index
        %get3A_231 = tpu.vector_load %arg9[%get3A_229, %get3A_230] {strides = array<i32>} : memref<25x512xf32, #tpu.memory_space<vmem>>, vector<16xf32>,
        %add3A_232 = arith.addf %gather3A_226, %get3A_231 : vector<16xf32>
        tpu.vector_store_idx %arg8[%add3A_154, %broadcast_in_dim3A_228], %add3A_232 : memref<400x32xf32, #tpu.memory_space<vmem>>[vector<16xi32>, vector<16xi32>], vector<16xf32>,
        %add3A_233 = arith.constant 8 : i32
        %add3A_234 = vector.broadcast %add3A_233 : i32 to vector<16xi32>
        %add3A_235 = arith.addi %shift_left3A_146, %add3A_234 : vector<16xi32>
        %gather3A_236 = tpu.vector_load_idx %arg7[%add3A_154, %add3A_235] : memref<400x128xf32, #tpu.memory_space<vmem>>[vector<16xi32>, vector<16xi32>], vector<16xf32>,
        %broadcast_in_dim3A_237 = arith.constant 8 : i32
        %broadcast_in_dim3A_238 = vector.broadcast %broadcast_in_dim3A_237 : i32 to vector<16xi32>
        %get3A_239 = arith.index_cast %add3A_152 : i32 to index
        %get3A_240 = arith.constant 128 : index
        %get3A_241 = tpu.vector_load %arg9[%get3A_239, %get3A_240] {strides = array<i32>} : memref<25x512xf32, #tpu.memory_space<vmem>>, vector<16xf32>,
        %add3A_242 = arith.addf %gather3A_236, %get3A_241 : vector<16xf32>
        tpu.vector_store_idx %arg8[%add3A_154, %broadcast_in_dim3A_238], %add3A_242 : memref<400x32xf32, #tpu.memory_space<vmem>>[vector<16xi32>, vector<16xi32>], vector<16xf32>,
        %add3A_243 = arith.constant 9 : i32
        %add3A_244 = vector.broadcast %add3A_243 : i32 to vector<16xi32>
        %add3A_245 = arith.addi %shift_left3A_146, %add3A_244 : vector<16xi32>
        %gather3A_246 = tpu.vector_load_idx %arg7[%add3A_154, %add3A_245] : memref<400x128xf32, #tpu.memory_space<vmem>>[vector<16xi32>, vector<16xi32>], vector<16xf32>,
        %broadcast_in_dim3A_247 = arith.constant 9 : i32
        %broadcast_in_dim3A_248 = vector.broadcast %broadcast_in_dim3A_247 : i32 to vector<16xi32>
        %get3A_249 = arith.index_cast %add3A_152 : i32 to index
        %get3A_250 = arith.constant 144 : index
        %get3A_251 = tpu.vector_load %arg9[%get3A_249, %get3A_250] {strides = array<i32>} : memref<25x512xf32, #tpu.memory_space<vmem>>, vector<16xf32>,
        %add3A_252 = arith.addf %gather3A_246, %get3A_251 : vector<16xf32>
        tpu.vector_store_idx %arg8[%add3A_154, %broadcast_in_dim3A_248], %add3A_252 : memref<400x32xf32, #tpu.memory_space<vmem>>[vector<16xi32>, vector<16xi32>], vector<16xf32>,
        %add3A_253 = arith.constant 10 : i32
        %add3A_254 = vector.broadcast %add3A_253 : i32 to vector<16xi32>
        %add3A_255 = arith.addi %shift_left3A_146, %add3A_254 : vector<16xi32>
        %gather3A_256 = tpu.vector_load_idx %arg7[%add3A_154, %add3A_255] : memref<400x128xf32, #tpu.memory_space<vmem>>[vector<16xi32>, vector<16xi32>], vector<16xf32>,
        %broadcast_in_dim3A_257 = arith.constant 10 : i32
        %broadcast_in_dim3A_258 = vector.broadcast %broadcast_in_dim3A_257 : i32 to vector<16xi32>
        %get3A_259 = arith.index_cast %add3A_152 : i32 to index
        %get3A_260 = arith.constant 160 : index
        %get3A_261 = tpu.vector_load %arg9[%get3A_259, %get3A_260] {strides = array<i32>} : memref<25x512xf32, #tpu.memory_space<vmem>>, vector<16xf32>,
        %add3A_262 = arith.addf %gather3A_256, %get3A_261 : vector<16xf32>
        tpu.vector_store_idx %arg8[%add3A_154, %broadcast_in_dim3A_258], %add3A_262 : memref<400x32xf32, #tpu.memory_space<vmem>>[vector<16xi32>, vector<16xi32>], vector<16xf32>,
        %add3A_263 = arith.constant 11 : i32
        %add3A_264 = vector.broadcast %add3A_263 : i32 to vector<16xi32>
        %add3A_265 = arith.addi %shift_left3A_146, %add3A_264 : vector<16xi32>
        %gather3A_266 = tpu.vector_load_idx %arg7[%add3A_154, %add3A_265] : memref<400x128xf32, #tpu.memory_space<vmem>>[vector<16xi32>, vector<16xi32>], vector<16xf32>,
        %broadcast_in_dim3A_267 = arith.constant 11 : i32
        %broadcast_in_dim3A_268 = vector.broadcast %broadcast_in_dim3A_267 : i32 to vector<16xi32>
        %get3A_269 = arith.index_cast %add3A_152 : i32 to index
        %get3A_270 = arith.constant 176 : index
        %get3A_271 = tpu.vector_load %arg9[%get3A_269, %get3A_270] {strides = array<i32>} : memref<25x512xf32, #tpu.memory_space<vmem>>, vector<16xf32>,
        %add3A_272 = arith.addf %gather3A_266, %get3A_271 : vector<16xf32>
        tpu.vector_store_idx %arg8[%add3A_154, %broadcast_in_dim3A_268], %add3A_272 : memref<400x32xf32, #tpu.memory_space<vmem>>[vector<16xi32>, vector<16xi32>], vector<16xf32>,
        %add3A_273 = arith.constant 12 : i32
        %add3A_274 = vector.broadcast %add3A_273 : i32 to vector<16xi32>
        %add3A_275 = arith.addi %shift_left3A_146, %add3A_274 : vector<16xi32>
        %gather3A_276 = tpu.vector_load_idx %arg7[%add3A_154, %add3A_275] : memref<400x128xf32, #tpu.memory_space<vmem>>[vector<16xi32>, vector<16xi32>], vector<16xf32>,
        %broadcast_in_dim3A_277 = arith.constant 12 : i32
        %broadcast_in_dim3A_278 = vector.broadcast %broadcast_in_dim3A_277 : i32 to vector<16xi32>
        %get3A_279 = arith.index_cast %add3A_152 : i32 to index
        %get3A_280 = arith.constant 192 : index
        %get3A_281 = tpu.vector_load %arg9[%get3A_279, %get3A_280] {strides = array<i32>} : memref<25x512xf32, #tpu.memory_space<vmem>>, vector<16xf32>,
        %add3A_282 = arith.addf %gather3A_276, %get3A_281 : vector<16xf32>
        tpu.vector_store_idx %arg8[%add3A_154, %broadcast_in_dim3A_278], %add3A_282 : memref<400x32xf32, #tpu.memory_space<vmem>>[vector<16xi32>, vector<16xi32>], vector<16xf32>,
        %add3A_283 = arith.constant 13 : i32
        %add3A_284 = vector.broadcast %add3A_283 : i32 to vector<16xi32>
        %add3A_285 = arith.addi %shift_left3A_146, %add3A_284 : vector<16xi32>
        %gather3A_286 = tpu.vector_load_idx %arg7[%add3A_154, %add3A_285] : memref<400x128xf32, #tpu.memory_space<vmem>>[vector<16xi32>, vector<16xi32>], vector<16xf32>,
        %broadcast_in_dim3A_287 = arith.constant 13 : i32
        %broadcast_in_dim3A_288 = vector.broadcast %broadcast_in_dim3A_287 : i32 to vector<16xi32>
        %get3A_289 = arith.index_cast %add3A_152 : i32 to index
        %get3A_290 = arith.constant 208 : index
        %get3A_291 = tpu.vector_load %arg9[%get3A_289, %get3A_290] {strides = array<i32>} : memref<25x512xf32, #tpu.memory_space<vmem>>, vector<16xf32>,
        %add3A_292 = arith.addf %gather3A_286, %get3A_291 : vector<16xf32>
        tpu.vector_store_idx %arg8[%add3A_154, %broadcast_in_dim3A_288], %add3A_292 : memref<400x32xf32, #tpu.memory_space<vmem>>[vector<16xi32>, vector<16xi32>], vector<16xf32>,
        %add3A_293 = arith.constant 14 : i32
        %add3A_294 = vector.broadcast %add3A_293 : i32 to vector<16xi32>
        %add3A_295 = arith.addi %shift_left3A_146, %add3A_294 : vector<16xi32>
        %gather3A_296 = tpu.vector_load_idx %arg7[%add3A_154, %add3A_295] : memref<400x128xf32, #tpu.memory_space<vmem>>[vector<16xi32>, vector<16xi32>], vector<16xf32>,
        %broadcast_in_dim3A_297 = arith.constant 14 : i32
        %broadcast_in_dim3A_298 = vector.broadcast %broadcast_in_dim3A_297 : i32 to vector<16xi32>
        %get3A_299 = arith.index_cast %add3A_152 : i32 to index
        %get3A_300 = arith.constant 224 : index
        %get3A_301 = tpu.vector_load %arg9[%get3A_299, %get3A_300] {strides = array<i32>} : memref<25x512xf32, #tpu.memory_space<vmem>>, vector<16xf32>,
        %add3A_302 = arith.addf %gather3A_296, %get3A_301 : vector<16xf32>
        tpu.vector_store_idx %arg8[%add3A_154, %broadcast_in_dim3A_298], %add3A_302 : memref<400x32xf32, #tpu.memory_space<vmem>>[vector<16xi32>, vector<16xi32>], vector<16xf32>,
        %add3A_303 = arith.constant 15 : i32
        %add3A_304 = vector.broadcast %add3A_303 : i32 to vector<16xi32>
        %add3A_305 = arith.addi %shift_left3A_146, %add3A_304 : vector<16xi32>
        %gather3A_306 = tpu.vector_load_idx %arg7[%add3A_154, %add3A_305] : memref<400x128xf32, #tpu.memory_space<vmem>>[vector<16xi32>, vector<16xi32>], vector<16xf32>,
        %broadcast_in_dim3A_307 = arith.constant 15 : i32
        %broadcast_in_dim3A_308 = vector.broadcast %broadcast_in_dim3A_307 : i32 to vector<16xi32>
        %get3A_309 = arith.index_cast %add3A_152 : i32 to index
        %get3A_310 = arith.constant 240 : index
        %get3A_311 = tpu.vector_load %arg9[%get3A_309, %get3A_310] {strides = array<i32>} : memref<25x512xf32, #tpu.memory_space<vmem>>, vector<16xf32>,
        %add3A_312 = arith.addf %gather3A_306, %get3A_311 : vector<16xf32>
        tpu.vector_store_idx %arg8[%add3A_154, %broadcast_in_dim3A_308], %add3A_312 : memref<400x32xf32, #tpu.memory_space<vmem>>[vector<16xi32>, vector<16xi32>], vector<16xf32>,
        %add3A_313 = arith.constant 16 : i32
        %add3A_314 = vector.broadcast %add3A_313 : i32 to vector<16xi32>
        %add3A_315 = arith.addi %shift_left3A_146, %add3A_314 : vector<16xi32>
        %gather3A_316 = tpu.vector_load_idx %arg7[%add3A_154, %add3A_315] : memref<400x128xf32, #tpu.memory_space<vmem>>[vector<16xi32>, vector<16xi32>], vector<16xf32>,
        %broadcast_in_dim3A_317 = arith.constant 16 : i32
        %broadcast_in_dim3A_318 = vector.broadcast %broadcast_in_dim3A_317 : i32 to vector<16xi32>
        %get3A_319 = arith.index_cast %add3A_152 : i32 to index
        %get3A_320 = arith.constant 256 : index
        %get3A_321 = tpu.vector_load %arg9[%get3A_319, %get3A_320] {strides = array<i32>} : memref<25x512xf32, #tpu.memory_space<vmem>>, vector<16xf32>,
        %add3A_322 = arith.addf %gather3A_316, %get3A_321 : vector<16xf32>
        tpu.vector_store_idx %arg8[%add3A_154, %broadcast_in_dim3A_318], %add3A_322 : memref<400x32xf32, #tpu.memory_space<vmem>>[vector<16xi32>, vector<16xi32>], vector<16xf32>,
        %add3A_323 = arith.constant 17 : i32
        %add3A_324 = vector.broadcast %add3A_323 : i32 to vector<16xi32>
        %add3A_325 = arith.addi %shift_left3A_146, %add3A_324 : vector<16xi32>
        %gather3A_326 = tpu.vector_load_idx %arg7[%add3A_154, %add3A_325] : memref<400x128xf32, #tpu.memory_space<vmem>>[vector<16xi32>, vector<16xi32>], vector<16xf32>,
        %broadcast_in_dim3A_327 = arith.constant 17 : i32
        %broadcast_in_dim3A_328 = vector.broadcast %broadcast_in_dim3A_327 : i32 to vector<16xi32>
        %get3A_329 = arith.index_cast %add3A_152 : i32 to index
        %get3A_330 = arith.constant 272 : index
        %get3A_331 = tpu.vector_load %arg9[%get3A_329, %get3A_330] {strides = array<i32>} : memref<25x512xf32, #tpu.memory_space<vmem>>, vector<16xf32>,
        %add3A_332 = arith.addf %gather3A_326, %get3A_331 : vector<16xf32>
        tpu.vector_store_idx %arg8[%add3A_154, %broadcast_in_dim3A_328], %add3A_332 : memref<400x32xf32, #tpu.memory_space<vmem>>[vector<16xi32>, vector<16xi32>], vector<16xf32>,
        %add3A_333 = arith.constant 18 : i32
        %add3A_334 = vector.broadcast %add3A_333 : i32 to vector<16xi32>
        %add3A_335 = arith.addi %shift_left3A_146, %add3A_334 : vector<16xi32>
        %gather3A_336 = tpu.vector_load_idx %arg7[%add3A_154, %add3A_335] : memref<400x128xf32, #tpu.memory_space<vmem>>[vector<16xi32>, vector<16xi32>], vector<16xf32>,
        %broadcast_in_dim3A_337 = arith.constant 18 : i32
        %broadcast_in_dim3A_338 = vector.broadcast %broadcast_in_dim3A_337 : i32 to vector<16xi32>
        %get3A_339 = arith.index_cast %add3A_152 : i32 to index
        %get3A_340 = arith.constant 288 : index
        %get3A_341 = tpu.vector_load %arg9[%get3A_339, %get3A_340] {strides = array<i32>} : memref<25x512xf32, #tpu.memory_space<vmem>>, vector<16xf32>,
        %add3A_342 = arith.addf %gather3A_336, %get3A_341 : vector<16xf32>
        tpu.vector_store_idx %arg8[%add3A_154, %broadcast_in_dim3A_338], %add3A_342 : memref<400x32xf32, #tpu.memory_space<vmem>>[vector<16xi32>, vector<16xi32>], vector<16xf32>,
        %add3A_343 = arith.constant 19 : i32
        %add3A_344 = vector.broadcast %add3A_343 : i32 to vector<16xi32>
        %add3A_345 = arith.addi %shift_left3A_146, %add3A_344 : vector<16xi32>
        %gather3A_346 = tpu.vector_load_idx %arg7[%add3A_154, %add3A_345] : memref<400x128xf32, #tpu.memory_space<vmem>>[vector<16xi32>, vector<16xi32>], vector<16xf32>,
        %broadcast_in_dim3A_347 = arith.constant 19 : i32
        %broadcast_in_dim3A_348 = vector.broadcast %broadcast_in_dim3A_347 : i32 to vector<16xi32>
        %get3A_349 = arith.index_cast %add3A_152 : i32 to index
        %get3A_350 = arith.constant 304 : index
        %get3A_351 = tpu.vector_load %arg9[%get3A_349, %get3A_350] {strides = array<i32>} : memref<25x512xf32, #tpu.memory_space<vmem>>, vector<16xf32>,
        %add3A_352 = arith.addf %gather3A_346, %get3A_351 : vector<16xf32>
        tpu.vector_store_idx %arg8[%add3A_154, %broadcast_in_dim3A_348], %add3A_352 : memref<400x32xf32, #tpu.memory_space<vmem>>[vector<16xi32>, vector<16xi32>], vector<16xf32>,
        %add3A_353 = arith.constant 20 : i32
        %add3A_354 = vector.broadcast %add3A_353 : i32 to vector<16xi32>
        %add3A_355 = arith.addi %shift_left3A_146, %add3A_354 : vector<16xi32>
        %gather3A_356 = tpu.vector_load_idx %arg7[%add3A_154, %add3A_355] : memref<400x128xf32, #tpu.memory_space<vmem>>[vector<16xi32>, vector<16xi32>], vector<16xf32>,
        %broadcast_in_dim3A_357 = arith.constant 20 : i32
        %broadcast_in_dim3A_358 = vector.broadcast %broadcast_in_dim3A_357 : i32 to vector<16xi32>
        %get3A_359 = arith.index_cast %add3A_152 : i32 to index
        %get3A_360 = arith.constant 320 : index
        %get3A_361 = tpu.vector_load %arg9[%get3A_359, %get3A_360] {strides = array<i32>} : memref<25x512xf32, #tpu.memory_space<vmem>>, vector<16xf32>,
        %add3A_362 = arith.addf %gather3A_356, %get3A_361 : vector<16xf32>
        tpu.vector_store_idx %arg8[%add3A_154, %broadcast_in_dim3A_358], %add3A_362 : memref<400x32xf32, #tpu.memory_space<vmem>>[vector<16xi32>, vector<16xi32>], vector<16xf32>,
        %add3A_363 = arith.constant 21 : i32
        %add3A_364 = vector.broadcast %add3A_363 : i32 to vector<16xi32>
        %add3A_365 = arith.addi %shift_left3A_146, %add3A_364 : vector<16xi32>
        %gather3A_366 = tpu.vector_load_idx %arg7[%add3A_154, %add3A_365] : memref<400x128xf32, #tpu.memory_space<vmem>>[vector<16xi32>, vector<16xi32>], vector<16xf32>,
        %broadcast_in_dim3A_367 = arith.constant 21 : i32
        %broadcast_in_dim3A_368 = vector.broadcast %broadcast_in_dim3A_367 : i32 to vector<16xi32>
        %get3A_369 = arith.index_cast %add3A_152 : i32 to index
        %get3A_370 = arith.constant 336 : index
        %get3A_371 = tpu.vector_load %arg9[%get3A_369, %get3A_370] {strides = array<i32>} : memref<25x512xf32, #tpu.memory_space<vmem>>, vector<16xf32>,
        %add3A_372 = arith.addf %gather3A_366, %get3A_371 : vector<16xf32>
        tpu.vector_store_idx %arg8[%add3A_154, %broadcast_in_dim3A_368], %add3A_372 : memref<400x32xf32, #tpu.memory_space<vmem>>[vector<16xi32>, vector<16xi32>], vector<16xf32>,
        %add3A_373 = arith.constant 22 : i32
        %add3A_374 = vector.broadcast %add3A_373 : i32 to vector<16xi32>
        %add3A_375 = arith.addi %shift_left3A_146, %add3A_374 : vector<16xi32>
        %gather3A_376 = tpu.vector_load_idx %arg7[%add3A_154, %add3A_375] : memref<400x128xf32, #tpu.memory_space<vmem>>[vector<16xi32>, vector<16xi32>], vector<16xf32>,
        %broadcast_in_dim3A_377 = arith.constant 22 : i32
        %broadcast_in_dim3A_378 = vector.broadcast %broadcast_in_dim3A_377 : i32 to vector<16xi32>
        %get3A_379 = arith.index_cast %add3A_152 : i32 to index
        %get3A_380 = arith.constant 352 : index
        %get3A_381 = tpu.vector_load %arg9[%get3A_379, %get3A_380] {strides = array<i32>} : memref<25x512xf32, #tpu.memory_space<vmem>>, vector<16xf32>,
        %add3A_382 = arith.addf %gather3A_376, %get3A_381 : vector<16xf32>
        tpu.vector_store_idx %arg8[%add3A_154, %broadcast_in_dim3A_378], %add3A_382 : memref<400x32xf32, #tpu.memory_space<vmem>>[vector<16xi32>, vector<16xi32>], vector<16xf32>,
        %add3A_383 = arith.constant 23 : i32
        %add3A_384 = vector.broadcast %add3A_383 : i32 to vector<16xi32>
        %add3A_385 = arith.addi %shift_left3A_146, %add3A_384 : vector<16xi32>
        %gather3A_386 = tpu.vector_load_idx %arg7[%add3A_154, %add3A_385] : memref<400x128xf32, #tpu.memory_space<vmem>>[vector<16xi32>, vector<16xi32>], vector<16xf32>,
        %broadcast_in_dim3A_387 = arith.constant 23 : i32
        %broadcast_in_dim3A_388 = vector.broadcast %broadcast_in_dim3A_387 : i32 to vector<16xi32>
        %get3A_389 = arith.index_cast %add3A_152 : i32 to index
        %get3A_390 = arith.constant 368 : index
        %get3A_391 = tpu.vector_load %arg9[%get3A_389, %get3A_390] {strides = array<i32>} : memref<25x512xf32, #tpu.memory_space<vmem>>, vector<16xf32>,
        %add3A_392 = arith.addf %gather3A_386, %get3A_391 : vector<16xf32>
        tpu.vector_store_idx %arg8[%add3A_154, %broadcast_in_dim3A_388], %add3A_392 : memref<400x32xf32, #tpu.memory_space<vmem>>[vector<16xi32>, vector<16xi32>], vector<16xf32>,
        %add3A_393 = arith.constant 24 : i32
        %add3A_394 = vector.broadcast %add3A_393 : i32 to vector<16xi32>
        %add3A_395 = arith.addi %shift_left3A_146, %add3A_394 : vector<16xi32>
        %gather3A_396 = tpu.vector_load_idx %arg7[%add3A_154, %add3A_395] : memref<400x128xf32, #tpu.memory_space<vmem>>[vector<16xi32>, vector<16xi32>], vector<16xf32>,
        %broadcast_in_dim3A_397 = arith.constant 24 : i32
        %broadcast_in_dim3A_398 = vector.broadcast %broadcast_in_dim3A_397 : i32 to vector<16xi32>
        %get3A_399 = arith.index_cast %add3A_152 : i32 to index
        %get3A_400 = arith.constant 384 : index
        %get3A_401 = tpu.vector_load %arg9[%get3A_399, %get3A_400] {strides = array<i32>} : memref<25x512xf32, #tpu.memory_space<vmem>>, vector<16xf32>,
        %add3A_402 = arith.addf %gather3A_396, %get3A_401 : vector<16xf32>
        tpu.vector_store_idx %arg8[%add3A_154, %broadcast_in_dim3A_398], %add3A_402 : memref<400x32xf32, #tpu.memory_space<vmem>>[vector<16xi32>, vector<16xi32>], vector<16xf32>,
        %add3A_403 = arith.constant 25 : i32
        %add3A_404 = vector.broadcast %add3A_403 : i32 to vector<16xi32>
        %add3A_405 = arith.addi %shift_left3A_146, %add3A_404 : vector<16xi32>
        %gather3A_406 = tpu.vector_load_idx %arg7[%add3A_154, %add3A_405] : memref<400x128xf32, #tpu.memory_space<vmem>>[vector<16xi32>, vector<16xi32>], vector<16xf32>,
        %broadcast_in_dim3A_407 = arith.constant 25 : i32
        %broadcast_in_dim3A_408 = vector.broadcast %broadcast_in_dim3A_407 : i32 to vector<16xi32>
        %get3A_409 = arith.index_cast %add3A_152 : i32 to index
        %get3A_410 = arith.constant 400 : index
        %get3A_411 = tpu.vector_load %arg9[%get3A_409, %get3A_410] {strides = array<i32>} : memref<25x512xf32, #tpu.memory_space<vmem>>, vector<16xf32>,
        %add3A_412 = arith.addf %gather3A_406, %get3A_411 : vector<16xf32>
        tpu.vector_store_idx %arg8[%add3A_154, %broadcast_in_dim3A_408], %add3A_412 : memref<400x32xf32, #tpu.memory_space<vmem>>[vector<16xi32>, vector<16xi32>], vector<16xf32>,
        %add3A_413 = arith.constant 26 : i32
        %add3A_414 = vector.broadcast %add3A_413 : i32 to vector<16xi32>
        %add3A_415 = arith.addi %shift_left3A_146, %add3A_414 : vector<16xi32>
        %gather3A_416 = tpu.vector_load_idx %arg7[%add3A_154, %add3A_415] : memref<400x128xf32, #tpu.memory_space<vmem>>[vector<16xi32>, vector<16xi32>], vector<16xf32>,
        %broadcast_in_dim3A_417 = arith.constant 26 : i32
        %broadcast_in_dim3A_418 = vector.broadcast %broadcast_in_dim3A_417 : i32 to vector<16xi32>
        %get3A_419 = arith.index_cast %add3A_152 : i32 to index
        %get3A_420 = arith.constant 416 : index
        %get3A_421 = tpu.vector_load %arg9[%get3A_419, %get3A_420] {strides = array<i32>} : memref<25x512xf32, #tpu.memory_space<vmem>>, vector<16xf32>,
        %add3A_422 = arith.addf %gather3A_416, %get3A_421 : vector<16xf32>
        tpu.vector_store_idx %arg8[%add3A_154, %broadcast_in_dim3A_418], %add3A_422 : memref<400x32xf32, #tpu.memory_space<vmem>>[vector<16xi32>, vector<16xi32>], vector<16xf32>,
        %add3A_423 = arith.constant 27 : i32
        %add3A_424 = vector.broadcast %add3A_423 : i32 to vector<16xi32>
        %add3A_425 = arith.addi %shift_left3A_146, %add3A_424 : vector<16xi32>
        %gather3A_426 = tpu.vector_load_idx %arg7[%add3A_154, %add3A_425] : memref<400x128xf32, #tpu.memory_space<vmem>>[vector<16xi32>, vector<16xi32>], vector<16xf32>,
        %broadcast_in_dim3A_427 = arith.constant 27 : i32
        %broadcast_in_dim3A_428 = vector.broadcast %broadcast_in_dim3A_427 : i32 to vector<16xi32>
        %get3A_429 = arith.index_cast %add3A_152 : i32 to index
        %get3A_430 = arith.constant 432 : index
        %get3A_431 = tpu.vector_load %arg9[%get3A_429, %get3A_430] {strides = array<i32>} : memref<25x512xf32, #tpu.memory_space<vmem>>, vector<16xf32>,
        %add3A_432 = arith.addf %gather3A_426, %get3A_431 : vector<16xf32>
        tpu.vector_store_idx %arg8[%add3A_154, %broadcast_in_dim3A_428], %add3A_432 : memref<400x32xf32, #tpu.memory_space<vmem>>[vector<16xi32>, vector<16xi32>], vector<16xf32>,
        %add3A_433 = arith.constant 28 : i32
        %add3A_434 = vector.broadcast %add3A_433 : i32 to vector<16xi32>
        %add3A_435 = arith.addi %shift_left3A_146, %add3A_434 : vector<16xi32>
        %gather3A_436 = tpu.vector_load_idx %arg7[%add3A_154, %add3A_435] : memref<400x128xf32, #tpu.memory_space<vmem>>[vector<16xi32>, vector<16xi32>], vector<16xf32>,
        %broadcast_in_dim3A_437 = arith.constant 28 : i32
        %broadcast_in_dim3A_438 = vector.broadcast %broadcast_in_dim3A_437 : i32 to vector<16xi32>
        %get3A_439 = arith.index_cast %add3A_152 : i32 to index
        %get3A_440 = arith.constant 448 : index
        %get3A_441 = tpu.vector_load %arg9[%get3A_439, %get3A_440] {strides = array<i32>} : memref<25x512xf32, #tpu.memory_space<vmem>>, vector<16xf32>,
        %add3A_442 = arith.addf %gather3A_436, %get3A_441 : vector<16xf32>
        tpu.vector_store_idx %arg8[%add3A_154, %broadcast_in_dim3A_438], %add3A_442 : memref<400x32xf32, #tpu.memory_space<vmem>>[vector<16xi32>, vector<16xi32>], vector<16xf32>,
        %add3A_443 = arith.constant 29 : i32
        %add3A_444 = vector.broadcast %add3A_443 : i32 to vector<16xi32>
        %add3A_445 = arith.addi %shift_left3A_146, %add3A_444 : vector<16xi32>
        %gather3A_446 = tpu.vector_load_idx %arg7[%add3A_154, %add3A_445] : memref<400x128xf32, #tpu.memory_space<vmem>>[vector<16xi32>, vector<16xi32>], vector<16xf32>,
        %broadcast_in_dim3A_447 = arith.constant 29 : i32
        %broadcast_in_dim3A_448 = vector.broadcast %broadcast_in_dim3A_447 : i32 to vector<16xi32>
        %get3A_449 = arith.index_cast %add3A_152 : i32 to index
        %get3A_450 = arith.constant 464 : index
        %get3A_451 = tpu.vector_load %arg9[%get3A_449, %get3A_450] {strides = array<i32>} : memref<25x512xf32, #tpu.memory_space<vmem>>, vector<16xf32>,
        %add3A_452 = arith.addf %gather3A_446, %get3A_451 : vector<16xf32>
        tpu.vector_store_idx %arg8[%add3A_154, %broadcast_in_dim3A_448], %add3A_452 : memref<400x32xf32, #tpu.memory_space<vmem>>[vector<16xi32>, vector<16xi32>], vector<16xf32>,
        %add3A_453 = arith.constant 30 : i32
        %add3A_454 = vector.broadcast %add3A_453 : i32 to vector<16xi32>
        %add3A_455 = arith.addi %shift_left3A_146, %add3A_454 : vector<16xi32>
        %gather3A_456 = tpu.vector_load_idx %arg7[%add3A_154, %add3A_455] : memref<400x128xf32, #tpu.memory_space<vmem>>[vector<16xi32>, vector<16xi32>], vector<16xf32>,
        %broadcast_in_dim3A_457 = arith.constant 30 : i32
        %broadcast_in_dim3A_458 = vector.broadcast %broadcast_in_dim3A_457 : i32 to vector<16xi32>
        %get3A_459 = arith.index_cast %add3A_152 : i32 to index
        %get3A_460 = arith.constant 480 : index
        %get3A_461 = tpu.vector_load %arg9[%get3A_459, %get3A_460] {strides = array<i32>} : memref<25x512xf32, #tpu.memory_space<vmem>>, vector<16xf32>,
        %add3A_462 = arith.addf %gather3A_456, %get3A_461 : vector<16xf32>
        tpu.vector_store_idx %arg8[%add3A_154, %broadcast_in_dim3A_458], %add3A_462 : memref<400x32xf32, #tpu.memory_space<vmem>>[vector<16xi32>, vector<16xi32>], vector<16xf32>,
        %add3A_463 = arith.constant 31 : i32
        %add3A_464 = vector.broadcast %add3A_463 : i32 to vector<16xi32>
        %add3A_465 = arith.addi %shift_left3A_146, %add3A_464 : vector<16xi32>
        %gather3A_466 = tpu.vector_load_idx %arg7[%add3A_154, %add3A_465] : memref<400x128xf32, #tpu.memory_space<vmem>>[vector<16xi32>, vector<16xi32>], vector<16xf32>,
        %broadcast_in_dim3A_467 = arith.constant 31 : i32
        %broadcast_in_dim3A_468 = vector.broadcast %broadcast_in_dim3A_467 : i32 to vector<16xi32>
        %get3A_469 = arith.index_cast %add3A_152 : i32 to index
        %get3A_470 = arith.constant 496 : index
        %get3A_471 = tpu.vector_load %arg9[%get3A_469, %get3A_470] {strides = array<i32>} : memref<25x512xf32, #tpu.memory_space<vmem>>, vector<16xf32>,
        %add3A_472 = arith.addf %gather3A_466, %get3A_471 : vector<16xf32>
        tpu.vector_store_idx %arg8[%add3A_154, %broadcast_in_dim3A_468], %add3A_472 : memref<400x32xf32, #tpu.memory_space<vmem>>[vector<16xi32>, vector<16xi32>], vector<16xf32>,
      }
      %scan3A_131 = arith.constant 5 : i32
      %scan3A_132 = arith.constant 0 : i32
      %scan3A_133 = arith.constant 5 : i32
      %scan3A_134 = arith.addi %scan3A_132, %scan3A_133 : i32
      %scan3A_135 = arith.constant 1 : i32
      scf.for %scan3A_137 = %scan3A_132 to %scan3A_134 step %scan3A_135  : i32 {
        %mul3A_138 = arith.constant 16 : i32
        %mul3A_139 = arith.muli %scan3A_137, %mul3A_138 : i32
        %get3A = arith.constant 9 : i32
        %get3A_140 = arith.index_cast %get3A : i32 to index
        %get3A_141 = arith.index_cast %mul3A_139 : i32 to index
        %get3A_142 = tpu.vector_load %arg6[%get3A_140, %get3A_141] {strides = array<i32>} : memref<10x80xi32, #tpu.memory_space<vmem>>, vector<16xi32>,
        %and3A = arith.constant 3 : i32
        %and3A_143 = vector.broadcast %and3A : i32 to vector<16xi32>
        %and3A_144 = arith.andi %get3A_142, %and3A_143 : vector<16xi32>
        %shift_left3A = arith.constant 5 : i32
        %shift_left3A_145 = vector.broadcast %shift_left3A : i32 to vector<16xi32>
        %shift_left3A_146 = arith.shli %and3A_144, %shift_left3A_145 : vector<16xi32>
        %mul3A_147 = arith.constant 16 : i32
        %mul3A_148 = arith.muli %scan3A_137, %mul3A_147 : i32
        %add3A_149 = arith.constant 320 : i32
        %add3A_150 = arith.addi %add3A_149, %mul3A_148 : i32
        %add3A_151 = arith.constant 20 : i32
        %add3A_152 = arith.addi %add3A_151, %scan3A_137 : i32
        %add3A_153 = vector.broadcast %add3A_150 : i32 to vector<16xi32>
        %add3A_154 = arith.addi %add3A_153, %iota3A : vector<16xi32>
        %add3A_155 = arith.constant 0 : i32
        %add3A_156 = vector.broadcast %add3A_155 : i32 to vector<16xi32>
        %add3A_157 = arith.addi %shift_left3A_146, %add3A_156 : vector<16xi32>
        %gather3A = tpu.vector_load_idx %arg7[%add3A_154, %add3A_157] : memref<400x128xf32, #tpu.memory_space<vmem>>[vector<16xi32>, vector<16xi32>], vector<16xf32>,
        %broadcast_in_dim3A = arith.constant 0 : i32
        %broadcast_in_dim3A_158 = vector.broadcast %broadcast_in_dim3A : i32 to vector<16xi32>
        %get3A_159 = arith.index_cast %add3A_152 : i32 to index
        %get3A_160 = arith.constant 0 : index
        %get3A_161 = tpu.vector_load %arg9[%get3A_159, %get3A_160] {strides = array<i32>} : memref<25x512xf32, #tpu.memory_space<vmem>>, vector<16xf32>,
        %add3A_162 = arith.addf %gather3A, %get3A_161 : vector<16xf32>
        tpu.vector_store_idx %arg8[%add3A_154, %broadcast_in_dim3A_158], %add3A_162 : memref<400x32xf32, #tpu.memory_space<vmem>>[vector<16xi32>, vector<16xi32>], vector<16xf32>,
        %add3A_163 = arith.constant 1 : i32
        %add3A_164 = vector.broadcast %add3A_163 : i32 to vector<16xi32>
        %add3A_165 = arith.addi %shift_left3A_146, %add3A_164 : vector<16xi32>
        %gather3A_166 = tpu.vector_load_idx %arg7[%add3A_154, %add3A_165] : memref<400x128xf32, #tpu.memory_space<vmem>>[vector<16xi32>, vector<16xi32>], vector<16xf32>,
        %broadcast_in_dim3A_167 = arith.constant 1 : i32
        %broadcast_in_dim3A_168 = vector.broadcast %broadcast_in_dim3A_167 : i32 to vector<16xi32>
        %get3A_169 = arith.index_cast %add3A_152 : i32 to index
        %get3A_170 = arith.constant 16 : index
        %get3A_171 = tpu.vector_load %arg9[%get3A_169, %get3A_170] {strides = array<i32>} : memref<25x512xf32, #tpu.memory_space<vmem>>, vector<16xf32>,
        %add3A_172 = arith.addf %gather3A_166, %get3A_171 : vector<16xf32>
        tpu.vector_store_idx %arg8[%add3A_154, %broadcast_in_dim3A_168], %add3A_172 : memref<400x32xf32, #tpu.memory_space<vmem>>[vector<16xi32>, vector<16xi32>], vector<16xf32>,
        %add3A_173 = arith.constant 2 : i32
        %add3A_174 = vector.broadcast %add3A_173 : i32 to vector<16xi32>
        %add3A_175 = arith.addi %shift_left3A_146, %add3A_174 : vector<16xi32>
        %gather3A_176 = tpu.vector_load_idx %arg7[%add3A_154, %add3A_175] : memref<400x128xf32, #tpu.memory_space<vmem>>[vector<16xi32>, vector<16xi32>], vector<16xf32>,
        %broadcast_in_dim3A_177 = arith.constant 2 : i32
        %broadcast_in_dim3A_178 = vector.broadcast %broadcast_in_dim3A_177 : i32 to vector<16xi32>
        %get3A_179 = arith.index_cast %add3A_152 : i32 to index
        %get3A_180 = arith.constant 32 : index
        %get3A_181 = tpu.vector_load %arg9[%get3A_179, %get3A_180] {strides = array<i32>} : memref<25x512xf32, #tpu.memory_space<vmem>>, vector<16xf32>,
        %add3A_182 = arith.addf %gather3A_176, %get3A_181 : vector<16xf32>
        tpu.vector_store_idx %arg8[%add3A_154, %broadcast_in_dim3A_178], %add3A_182 : memref<400x32xf32, #tpu.memory_space<vmem>>[vector<16xi32>, vector<16xi32>], vector<16xf32>,
        %add3A_183 = arith.constant 3 : i32
        %add3A_184 = vector.broadcast %add3A_183 : i32 to vector<16xi32>
        %add3A_185 = arith.addi %shift_left3A_146, %add3A_184 : vector<16xi32>
        %gather3A_186 = tpu.vector_load_idx %arg7[%add3A_154, %add3A_185] : memref<400x128xf32, #tpu.memory_space<vmem>>[vector<16xi32>, vector<16xi32>], vector<16xf32>,
        %broadcast_in_dim3A_187 = arith.constant 3 : i32
        %broadcast_in_dim3A_188 = vector.broadcast %broadcast_in_dim3A_187 : i32 to vector<16xi32>
        %get3A_189 = arith.index_cast %add3A_152 : i32 to index
        %get3A_190 = arith.constant 48 : index
        %get3A_191 = tpu.vector_load %arg9[%get3A_189, %get3A_190] {strides = array<i32>} : memref<25x512xf32, #tpu.memory_space<vmem>>, vector<16xf32>,
        %add3A_192 = arith.addf %gather3A_186, %get3A_191 : vector<16xf32>
        tpu.vector_store_idx %arg8[%add3A_154, %broadcast_in_dim3A_188], %add3A_192 : memref<400x32xf32, #tpu.memory_space<vmem>>[vector<16xi32>, vector<16xi32>], vector<16xf32>,
        %add3A_193 = arith.constant 4 : i32
        %add3A_194 = vector.broadcast %add3A_193 : i32 to vector<16xi32>
        %add3A_195 = arith.addi %shift_left3A_146, %add3A_194 : vector<16xi32>
        %gather3A_196 = tpu.vector_load_idx %arg7[%add3A_154, %add3A_195] : memref<400x128xf32, #tpu.memory_space<vmem>>[vector<16xi32>, vector<16xi32>], vector<16xf32>,
        %broadcast_in_dim3A_197 = arith.constant 4 : i32
        %broadcast_in_dim3A_198 = vector.broadcast %broadcast_in_dim3A_197 : i32 to vector<16xi32>
        %get3A_199 = arith.index_cast %add3A_152 : i32 to index
        %get3A_200 = arith.constant 64 : index
        %get3A_201 = tpu.vector_load %arg9[%get3A_199, %get3A_200] {strides = array<i32>} : memref<25x512xf32, #tpu.memory_space<vmem>>, vector<16xf32>,
        %add3A_202 = arith.addf %gather3A_196, %get3A_201 : vector<16xf32>
        tpu.vector_store_idx %arg8[%add3A_154, %broadcast_in_dim3A_198], %add3A_202 : memref<400x32xf32, #tpu.memory_space<vmem>>[vector<16xi32>, vector<16xi32>], vector<16xf32>,
        %add3A_203 = arith.constant 5 : i32
        %add3A_204 = vector.broadcast %add3A_203 : i32 to vector<16xi32>
        %add3A_205 = arith.addi %shift_left3A_146, %add3A_204 : vector<16xi32>
        %gather3A_206 = tpu.vector_load_idx %arg7[%add3A_154, %add3A_205] : memref<400x128xf32, #tpu.memory_space<vmem>>[vector<16xi32>, vector<16xi32>], vector<16xf32>,
        %broadcast_in_dim3A_207 = arith.constant 5 : i32
        %broadcast_in_dim3A_208 = vector.broadcast %broadcast_in_dim3A_207 : i32 to vector<16xi32>
        %get3A_209 = arith.index_cast %add3A_152 : i32 to index
        %get3A_210 = arith.constant 80 : index
        %get3A_211 = tpu.vector_load %arg9[%get3A_209, %get3A_210] {strides = array<i32>} : memref<25x512xf32, #tpu.memory_space<vmem>>, vector<16xf32>,
        %add3A_212 = arith.addf %gather3A_206, %get3A_211 : vector<16xf32>
        tpu.vector_store_idx %arg8[%add3A_154, %broadcast_in_dim3A_208], %add3A_212 : memref<400x32xf32, #tpu.memory_space<vmem>>[vector<16xi32>, vector<16xi32>], vector<16xf32>,
        %add3A_213 = arith.constant 6 : i32
        %add3A_214 = vector.broadcast %add3A_213 : i32 to vector<16xi32>
        %add3A_215 = arith.addi %shift_left3A_146, %add3A_214 : vector<16xi32>
        %gather3A_216 = tpu.vector_load_idx %arg7[%add3A_154, %add3A_215] : memref<400x128xf32, #tpu.memory_space<vmem>>[vector<16xi32>, vector<16xi32>], vector<16xf32>,
        %broadcast_in_dim3A_217 = arith.constant 6 : i32
        %broadcast_in_dim3A_218 = vector.broadcast %broadcast_in_dim3A_217 : i32 to vector<16xi32>
        %get3A_219 = arith.index_cast %add3A_152 : i32 to index
        %get3A_220 = arith.constant 96 : index
        %get3A_221 = tpu.vector_load %arg9[%get3A_219, %get3A_220] {strides = array<i32>} : memref<25x512xf32, #tpu.memory_space<vmem>>, vector<16xf32>,
        %add3A_222 = arith.addf %gather3A_216, %get3A_221 : vector<16xf32>
        tpu.vector_store_idx %arg8[%add3A_154, %broadcast_in_dim3A_218], %add3A_222 : memref<400x32xf32, #tpu.memory_space<vmem>>[vector<16xi32>, vector<16xi32>], vector<16xf32>,
        %add3A_223 = arith.constant 7 : i32
        %add3A_224 = vector.broadcast %add3A_223 : i32 to vector<16xi32>
        %add3A_225 = arith.addi %shift_left3A_146, %add3A_224 : vector<16xi32>
        %gather3A_226 = tpu.vector_load_idx %arg7[%add3A_154, %add3A_225] : memref<400x128xf32, #tpu.memory_space<vmem>>[vector<16xi32>, vector<16xi32>], vector<16xf32>,
        %broadcast_in_dim3A_227 = arith.constant 7 : i32
        %broadcast_in_dim3A_228 = vector.broadcast %broadcast_in_dim3A_227 : i32 to vector<16xi32>
        %get3A_229 = arith.index_cast %add3A_152 : i32 to index
        %get3A_230 = arith.constant 112 : index
        %get3A_231 = tpu.vector_load %arg9[%get3A_229, %get3A_230] {strides = array<i32>} : memref<25x512xf32, #tpu.memory_space<vmem>>, vector<16xf32>,
        %add3A_232 = arith.addf %gather3A_226, %get3A_231 : vector<16xf32>
        tpu.vector_store_idx %arg8[%add3A_154, %broadcast_in_dim3A_228], %add3A_232 : memref<400x32xf32, #tpu.memory_space<vmem>>[vector<16xi32>, vector<16xi32>], vector<16xf32>,
        %add3A_233 = arith.constant 8 : i32
        %add3A_234 = vector.broadcast %add3A_233 : i32 to vector<16xi32>
        %add3A_235 = arith.addi %shift_left3A_146, %add3A_234 : vector<16xi32>
        %gather3A_236 = tpu.vector_load_idx %arg7[%add3A_154, %add3A_235] : memref<400x128xf32, #tpu.memory_space<vmem>>[vector<16xi32>, vector<16xi32>], vector<16xf32>,
        %broadcast_in_dim3A_237 = arith.constant 8 : i32
        %broadcast_in_dim3A_238 = vector.broadcast %broadcast_in_dim3A_237 : i32 to vector<16xi32>
        %get3A_239 = arith.index_cast %add3A_152 : i32 to index
        %get3A_240 = arith.constant 128 : index
        %get3A_241 = tpu.vector_load %arg9[%get3A_239, %get3A_240] {strides = array<i32>} : memref<25x512xf32, #tpu.memory_space<vmem>>, vector<16xf32>,
        %add3A_242 = arith.addf %gather3A_236, %get3A_241 : vector<16xf32>
        tpu.vector_store_idx %arg8[%add3A_154, %broadcast_in_dim3A_238], %add3A_242 : memref<400x32xf32, #tpu.memory_space<vmem>>[vector<16xi32>, vector<16xi32>], vector<16xf32>,
        %add3A_243 = arith.constant 9 : i32
        %add3A_244 = vector.broadcast %add3A_243 : i32 to vector<16xi32>
        %add3A_245 = arith.addi %shift_left3A_146, %add3A_244 : vector<16xi32>
        %gather3A_246 = tpu.vector_load_idx %arg7[%add3A_154, %add3A_245] : memref<400x128xf32, #tpu.memory_space<vmem>>[vector<16xi32>, vector<16xi32>], vector<16xf32>,
        %broadcast_in_dim3A_247 = arith.constant 9 : i32
        %broadcast_in_dim3A_248 = vector.broadcast %broadcast_in_dim3A_247 : i32 to vector<16xi32>
        %get3A_249 = arith.index_cast %add3A_152 : i32 to index
        %get3A_250 = arith.constant 144 : index
        %get3A_251 = tpu.vector_load %arg9[%get3A_249, %get3A_250] {strides = array<i32>} : memref<25x512xf32, #tpu.memory_space<vmem>>, vector<16xf32>,
        %add3A_252 = arith.addf %gather3A_246, %get3A_251 : vector<16xf32>
        tpu.vector_store_idx %arg8[%add3A_154, %broadcast_in_dim3A_248], %add3A_252 : memref<400x32xf32, #tpu.memory_space<vmem>>[vector<16xi32>, vector<16xi32>], vector<16xf32>,
        %add3A_253 = arith.constant 10 : i32
        %add3A_254 = vector.broadcast %add3A_253 : i32 to vector<16xi32>
        %add3A_255 = arith.addi %shift_left3A_146, %add3A_254 : vector<16xi32>
        %gather3A_256 = tpu.vector_load_idx %arg7[%add3A_154, %add3A_255] : memref<400x128xf32, #tpu.memory_space<vmem>>[vector<16xi32>, vector<16xi32>], vector<16xf32>,
        %broadcast_in_dim3A_257 = arith.constant 10 : i32
        %broadcast_in_dim3A_258 = vector.broadcast %broadcast_in_dim3A_257 : i32 to vector<16xi32>
        %get3A_259 = arith.index_cast %add3A_152 : i32 to index
        %get3A_260 = arith.constant 160 : index
        %get3A_261 = tpu.vector_load %arg9[%get3A_259, %get3A_260] {strides = array<i32>} : memref<25x512xf32, #tpu.memory_space<vmem>>, vector<16xf32>,
        %add3A_262 = arith.addf %gather3A_256, %get3A_261 : vector<16xf32>
        tpu.vector_store_idx %arg8[%add3A_154, %broadcast_in_dim3A_258], %add3A_262 : memref<400x32xf32, #tpu.memory_space<vmem>>[vector<16xi32>, vector<16xi32>], vector<16xf32>,
        %add3A_263 = arith.constant 11 : i32
        %add3A_264 = vector.broadcast %add3A_263 : i32 to vector<16xi32>
        %add3A_265 = arith.addi %shift_left3A_146, %add3A_264 : vector<16xi32>
        %gather3A_266 = tpu.vector_load_idx %arg7[%add3A_154, %add3A_265] : memref<400x128xf32, #tpu.memory_space<vmem>>[vector<16xi32>, vector<16xi32>], vector<16xf32>,
        %broadcast_in_dim3A_267 = arith.constant 11 : i32
        %broadcast_in_dim3A_268 = vector.broadcast %broadcast_in_dim3A_267 : i32 to vector<16xi32>
        %get3A_269 = arith.index_cast %add3A_152 : i32 to index
        %get3A_270 = arith.constant 176 : index
        %get3A_271 = tpu.vector_load %arg9[%get3A_269, %get3A_270] {strides = array<i32>} : memref<25x512xf32, #tpu.memory_space<vmem>>, vector<16xf32>,
        %add3A_272 = arith.addf %gather3A_266, %get3A_271 : vector<16xf32>
        tpu.vector_store_idx %arg8[%add3A_154, %broadcast_in_dim3A_268], %add3A_272 : memref<400x32xf32, #tpu.memory_space<vmem>>[vector<16xi32>, vector<16xi32>], vector<16xf32>,
        %add3A_273 = arith.constant 12 : i32
        %add3A_274 = vector.broadcast %add3A_273 : i32 to vector<16xi32>
        %add3A_275 = arith.addi %shift_left3A_146, %add3A_274 : vector<16xi32>
        %gather3A_276 = tpu.vector_load_idx %arg7[%add3A_154, %add3A_275] : memref<400x128xf32, #tpu.memory_space<vmem>>[vector<16xi32>, vector<16xi32>], vector<16xf32>,
        %broadcast_in_dim3A_277 = arith.constant 12 : i32
        %broadcast_in_dim3A_278 = vector.broadcast %broadcast_in_dim3A_277 : i32 to vector<16xi32>
        %get3A_279 = arith.index_cast %add3A_152 : i32 to index
        %get3A_280 = arith.constant 192 : index
        %get3A_281 = tpu.vector_load %arg9[%get3A_279, %get3A_280] {strides = array<i32>} : memref<25x512xf32, #tpu.memory_space<vmem>>, vector<16xf32>,
        %add3A_282 = arith.addf %gather3A_276, %get3A_281 : vector<16xf32>
        tpu.vector_store_idx %arg8[%add3A_154, %broadcast_in_dim3A_278], %add3A_282 : memref<400x32xf32, #tpu.memory_space<vmem>>[vector<16xi32>, vector<16xi32>], vector<16xf32>,
        %add3A_283 = arith.constant 13 : i32
        %add3A_284 = vector.broadcast %add3A_283 : i32 to vector<16xi32>
        %add3A_285 = arith.addi %shift_left3A_146, %add3A_284 : vector<16xi32>
        %gather3A_286 = tpu.vector_load_idx %arg7[%add3A_154, %add3A_285] : memref<400x128xf32, #tpu.memory_space<vmem>>[vector<16xi32>, vector<16xi32>], vector<16xf32>,
        %broadcast_in_dim3A_287 = arith.constant 13 : i32
        %broadcast_in_dim3A_288 = vector.broadcast %broadcast_in_dim3A_287 : i32 to vector<16xi32>
        %get3A_289 = arith.index_cast %add3A_152 : i32 to index
        %get3A_290 = arith.constant 208 : index
        %get3A_291 = tpu.vector_load %arg9[%get3A_289, %get3A_290] {strides = array<i32>} : memref<25x512xf32, #tpu.memory_space<vmem>>, vector<16xf32>,
        %add3A_292 = arith.addf %gather3A_286, %get3A_291 : vector<16xf32>
        tpu.vector_store_idx %arg8[%add3A_154, %broadcast_in_dim3A_288], %add3A_292 : memref<400x32xf32, #tpu.memory_space<vmem>>[vector<16xi32>, vector<16xi32>], vector<16xf32>,
        %add3A_293 = arith.constant 14 : i32
        %add3A_294 = vector.broadcast %add3A_293 : i32 to vector<16xi32>
        %add3A_295 = arith.addi %shift_left3A_146, %add3A_294 : vector<16xi32>
        %gather3A_296 = tpu.vector_load_idx %arg7[%add3A_154, %add3A_295] : memref<400x128xf32, #tpu.memory_space<vmem>>[vector<16xi32>, vector<16xi32>], vector<16xf32>,
        %broadcast_in_dim3A_297 = arith.constant 14 : i32
        %broadcast_in_dim3A_298 = vector.broadcast %broadcast_in_dim3A_297 : i32 to vector<16xi32>
        %get3A_299 = arith.index_cast %add3A_152 : i32 to index
        %get3A_300 = arith.constant 224 : index
        %get3A_301 = tpu.vector_load %arg9[%get3A_299, %get3A_300] {strides = array<i32>} : memref<25x512xf32, #tpu.memory_space<vmem>>, vector<16xf32>,
        %add3A_302 = arith.addf %gather3A_296, %get3A_301 : vector<16xf32>
        tpu.vector_store_idx %arg8[%add3A_154, %broadcast_in_dim3A_298], %add3A_302 : memref<400x32xf32, #tpu.memory_space<vmem>>[vector<16xi32>, vector<16xi32>], vector<16xf32>,
        %add3A_303 = arith.constant 15 : i32
        %add3A_304 = vector.broadcast %add3A_303 : i32 to vector<16xi32>
        %add3A_305 = arith.addi %shift_left3A_146, %add3A_304 : vector<16xi32>
        %gather3A_306 = tpu.vector_load_idx %arg7[%add3A_154, %add3A_305] : memref<400x128xf32, #tpu.memory_space<vmem>>[vector<16xi32>, vector<16xi32>], vector<16xf32>,
        %broadcast_in_dim3A_307 = arith.constant 15 : i32
        %broadcast_in_dim3A_308 = vector.broadcast %broadcast_in_dim3A_307 : i32 to vector<16xi32>
        %get3A_309 = arith.index_cast %add3A_152 : i32 to index
        %get3A_310 = arith.constant 240 : index
        %get3A_311 = tpu.vector_load %arg9[%get3A_309, %get3A_310] {strides = array<i32>} : memref<25x512xf32, #tpu.memory_space<vmem>>, vector<16xf32>,
        %add3A_312 = arith.addf %gather3A_306, %get3A_311 : vector<16xf32>
        tpu.vector_store_idx %arg8[%add3A_154, %broadcast_in_dim3A_308], %add3A_312 : memref<400x32xf32, #tpu.memory_space<vmem>>[vector<16xi32>, vector<16xi32>], vector<16xf32>,
        %add3A_313 = arith.constant 16 : i32
        %add3A_314 = vector.broadcast %add3A_313 : i32 to vector<16xi32>
        %add3A_315 = arith.addi %shift_left3A_146, %add3A_314 : vector<16xi32>
        %gather3A_316 = tpu.vector_load_idx %arg7[%add3A_154, %add3A_315] : memref<400x128xf32, #tpu.memory_space<vmem>>[vector<16xi32>, vector<16xi32>], vector<16xf32>,
        %broadcast_in_dim3A_317 = arith.constant 16 : i32
        %broadcast_in_dim3A_318 = vector.broadcast %broadcast_in_dim3A_317 : i32 to vector<16xi32>
        %get3A_319 = arith.index_cast %add3A_152 : i32 to index
        %get3A_320 = arith.constant 256 : index
        %get3A_321 = tpu.vector_load %arg9[%get3A_319, %get3A_320] {strides = array<i32>} : memref<25x512xf32, #tpu.memory_space<vmem>>, vector<16xf32>,
        %add3A_322 = arith.addf %gather3A_316, %get3A_321 : vector<16xf32>
        tpu.vector_store_idx %arg8[%add3A_154, %broadcast_in_dim3A_318], %add3A_322 : memref<400x32xf32, #tpu.memory_space<vmem>>[vector<16xi32>, vector<16xi32>], vector<16xf32>,
        %add3A_323 = arith.constant 17 : i32
        %add3A_324 = vector.broadcast %add3A_323 : i32 to vector<16xi32>
        %add3A_325 = arith.addi %shift_left3A_146, %add3A_324 : vector<16xi32>
        %gather3A_326 = tpu.vector_load_idx %arg7[%add3A_154, %add3A_325] : memref<400x128xf32, #tpu.memory_space<vmem>>[vector<16xi32>, vector<16xi32>], vector<16xf32>,
        %broadcast_in_dim3A_327 = arith.constant 17 : i32
        %broadcast_in_dim3A_328 = vector.broadcast %broadcast_in_dim3A_327 : i32 to vector<16xi32>
        %get3A_329 = arith.index_cast %add3A_152 : i32 to index
        %get3A_330 = arith.constant 272 : index
        %get3A_331 = tpu.vector_load %arg9[%get3A_329, %get3A_330] {strides = array<i32>} : memref<25x512xf32, #tpu.memory_space<vmem>>, vector<16xf32>,
        %add3A_332 = arith.addf %gather3A_326, %get3A_331 : vector<16xf32>
        tpu.vector_store_idx %arg8[%add3A_154, %broadcast_in_dim3A_328], %add3A_332 : memref<400x32xf32, #tpu.memory_space<vmem>>[vector<16xi32>, vector<16xi32>], vector<16xf32>,
        %add3A_333 = arith.constant 18 : i32
        %add3A_334 = vector.broadcast %add3A_333 : i32 to vector<16xi32>
        %add3A_335 = arith.addi %shift_left3A_146, %add3A_334 : vector<16xi32>
        %gather3A_336 = tpu.vector_load_idx %arg7[%add3A_154, %add3A_335] : memref<400x128xf32, #tpu.memory_space<vmem>>[vector<16xi32>, vector<16xi32>], vector<16xf32>,
        %broadcast_in_dim3A_337 = arith.constant 18 : i32
        %broadcast_in_dim3A_338 = vector.broadcast %broadcast_in_dim3A_337 : i32 to vector<16xi32>
        %get3A_339 = arith.index_cast %add3A_152 : i32 to index
        %get3A_340 = arith.constant 288 : index
        %get3A_341 = tpu.vector_load %arg9[%get3A_339, %get3A_340] {strides = array<i32>} : memref<25x512xf32, #tpu.memory_space<vmem>>, vector<16xf32>,
        %add3A_342 = arith.addf %gather3A_336, %get3A_341 : vector<16xf32>
        tpu.vector_store_idx %arg8[%add3A_154, %broadcast_in_dim3A_338], %add3A_342 : memref<400x32xf32, #tpu.memory_space<vmem>>[vector<16xi32>, vector<16xi32>], vector<16xf32>,
        %add3A_343 = arith.constant 19 : i32
        %add3A_344 = vector.broadcast %add3A_343 : i32 to vector<16xi32>
        %add3A_345 = arith.addi %shift_left3A_146, %add3A_344 : vector<16xi32>
        %gather3A_346 = tpu.vector_load_idx %arg7[%add3A_154, %add3A_345] : memref<400x128xf32, #tpu.memory_space<vmem>>[vector<16xi32>, vector<16xi32>], vector<16xf32>,
        %broadcast_in_dim3A_347 = arith.constant 19 : i32
        %broadcast_in_dim3A_348 = vector.broadcast %broadcast_in_dim3A_347 : i32 to vector<16xi32>
        %get3A_349 = arith.index_cast %add3A_152 : i32 to index
        %get3A_350 = arith.constant 304 : index
        %get3A_351 = tpu.vector_load %arg9[%get3A_349, %get3A_350] {strides = array<i32>} : memref<25x512xf32, #tpu.memory_space<vmem>>, vector<16xf32>,
        %add3A_352 = arith.addf %gather3A_346, %get3A_351 : vector<16xf32>
        tpu.vector_store_idx %arg8[%add3A_154, %broadcast_in_dim3A_348], %add3A_352 : memref<400x32xf32, #tpu.memory_space<vmem>>[vector<16xi32>, vector<16xi32>], vector<16xf32>,
        %add3A_353 = arith.constant 20 : i32
        %add3A_354 = vector.broadcast %add3A_353 : i32 to vector<16xi32>
        %add3A_355 = arith.addi %shift_left3A_146, %add3A_354 : vector<16xi32>
        %gather3A_356 = tpu.vector_load_idx %arg7[%add3A_154, %add3A_355] : memref<400x128xf32, #tpu.memory_space<vmem>>[vector<16xi32>, vector<16xi32>], vector<16xf32>,
        %broadcast_in_dim3A_357 = arith.constant 20 : i32
        %broadcast_in_dim3A_358 = vector.broadcast %broadcast_in_dim3A_357 : i32 to vector<16xi32>
        %get3A_359 = arith.index_cast %add3A_152 : i32 to index
        %get3A_360 = arith.constant 320 : index
        %get3A_361 = tpu.vector_load %arg9[%get3A_359, %get3A_360] {strides = array<i32>} : memref<25x512xf32, #tpu.memory_space<vmem>>, vector<16xf32>,
        %add3A_362 = arith.addf %gather3A_356, %get3A_361 : vector<16xf32>
        tpu.vector_store_idx %arg8[%add3A_154, %broadcast_in_dim3A_358], %add3A_362 : memref<400x32xf32, #tpu.memory_space<vmem>>[vector<16xi32>, vector<16xi32>], vector<16xf32>,
        %add3A_363 = arith.constant 21 : i32
        %add3A_364 = vector.broadcast %add3A_363 : i32 to vector<16xi32>
        %add3A_365 = arith.addi %shift_left3A_146, %add3A_364 : vector<16xi32>
        %gather3A_366 = tpu.vector_load_idx %arg7[%add3A_154, %add3A_365] : memref<400x128xf32, #tpu.memory_space<vmem>>[vector<16xi32>, vector<16xi32>], vector<16xf32>,
        %broadcast_in_dim3A_367 = arith.constant 21 : i32
        %broadcast_in_dim3A_368 = vector.broadcast %broadcast_in_dim3A_367 : i32 to vector<16xi32>
        %get3A_369 = arith.index_cast %add3A_152 : i32 to index
        %get3A_370 = arith.constant 336 : index
        %get3A_371 = tpu.vector_load %arg9[%get3A_369, %get3A_370] {strides = array<i32>} : memref<25x512xf32, #tpu.memory_space<vmem>>, vector<16xf32>,
        %add3A_372 = arith.addf %gather3A_366, %get3A_371 : vector<16xf32>
        tpu.vector_store_idx %arg8[%add3A_154, %broadcast_in_dim3A_368], %add3A_372 : memref<400x32xf32, #tpu.memory_space<vmem>>[vector<16xi32>, vector<16xi32>], vector<16xf32>,
        %add3A_373 = arith.constant 22 : i32
        %add3A_374 = vector.broadcast %add3A_373 : i32 to vector<16xi32>
        %add3A_375 = arith.addi %shift_left3A_146, %add3A_374 : vector<16xi32>
        %gather3A_376 = tpu.vector_load_idx %arg7[%add3A_154, %add3A_375] : memref<400x128xf32, #tpu.memory_space<vmem>>[vector<16xi32>, vector<16xi32>], vector<16xf32>,
        %broadcast_in_dim3A_377 = arith.constant 22 : i32
        %broadcast_in_dim3A_378 = vector.broadcast %broadcast_in_dim3A_377 : i32 to vector<16xi32>
        %get3A_379 = arith.index_cast %add3A_152 : i32 to index
        %get3A_380 = arith.constant 352 : index
        %get3A_381 = tpu.vector_load %arg9[%get3A_379, %get3A_380] {strides = array<i32>} : memref<25x512xf32, #tpu.memory_space<vmem>>, vector<16xf32>,
        %add3A_382 = arith.addf %gather3A_376, %get3A_381 : vector<16xf32>
        tpu.vector_store_idx %arg8[%add3A_154, %broadcast_in_dim3A_378], %add3A_382 : memref<400x32xf32, #tpu.memory_space<vmem>>[vector<16xi32>, vector<16xi32>], vector<16xf32>,
        %add3A_383 = arith.constant 23 : i32
        %add3A_384 = vector.broadcast %add3A_383 : i32 to vector<16xi32>
        %add3A_385 = arith.addi %shift_left3A_146, %add3A_384 : vector<16xi32>
        %gather3A_386 = tpu.vector_load_idx %arg7[%add3A_154, %add3A_385] : memref<400x128xf32, #tpu.memory_space<vmem>>[vector<16xi32>, vector<16xi32>], vector<16xf32>,
        %broadcast_in_dim3A_387 = arith.constant 23 : i32
        %broadcast_in_dim3A_388 = vector.broadcast %broadcast_in_dim3A_387 : i32 to vector<16xi32>
        %get3A_389 = arith.index_cast %add3A_152 : i32 to index
        %get3A_390 = arith.constant 368 : index
        %get3A_391 = tpu.vector_load %arg9[%get3A_389, %get3A_390] {strides = array<i32>} : memref<25x512xf32, #tpu.memory_space<vmem>>, vector<16xf32>,
        %add3A_392 = arith.addf %gather3A_386, %get3A_391 : vector<16xf32>
        tpu.vector_store_idx %arg8[%add3A_154, %broadcast_in_dim3A_388], %add3A_392 : memref<400x32xf32, #tpu.memory_space<vmem>>[vector<16xi32>, vector<16xi32>], vector<16xf32>,
        %add3A_393 = arith.constant 24 : i32
        %add3A_394 = vector.broadcast %add3A_393 : i32 to vector<16xi32>
        %add3A_395 = arith.addi %shift_left3A_146, %add3A_394 : vector<16xi32>
        %gather3A_396 = tpu.vector_load_idx %arg7[%add3A_154, %add3A_395] : memref<400x128xf32, #tpu.memory_space<vmem>>[vector<16xi32>, vector<16xi32>], vector<16xf32>,
        %broadcast_in_dim3A_397 = arith.constant 24 : i32
        %broadcast_in_dim3A_398 = vector.broadcast %broadcast_in_dim3A_397 : i32 to vector<16xi32>
        %get3A_399 = arith.index_cast %add3A_152 : i32 to index
        %get3A_400 = arith.constant 384 : index
        %get3A_401 = tpu.vector_load %arg9[%get3A_399, %get3A_400] {strides = array<i32>} : memref<25x512xf32, #tpu.memory_space<vmem>>, vector<16xf32>,
        %add3A_402 = arith.addf %gather3A_396, %get3A_401 : vector<16xf32>
        tpu.vector_store_idx %arg8[%add3A_154, %broadcast_in_dim3A_398], %add3A_402 : memref<400x32xf32, #tpu.memory_space<vmem>>[vector<16xi32>, vector<16xi32>], vector<16xf32>,
        %add3A_403 = arith.constant 25 : i32
        %add3A_404 = vector.broadcast %add3A_403 : i32 to vector<16xi32>
        %add3A_405 = arith.addi %shift_left3A_146, %add3A_404 : vector<16xi32>
        %gather3A_406 = tpu.vector_load_idx %arg7[%add3A_154, %add3A_405] : memref<400x128xf32, #tpu.memory_space<vmem>>[vector<16xi32>, vector<16xi32>], vector<16xf32>,
        %broadcast_in_dim3A_407 = arith.constant 25 : i32
        %broadcast_in_dim3A_408 = vector.broadcast %broadcast_in_dim3A_407 : i32 to vector<16xi32>
        %get3A_409 = arith.index_cast %add3A_152 : i32 to index
        %get3A_410 = arith.constant 400 : index
        %get3A_411 = tpu.vector_load %arg9[%get3A_409, %get3A_410] {strides = array<i32>} : memref<25x512xf32, #tpu.memory_space<vmem>>, vector<16xf32>,
        %add3A_412 = arith.addf %gather3A_406, %get3A_411 : vector<16xf32>
        tpu.vector_store_idx %arg8[%add3A_154, %broadcast_in_dim3A_408], %add3A_412 : memref<400x32xf32, #tpu.memory_space<vmem>>[vector<16xi32>, vector<16xi32>], vector<16xf32>,
        %add3A_413 = arith.constant 26 : i32
        %add3A_414 = vector.broadcast %add3A_413 : i32 to vector<16xi32>
        %add3A_415 = arith.addi %shift_left3A_146, %add3A_414 : vector<16xi32>
        %gather3A_416 = tpu.vector_load_idx %arg7[%add3A_154, %add3A_415] : memref<400x128xf32, #tpu.memory_space<vmem>>[vector<16xi32>, vector<16xi32>], vector<16xf32>,
        %broadcast_in_dim3A_417 = arith.constant 26 : i32
        %broadcast_in_dim3A_418 = vector.broadcast %broadcast_in_dim3A_417 : i32 to vector<16xi32>
        %get3A_419 = arith.index_cast %add3A_152 : i32 to index
        %get3A_420 = arith.constant 416 : index
        %get3A_421 = tpu.vector_load %arg9[%get3A_419, %get3A_420] {strides = array<i32>} : memref<25x512xf32, #tpu.memory_space<vmem>>, vector<16xf32>,
        %add3A_422 = arith.addf %gather3A_416, %get3A_421 : vector<16xf32>
        tpu.vector_store_idx %arg8[%add3A_154, %broadcast_in_dim3A_418], %add3A_422 : memref<400x32xf32, #tpu.memory_space<vmem>>[vector<16xi32>, vector<16xi32>], vector<16xf32>,
        %add3A_423 = arith.constant 27 : i32
        %add3A_424 = vector.broadcast %add3A_423 : i32 to vector<16xi32>
        %add3A_425 = arith.addi %shift_left3A_146, %add3A_424 : vector<16xi32>
        %gather3A_426 = tpu.vector_load_idx %arg7[%add3A_154, %add3A_425] : memref<400x128xf32, #tpu.memory_space<vmem>>[vector<16xi32>, vector<16xi32>], vector<16xf32>,
        %broadcast_in_dim3A_427 = arith.constant 27 : i32
        %broadcast_in_dim3A_428 = vector.broadcast %broadcast_in_dim3A_427 : i32 to vector<16xi32>
        %get3A_429 = arith.index_cast %add3A_152 : i32 to index
        %get3A_430 = arith.constant 432 : index
        %get3A_431 = tpu.vector_load %arg9[%get3A_429, %get3A_430] {strides = array<i32>} : memref<25x512xf32, #tpu.memory_space<vmem>>, vector<16xf32>,
        %add3A_432 = arith.addf %gather3A_426, %get3A_431 : vector<16xf32>
        tpu.vector_store_idx %arg8[%add3A_154, %broadcast_in_dim3A_428], %add3A_432 : memref<400x32xf32, #tpu.memory_space<vmem>>[vector<16xi32>, vector<16xi32>], vector<16xf32>,
        %add3A_433 = arith.constant 28 : i32
        %add3A_434 = vector.broadcast %add3A_433 : i32 to vector<16xi32>
        %add3A_435 = arith.addi %shift_left3A_146, %add3A_434 : vector<16xi32>
        %gather3A_436 = tpu.vector_load_idx %arg7[%add3A_154, %add3A_435] : memref<400x128xf32, #tpu.memory_space<vmem>>[vector<16xi32>, vector<16xi32>], vector<16xf32>,
        %broadcast_in_dim3A_437 = arith.constant 28 : i32
        %broadcast_in_dim3A_438 = vector.broadcast %broadcast_in_dim3A_437 : i32 to vector<16xi32>
        %get3A_439 = arith.index_cast %add3A_152 : i32 to index
        %get3A_440 = arith.constant 448 : index
        %get3A_441 = tpu.vector_load %arg9[%get3A_439, %get3A_440] {strides = array<i32>} : memref<25x512xf32, #tpu.memory_space<vmem>>, vector<16xf32>,
        %add3A_442 = arith.addf %gather3A_436, %get3A_441 : vector<16xf32>
        tpu.vector_store_idx %arg8[%add3A_154, %broadcast_in_dim3A_438], %add3A_442 : memref<400x32xf32, #tpu.memory_space<vmem>>[vector<16xi32>, vector<16xi32>], vector<16xf32>,
        %add3A_443 = arith.constant 29 : i32
        %add3A_444 = vector.broadcast %add3A_443 : i32 to vector<16xi32>
        %add3A_445 = arith.addi %shift_left3A_146, %add3A_444 : vector<16xi32>
        %gather3A_446 = tpu.vector_load_idx %arg7[%add3A_154, %add3A_445] : memref<400x128xf32, #tpu.memory_space<vmem>>[vector<16xi32>, vector<16xi32>], vector<16xf32>,
        %broadcast_in_dim3A_447 = arith.constant 29 : i32
        %broadcast_in_dim3A_448 = vector.broadcast %broadcast_in_dim3A_447 : i32 to vector<16xi32>
        %get3A_449 = arith.index_cast %add3A_152 : i32 to index
        %get3A_450 = arith.constant 464 : index
        %get3A_451 = tpu.vector_load %arg9[%get3A_449, %get3A_450] {strides = array<i32>} : memref<25x512xf32, #tpu.memory_space<vmem>>, vector<16xf32>,
        %add3A_452 = arith.addf %gather3A_446, %get3A_451 : vector<16xf32>
        tpu.vector_store_idx %arg8[%add3A_154, %broadcast_in_dim3A_448], %add3A_452 : memref<400x32xf32, #tpu.memory_space<vmem>>[vector<16xi32>, vector<16xi32>], vector<16xf32>,
        %add3A_453 = arith.constant 30 : i32
        %add3A_454 = vector.broadcast %add3A_453 : i32 to vector<16xi32>
        %add3A_455 = arith.addi %shift_left3A_146, %add3A_454 : vector<16xi32>
        %gather3A_456 = tpu.vector_load_idx %arg7[%add3A_154, %add3A_455] : memref<400x128xf32, #tpu.memory_space<vmem>>[vector<16xi32>, vector<16xi32>], vector<16xf32>,
        %broadcast_in_dim3A_457 = arith.constant 30 : i32
        %broadcast_in_dim3A_458 = vector.broadcast %broadcast_in_dim3A_457 : i32 to vector<16xi32>
        %get3A_459 = arith.index_cast %add3A_152 : i32 to index
        %get3A_460 = arith.constant 480 : index
        %get3A_461 = tpu.vector_load %arg9[%get3A_459, %get3A_460] {strides = array<i32>} : memref<25x512xf32, #tpu.memory_space<vmem>>, vector<16xf32>,
        %add3A_462 = arith.addf %gather3A_456, %get3A_461 : vector<16xf32>
        tpu.vector_store_idx %arg8[%add3A_154, %broadcast_in_dim3A_458], %add3A_462 : memref<400x32xf32, #tpu.memory_space<vmem>>[vector<16xi32>, vector<16xi32>], vector<16xf32>,
        %add3A_463 = arith.constant 31 : i32
        %add3A_464 = vector.broadcast %add3A_463 : i32 to vector<16xi32>
        %add3A_465 = arith.addi %shift_left3A_146, %add3A_464 : vector<16xi32>
        %gather3A_466 = tpu.vector_load_idx %arg7[%add3A_154, %add3A_465] : memref<400x128xf32, #tpu.memory_space<vmem>>[vector<16xi32>, vector<16xi32>], vector<16xf32>,
        %broadcast_in_dim3A_467 = arith.constant 31 : i32
        %broadcast_in_dim3A_468 = vector.broadcast %broadcast_in_dim3A_467 : i32 to vector<16xi32>
        %get3A_469 = arith.index_cast %add3A_152 : i32 to index
        %get3A_470 = arith.constant 496 : index
        %get3A_471 = tpu.vector_load %arg9[%get3A_469, %get3A_470] {strides = array<i32>} : memref<25x512xf32, #tpu.memory_space<vmem>>, vector<16xf32>,
        %add3A_472 = arith.addf %gather3A_466, %get3A_471 : vector<16xf32>
        tpu.vector_store_idx %arg8[%add3A_154, %broadcast_in_dim3A_468], %add3A_472 : memref<400x32xf32, #tpu.memory_space<vmem>>[vector<16xi32>, vector<16xi32>], vector<16xf32>,
      }
      %scan3A_136 = arith.constant 5 : i32
      "tpu.region"() ({
        %run_scoped3A = tpu.sem_alloc : memref<!tpu.dma_semaphore, #tpu.memory_space<semaphore_mem>>
        %dma_start3A_137 = arith.constant 0 : i32
        %dma_start3A_138 = tpu.memref_slice %arg5[%multiple_of3A, %dma_start3A_137] : memref<819200x32xf32, #tpu.memory_space<hbm>> -> memref<400x32xf32, #tpu.memory_space<hbm>>
        %dma_start3A_139 = arith.constant 0 : i32
        %dma_start3A_140 = tpu.memref_slice %arg5[%multiple_of3A, %dma_start3A_139] : memref<819200x32xf32, #tpu.memory_space<hbm>> -> memref<400x32xf32, #tpu.memory_space<hbm>>
        tpu.enqueue_dma source(%arg8 : memref<400x32xf32, #tpu.memory_space<vmem>>) target(%dma_start3A_140 : memref<400x32xf32, #tpu.memory_space<hbm>>) target_semaphore(%run_scoped3A : memref<!tpu.dma_semaphore, #tpu.memory_space<semaphore_mem>>)
        %dma_wait3A_141 = arith.constant 0 : i32
        %dma_wait3A_142 = tpu.memref_slice %arg5[%multiple_of3A, %dma_wait3A_141] : memref<819200x32xf32, #tpu.memory_space<hbm>> -> memref<400x32xf32, #tpu.memory_space<hbm>>
        %dma_wait3A_143 = arith.constant 0 : i32
        %dma_wait3A_144 = tpu.memref_slice %arg5[%multiple_of3A, %dma_wait3A_143] : memref<819200x32xf32, #tpu.memory_space<hbm>> -> memref<400x32xf32, #tpu.memory_space<hbm>>
        tpu.wait_dma2 semaphore(%run_scoped3A : memref<!tpu.dma_semaphore, #tpu.memory_space<semaphore_mem>>) src(%arg8 : memref<400x32xf32, #tpu.memory_space<vmem>>) dst(%dma_wait3A_144 : memref<400x32xf32, #tpu.memory_space<hbm>>)
        tpu.yield
      }) : () -> ()
    }
    %scan3A_6 = arith.constant 64 : i32
    return
  }
}

</mosaic_0001>

<sc_bundles>
// kernel: _emb_lookup.3.cloned.1.call-start
scs
__scs_entry_jumppad:
0x0: {  	(pc) =	sbr.rel $0x88, $3  }
0x1: {  	(tag) =	ssettag $0x0;
	lr =	simm.s32 $0x1  }
0x2: {  	[smem:$0x3F9E] =	sst lr;
	_ =	strace $0xD0000000  }
0x3: {  	_ = 	snop  }
0x4: {  	_ = 	snop  }
0x5: {  	_ = 	snop  }
0x6: {  	_ = 	snop  }
0x7: {  	_ = 	snop  }
__scs_overlays_trampoline_lowered:
0x8: {  	[smem:$0x3FAD] =	sst s0  }
0x9: {  	[smem:$0x3FAE] =	sst s1  }
0xa: {  	[smem:$0x3FAF] =	sst s2  }
0xb: {  	[smem:$0x3FB0] =	sst s3  }
0xc: {  	[smem:$0x3FB1] =	sst s4  }
0xd: {  	[smem:$0x3FB2] =	sst s5  }
0xe: {  	[smem:$0x3FB3] =	sst s6  }
0xf: {  	[smem:$0x3FB4] =	sst s7  }
0x10: {  	[smem:$0x3FB5] =	sst s8  }
0x11: {  	[smem:$0x3FB6] =	sst s9;
	s0 =	simm.s32 @!p0 $0x0  }
0x12: {  	s1 =	sld [smem:$0x3F9C];
	s0 =	simm.s32 @p0 $0x1  }
0x13: {  	[smem:$0x3FB7] =	sst s0;
	s0 =	simm.s32 @!p1 $0x0  }
0x14: {  	s2 =	sld [smem:$0x3F9B];
	s0 =	simm.s32 @p1 $0x1  }
0x15: {  	[smem:$0x3FB8] =	sst s0;
	s0 =	simm.s32 @!p2 $0x0  }
0x16: {  	s3 =	sld [smem:$0x3FDB];
	s0 =	simm.s32 @p2 $0x1  }
0x17: {  	s4 =	simm.s32 $0x1BF5;
	[smem:$0x3FBA] =	sst s0  }
0x18: {  	s0 =	sld [smem:$0x3F9D];
	_ =	swait.ge [sflag:s4], $0x0  }
0x19: {  	s7 =	sld [smem:$0x3F9E]  }
0x1a: {  	s8 =	sadd.s32 $0xFFFFE003, lr  }
0x1b: {  	s9 =	sadd.s32 $0xFFFFFEF7, lr;
	s5 =	simm.s32 $0xFFFFFFFF;
	p2 =	slt.u32 s8, $0xFFFFF086  }
0x1c: {  	p1 =	slt.u32 s9, $0xF7A;
	s5 =	simm.s32 @!p2 $0x0  }
0x1d: {  	s5 =	simm.s32 @p1 $0x1;
	p0 =	seq.s32 s7, s2  }
0x1e: {  	s7 =	smul.u32 @!p0 $0xF7A, s2;
	p2 =	seq.s32 @!p0 s5, $0x0  }
0x1f: {  	s9 =	smul.u32 $0xF7A, s1;
	s8 =	simm.s32 @!p0 $0x1BF5;
	p2 =	por !p2, p0  }
0x20: {  	[sflag:s8] =	ssyncset.s32 @!p0 $0xFFFFF086;
	s6 =	sadd.s32 @!p0 s3, s7;
	s7 =	simm.s32 @!p0 $0x108  }
0x21: {  	s3 =	sadd.s32 s3, s9;
	s6 =	sadd.s32 @!p0 $0x88, s6;
	s7 =	simm.s32 @p2 $0x1082  }
0x22: {  	[simem:s7], [sflag:s8] =	dma.local @!p0 [hbm:s6], $0xF7A  }
0x23: {  	s9 =	sor.u32 $0xD0000000, s2;
	s6 =	simm.s32 $0x108;
	_ =	swait.ge @!p0 [sflag:s8], $0x0  }
0x24: {  	s3 =	sadd.s32 $0x88, s3;
	s6 =	simm.s32 @!p1 $0x1082;
	[sflag:s4] =	ssyncset.s32 $0xFFFFF086  }
0x25: {  	[simem:s6], [sflag:s4] =	dma.local [hbm:s3], $0xF7A  }
0x26: {  	[smem:$0x3F9E] =	sst s1;
	(tag) =	ssettag s2;
	_ =	strace s9  }
0x27: {  	s1 =	sld [smem:$0x3FAE]  }
0x28: {  	s2 =	sld [smem:$0x3FAF]  }
0x29: {  	s4 =	sld [smem:$0x3FB1]  }
0x2a: {  	p0 =	seq.s32 s5, $0x0;
	s5 =	sld [smem:$0x3FB2]  }
0x2b: {  	s6 =	sld [smem:$0x3FB3]  }
0x2c: {  	s7 =	sld [smem:$0x3FB4]  }
0x2d: {  	s3 =	simm.s32 $0x108;
	s8 =	sld [smem:$0x3FB5]  }
0x2e: {  	s3 =	simm.s32 @!p0 $0x1082;
	s9 =	sld [smem:$0x3FB6]  }
0x2f: {  	lr =	sadd.s32 s0, s3;
	s0 =	sld [smem:$0x3FAD]  }
0x30: {  	s3 =	sld [smem:$0x3FB0]  }
0x31: {  	[smem:$0x3FB9] =	sst s10  }
0x32: {  	s10 =	sld [smem:$0x3FB7];
	_ =	sdelay $0x3  }
0x33: {  	p0 =	seq.s32 s10, $0x1;
	s10 =	sld [smem:$0x3FB9];
	_ =	sdelay $0x3  }
0x34: {  	[smem:$0x3FB9] =	sst s10  }
0x35: {  	s10 =	sld [smem:$0x3FB8];
	_ =	sdelay $0x3  }
0x36: {  	p1 =	seq.s32 s10, $0x1;
	s10 =	sld [smem:$0x3FB9];
	_ =	sdelay $0x3  }
0x37: {  	[smem:$0x3FB9] =	sst s10  }
0x38: {  	s10 =	sld [smem:$0x3FBA]  }
0x39: {  	_ = 	snop;
	(pc) =	sbr.ind lr, $3  }
0x3a: {  	_ = 	snop  }
0x3b: {  	_ = 	snop  }
0x3c: {  	p2 =	seq.s32 s10, $0x1;
	s10 =	sld [smem:$0x3FB9]  }
0x3d: {  	_ =	shalt  }
0x3e: {  	_ =	shalt  }
0x3f: {  	_ =	shalt  }
0x40: {  	_ =	shalt  }
0x41: {  	_ =	shalt  }
0x42: {  	_ =	shalt  }
0x43: {  	_ =	shalt  }
0x44: {  	_ =	shalt  }
0x45: {  	_ =	shalt  }
0x46: {  	_ =	shalt  }
0x47: {  	_ =	shalt  }
0x48: {  	_ =	shalt  }
0x49: {  	_ =	shalt  }
0x4a: {  	_ =	shalt  }
0x4b: {  	_ =	shalt  }
0x4c: {  	_ =	shalt  }
0x4d: {  	_ =	shalt  }
0x4e: {  	_ =	shalt  }
0x4f: {  	_ =	shalt  }
0x50: {  	_ =	shalt  }
0x51: {  	_ =	shalt  }
0x52: {  	_ =	shalt  }
0x53: {  	_ =	shalt  }
0x54: {  	_ =	shalt  }
0x55: {  	_ =	shalt  }
0x56: {  	_ =	shalt  }
0x57: {  	_ =	shalt  }
0x58: {  	_ =	shalt  }
0x59: {  	_ =	shalt  }
0x5a: {  	_ =	shalt  }
0x5b: {  	_ =	shalt  }
0x5c: {  	_ =	shalt  }
0x5d: {  	_ =	shalt  }
0x5e: {  	_ =	shalt  }
0x5f: {  	_ =	shalt  }
0x60: {  	_ =	shalt  }
0x61: {  	_ =	shalt  }
0x62: {  	_ =	shalt  }
0x63: {  	_ =	shalt  }
0x64: {  	_ =	shalt  }
0x65: {  	_ =	shalt  }
0x66: {  	_ =	shalt  }
0x67: {  	_ =	shalt  }
0x68: {  	_ =	shalt  }
0x69: {  	_ =	shalt  }
0x6a: {  	_ =	shalt  }
0x6b: {  	_ =	shalt  }
0x6c: {  	_ =	shalt  }
0x6d: {  	_ =	shalt  }
0x6e: {  	_ =	shalt  }
0x6f: {  	_ =	shalt  }
0x70: {  	_ =	shalt  }
0x71: {  	_ =	shalt  }
0x72: {  	_ =	shalt  }
0x73: {  	_ =	shalt  }
0x74: {  	_ =	shalt  }
0x75: {  	_ =	shalt  }
0x76: {  	_ =	shalt  }
0x77: {  	_ =	shalt  }
0x78: {  	_ =	shalt  }
0x79: {  	_ =	shalt  }
0x7a: {  	_ =	shalt  }
0x7b: {  	_ =	shalt  }
0x7c: {  	_ =	shalt  }
0x7d: {  	_ =	shalt  }
0x7e: {  	_ =	shalt  }
0x7f: {  	_ =	shalt  }
0x80: {  	_ =	shalt  }
0x81: {  	_ =	shalt  }
0x82: {  	_ =	shalt  }
0x83: {  	_ =	shalt  }
0x84: {  	_ =	shalt  }
0x85: {  	_ =	shalt  }
0x86: {  	_ =	shalt  }
0x87: {  	_ =	shalt  }
.Lfunc_end0:
.L_simem_size_0:
called_computation_lowered:
.L_overlay_start_0:
0x88: {  	s2 =	sld [smem:$0x3FD9]  }
0x89: {  	s3 =	sld [smem:$0x3FFE];
	_ =	sdelay $0x1  }
0x8a: {  	s1 =	srdreg.scid  }
0x8b: {  	s0 =	sand.u32 $0x1, s1  }
0x8c: {  	s17 =	sshll.u32 s0, $0xA;
	s2 =	sadd.s32 s3, s2  }
0x8d: {  	s2 =	sadd.s32 s2, s17  }
0x8e: {  	[smem:$0x3FC5] =	sst s2  }
0x8f: {  	_ = 	snop  }
0x90: {  	s2 =	sld [smem:$0x3FC8]  }
0x91: {  	s18 =	sld [smem:$0x3FC7]  }
0x92: {  	s4 =	sld [smem:$0x3FD0];
	(tm) =	ssettm $0x1  }
0x93: {  	s5 =	sld [smem:$0x3FFB];
	_ =	sdelay $0x3  }
0x94: {  	_ =	strace s5  }
0x95: {  	s5 =	sld [smem:$0x3FFC];
	_ =	sdelay $0x3  }
0x96: {  	_ =	strace s5  }
0x97: {  	s5 =	sld [smem:$0x3FFD];
	_ =	sdelay $0x3  }
0x98: {  	_ =	strace s5  }
0x99: {  	_ =	strace $0x8FFFFFFF  }
0x9a: {  	s19 =	sld [smem:$0x3FDB];
	_ =	sdelay $0x1  }
0x9b: {  	s6 =	simm.s32 $_scs_section_size  }
0x9c: {  	s7 =	simm.s32 $_size__tile_overlayer_lowered;
	s8 =	simm.s32 $_tile_overlayer_lowered  }
0x9d: {  	s22 =	simm.s32 $0x1BFF;
	s21 =	sshll.u32 s8, $0x1;
	s5 =	sadd.s32 s6, s19  }
0x9e: {  	s9 =	simm.s32 $0x0;
	s20 =	sshll.u32 s7, $0x1;
	s7 =	sadd.s32 s21, s5  }
0x9f: {  	[timem:s9], [sflag:s22] =	dma.local [hbm:s7], s20  }
0xa0: {  	_ =	swait.ge [sflag:s22], s20  }
0xa1: {  	s6 =	ssub.s32 $0x0, s20;
	[sflag:s22] =	ssyncset.done $0x0  }
0xa2: {  	[sflag:s22] =	ssyncadd.s32 s6;
	_ =	sdelay $0x1  }
0xa3: {  	s23 =	simm.s32 $0x1B8B  }
0xa4: {  	_ =	swait.ge [sflag:s23], $0x1  }
0xa5: {  	[sflag:s23] =	ssyncset.done $0x0  }
0xa6: {  	s25 =	simm.s32 $0x1B8E;
	s24 =	sld [smem:$0x3FFE];
	[sflag:s23] =	ssyncadd.s32 $0xFFFFFFFF  }
0xa7: {  	s26 =	simm.s32 $execute0_lowered;
	[smem:$0x3FD2] =	sst s25  }
0xa8: {  	s7 =	sshll.u32 s26, $0x1;
	_ =	strace $0x80000046;
	[dreg:$0x1] =	wrdreg $0xFFFFFFFF  }
0xa9: {  	s28 =	simm.s32 $_size_execute0_lowered;
	s5 =	sadd.s32 s5, s7;
	[dreg:$0x0] =	wrdreg $0x0  }
0xaa: {  	s7 =	sshll.u32 s28, $0x1;
	[dreg:$0x2] =	wrdreg s5  }
0xab: {  	[dreg:$0x3] =	wrdreg s7  }
0xac: {  	[dreg:$0x4] =	wrdreg $0xC0  }
0xad: {  	_ =	task [dreg:s9], $0x5FFFF  }
0xae: {  	[dreg:$0x1] =	wrdreg $0xFFFFFFFF  }
0xaf: {  	[dreg:$0x0] =	wrdreg $0x60  }
0xb0: {  	[dreg:$0x2] =	wrdreg s4  }
0xb1: {  	[dreg:$0x3] =	wrdreg s2  }
0xb2: {  	[dreg:$0x4] =	wrdreg s18  }
0xb3: {  	[dreg:$0x5] =	wrdreg s24  }
0xb4: {  	[dreg:$0x6] =	wrdreg $0x9  }
0xb5: {  	_ =	task.clear_ibuf [dreg:s9], $0x7FFFF;
	_ =	strace $0x90000046  }
0xb6: {  	s29 =	simm.s32 $0x9;
	_ =	strace $0x80000048  }
0xb7: {  	_ =	swait.ge [sflag:s29], $0x1  }
0xb8: {  	[sflag:s29] =	ssyncadd.s32 $0xFFFFFFFF  }
0xb9: {  	_ =	strace $0x90000048  }
0xba: {  	_ =	sfence  }
0xbb: {  	s30 =	sld [smem:$0x0];
	_ =	sdelay $0x2  }
0xbc: {  	s31 =	sshll.u32 s1, $0xD;
	s1 =	sshrl.u32 s1, $0x2  }
0xbd: {  	s3 =	sand.u32 $0x4000, s31;
	s1 =	sadd.s32 s1, s30  }
0xbe: {  	s0 =	sor.u32 s3, s0;
	s1 =	sshll.u32 s1, $0x11  }
0xbf: {  	s0 =	sor.u32 s1, s0  }
0xc0: {  	s0 =	sadd.s32 $0x8F2B, s0  }
0xc1: {  	[sflag:s0] =	ssyncadd.remote.s32 $0x1  }
0xc2: {  	_ =	sfence.sel $0xFFFF  }
0xc3: {  	[dreg:$0x0] =	wrdreg $0xFFFFFFFF;
	(pc) =	sbr.abs _section_cstart, $3  }
0xc4: {  	[dreg:$0x1] =	wrdreg $0xFFFFFFFF  }
0xc5: {  	_ =	task.clear_ibuf [dreg:s9], $0x2FFFF;
	_ =	strace $0x9FFFFFFF  }
0xc6: {  	(tm) =	ssettm $0x7FFFFFFF  }
0xc7: {  	_ =	shalt  }
tec
execute0_lowered:
.L_overlay_start_1:
0x0: {  	(tag) =	ssettag $0x1  }
0x1: {  	s7 =	rddreg [dreg:$0x0]  }
0x2: {  	s1 =	rddreg [dreg:$0x1]  }
0x3: {  	s2 =	rddreg [dreg:$0x2]  }
0x4: {  	s5 =	rddreg [dreg:$0x3];
	s6 =	srdreg.scid  }
0x5: {  	s4 =	simm.s32 $0x0;
	s3 =	stileid.u32;
	s11 =	simm.s32 $0x50  }
0x6: {  	s12 =	simm.s32 $0x800;
	s13 =	simm.s32 $0x80;
	s14 =	simm.s32 $0x3000  }
0x7: {  	s15 =	simm.s32 $0x100;
	s16 =	simm.s32 $0x5800;
	s17 =	simm.s32 $0x180  }
0x8: {  	s18 =	simm.s32 $0x8000;
	s19 =	simm.s32 $0x200;
	s20 =	simm.s32 $0xA800  }
0x9: {  	s21 =	simm.s32 $0x1;
	s22 =	simm.s32 $0xD000;
	s23 =	simm.s32 $0x0  }
0xa: {  	s6 =	sand.u32 $0x1, s6;
	[smem:$0x7FF] =	sst s4;
	s9 =	sshll.u32 s3, $0x1  }
0xb: {  	s5 =	sadd.s32 $0x400, s5;
	s8 =	ssub.s32 $0x2, s6;
	s6 =	sor.u32 s6, s9  }
0xc: {  	_ =	strace $0x80000047;
	s10 =	sshrl.u32 s8, $0x1;
	s9 =	sshll.u32 s6, $0xE  }
0xd: {  	v0 =	vlaneseq.u32;
	s6 =	smul.u32 $0x6400, s6;
	s8 =	ssub.s32 s8, s10;
	s7 =	sadd.s32 s7, s9  }
0xe: {  	v0 =	vmul.u32 $0x80, v0;
	s9 =	simm.s32 $0x19800;
	s10 =	simm.s32 $0x2;
	s8 =	smax.u32 s8, $0x1  }
.LBB2_1:
0xf: {  	[tilespmem:s9], [sflag:$0x2] =	stream.linear.gather [hbm4b:s2+s4], $0x4000, $0x38;
	[tilespmem:$0x1D800] =	vst v63  }
0x10: {  	_ =	swait.ge [sflag:s10], $0x4000  }
0x11: {  	[sflag:s10] =	ssyncset.done $0x0  }
0x12: {  	s24 =	simm.s32 $0x0;
	[sflag:s10] =	ssyncadd.s32 $0xFFFFC000  }
.LBB2_2:
0x13: {  	s25 =	sshll.u32 s24, $0x8  }
0x14: {  	s28 =	simm.s32 $0x0;
	s25 =	sadd.s32 s25, s7  }
0x15: {  	[tilespmem:s28], [sflag:$0x2] =	stream.linear.gather [hbm4b:s25+s28], $0x500, $0x38;
	[tilespmem:$0x1D800] =	vst v63  }
0x16: {  	_ =	swait.ge [sflag:s10], $0x500  }
0x17: {  	[sflag:s10] =	ssyncset.done $0x0  }
0x18: {  	[sflag:s10] =	ssyncadd.s32 $0xFFFFFB00  }
0x19: {  	[tilespmem:s12], [sflag:$0x1] =	stream.indirect.gather [hbm4b:s1+s11], $0x80, s28, s11, $0xb8;
	[tilespmem:$0x1D800] =	vst v63  }
0x1a: {  	_ = 	snop  }
0x1b: {  	[tilespmem:s14], [sflag:$0x1] =	stream.indirect.gather [hbm4b:s1+s11], $0x80, s13, s11, $0xb8;
	[tilespmem:$0x1D800] =	vst v63  }
0x1c: {  	_ = 	snop  }
0x1d: {  	[tilespmem:s16], [sflag:$0x1] =	stream.indirect.gather [hbm4b:s1+s11], $0x80, s15, s11, $0xb8;
	[tilespmem:$0x1D800] =	vst v63  }
0x1e: {  	_ = 	snop  }
0x1f: {  	[tilespmem:s18], [sflag:$0x1] =	stream.indirect.gather [hbm4b:s1+s11], $0x80, s17, s11, $0xb8;
	[tilespmem:$0x1D800] =	vst v63  }
0x20: {  	_ = 	snop  }
0x21: {  	[tilespmem:s20], [sflag:$0x1] =	stream.indirect.gather [hbm4b:s1+s11], $0x80, s19, s11, $0xb8;
	[tilespmem:$0x1D800] =	vst v63  }
0x22: {  	_ =	swait.ge [sflag:s21], $0x2800  }
0x23: {  	[sflag:s21] =	ssyncset.done $0x0  }
0x24: {  	[sflag:s21] =	ssyncadd.s32 $0xFFFFD800  }
0x25: {  	_ =	swait.ge [sflag:s21], $0x2800  }
0x26: {  	[sflag:s21] =	ssyncset.done $0x0  }
0x27: {  	[sflag:s21] =	ssyncadd.s32 $0xFFFFD800  }
0x28: {  	_ =	swait.ge [sflag:s21], $0x2800  }
0x29: {  	[sflag:s21] =	ssyncset.done $0x0  }
0x2a: {  	[sflag:s21] =	ssyncadd.s32 $0xFFFFD800  }
0x2b: {  	_ =	swait.ge [sflag:s21], $0x2800  }
0x2c: {  	[sflag:s21] =	ssyncset.done $0x0  }
0x2d: {  	[sflag:s21] =	ssyncadd.s32 $0xFFFFD800  }
0x2e: {  	s31 =	smul.u32 $0x190, s24;
	_ =	swait.ge [sflag:s21], $0x2800  }
0x2f: {  	s26 =	simm.s32 $0x280;
	s29 =	simm.s32 $0x1A000;
	[sflag:s21] =	ssyncset.done $0x0  }
0x30: {  	s30 =	simm.s32 $0x280;
	s25 =	sadd.s32 s6, s31;
	[sflag:s21] =	ssyncadd.s32 $0xFFFFD800  }
.LBB2_3:
0x31: {  	v1 =	vld [tilespmem:s30+$0x0];
	_ =	sdelay $0x3  }
0x32: {  	v2 =	vmov s28  }
0x33: {  	v2 =	vshll.u32 v2, $0x7;
	v1 =	vshll.u32 v1, $0x5  }
0x34: {  	v3 =	vand.u32 $0x60, v1;
	v1 =	vor.u32 v0, v2  }
0x35: {  	v2 =	vor.u32 v1, v3;
	_ =	sdelay $0x3  }
0x36: {  	v4 =	vld [tilespmem:s29+$0xFFFFF800]  }
0x37: {  	v3 =	vld.idx.msk [tilespmem:v2+s12+$0x0], $0xffff;
	_ =	sdelay $0x2  }
0x38: {  	v5 =	vor.u32 $0x1, v2;
	_ =	sdelay $0x1  }
0x39: {  	v3 =	vadd.f32 v4, v3;
	_ =	sdelay $0x1  }
0x3a: {  	[tilespmem:v1+s22+$0x0] =	vst.idx.msk $0xffff, v3  }
0x3b: {  	v3 =	vld.idx.msk [tilespmem:v5+s12+$0x0], $0xffff  }
0x3c: {  	v31 =	vld [tilespmem:s29+$0xFFFFF810];
	_ =	sdelay $0x1  }
0x3d: {  	v32 =	vor.u32 $0x1, v1  }
0x3e: {  	v6 =	vor.u32 $0x2, v2;
	_ =	sdelay $0x1  }
0x3f: {  	v3 =	vadd.f32 v31, v3;
	_ =	sdelay $0x1  }
0x40: {  	[tilespmem:v32+s22+$0x0] =	vst.idx.msk $0xffff, v3  }
0x41: {  	v3 =	vld.idx.msk [tilespmem:v6+s12+$0x0], $0xffff  }
0x42: {  	v33 =	vld [tilespmem:s29+$0xFFFFF820];
	_ =	sdelay $0x1  }
0x43: {  	v34 =	vor.u32 $0x2, v1  }
0x44: {  	v35 =	vor.u32 $0x3, v2;
	_ =	sdelay $0x1  }
0x45: {  	v3 =	vadd.f32 v33, v3;
	_ =	sdelay $0x1  }
0x46: {  	[tilespmem:v34+s22+$0x0] =	vst.idx.msk $0xffff, v3  }
0x47: {  	v3 =	vld.idx.msk [tilespmem:v35+s12+$0x0], $0xffff  }
0x48: {  	v36 =	vld [tilespmem:s29+$0xFFFFF830];
	_ =	sdelay $0x1  }
0x49: {  	v37 =	vor.u32 $0x3, v1  }
0x4a: {  	v38 =	vor.u32 $0x4, v2;
	_ =	sdelay $0x1  }
0x4b: {  	v3 =	vadd.f32 v36, v3;
	_ =	sdelay $0x1  }
0x4c: {  	[tilespmem:v37+s22+$0x0] =	vst.idx.msk $0xffff, v3  }
0x4d: {  	v3 =	vld.idx.msk [tilespmem:v38+s12+$0x0], $0xffff  }
0x4e: {  	v39 =	vld [tilespmem:s29+$0xFFFFF840];
	_ =	sdelay $0x1  }
0x4f: {  	v40 =	vor.u32 $0x4, v1  }
0x50: {  	v41 =	vor.u32 $0x5, v2;
	_ =	sdelay $0x1  }
0x51: {  	v3 =	vadd.f32 v39, v3;
	_ =	sdelay $0x1  }
0x52: {  	[tilespmem:v40+s22+$0x0] =	vst.idx.msk $0xffff, v3  }
0x53: {  	v3 =	vld.idx.msk [tilespmem:v41+s12+$0x0], $0xffff  }
0x54: {  	v42 =	vld [tilespmem:s29+$0xFFFFF850];
	_ =	sdelay $0x1  }
0x55: {  	v43 =	vor.u32 $0x5, v1  }
0x56: {  	v44 =	vor.u32 $0x6, v2;
	_ =	sdelay $0x1  }
0x57: {  	v3 =	vadd.f32 v42, v3;
	_ =	sdelay $0x1  }
0x58: {  	[tilespmem:v43+s22+$0x0] =	vst.idx.msk $0xffff, v3  }
0x59: {  	v3 =	vld.idx.msk [tilespmem:v44+s12+$0x0], $0xffff  }
0x5a: {  	v45 =	vld [tilespmem:s29+$0xFFFFF860];
	_ =	sdelay $0x1  }
0x5b: {  	v46 =	vor.u32 $0x6, v1  }
0x5c: {  	v47 =	vor.u32 $0x7, v2;
	_ =	sdelay $0x1  }
0x5d: {  	v3 =	vadd.f32 v45, v3;
	_ =	sdelay $0x1  }
0x5e: {  	[tilespmem:v46+s22+$0x0] =	vst.idx.msk $0xffff, v3  }
0x5f: {  	v3 =	vld.idx.msk [tilespmem:v47+s12+$0x0], $0xffff  }
0x60: {  	v48 =	vld [tilespmem:s29+$0xFFFFF870];
	_ =	sdelay $0x1  }
0x61: {  	v49 =	vor.u32 $0x7, v1  }
0x62: {  	v50 =	vor.u32 $0x8, v2;
	_ =	sdelay $0x1  }
0x63: {  	v3 =	vadd.f32 v48, v3;
	_ =	sdelay $0x1  }
0x64: {  	[tilespmem:v49+s22+$0x0] =	vst.idx.msk $0xffff, v3  }
0x65: {  	v3 =	vld.idx.msk [tilespmem:v50+s12+$0x0], $0xffff  }
0x66: {  	v51 =	vld [tilespmem:s29+$0xFFFFFC00];
	_ =	sdelay $0x1  }
0x67: {  	v52 =	vor.u32 $0x8, v1  }
0x68: {  	v53 =	vor.u32 $0x9, v2;
	_ =	sdelay $0x1  }
0x69: {  	v3 =	vadd.f32 v51, v3;
	_ =	sdelay $0x1  }
0x6a: {  	[tilespmem:v52+s22+$0x0] =	vst.idx.msk $0xffff, v3  }
0x6b: {  	v3 =	vld.idx.msk [tilespmem:v53+s12+$0x0], $0xffff  }
0x6c: {  	v54 =	vld [tilespmem:s29+$0xFFFFFC10];
	_ =	sdelay $0x1  }
0x6d: {  	v55 =	vor.u32 $0x9, v1  }
0x6e: {  	v56 =	vor.u32 $0xA, v2;
	_ =	sdelay $0x1  }
0x6f: {  	v3 =	vadd.f32 v54, v3;
	_ =	sdelay $0x1  }
0x70: {  	[tilespmem:v55+s22+$0x0] =	vst.idx.msk $0xffff, v3  }
0x71: {  	v3 =	vld.idx.msk [tilespmem:v56+s12+$0x0], $0xffff  }
0x72: {  	v57 =	vld [tilespmem:s29+$0xFFFFFC20];
	_ =	sdelay $0x1  }
0x73: {  	v58 =	vor.u32 $0xA, v1  }
0x74: {  	v59 =	vor.u32 $0xB, v2;
	_ =	sdelay $0x1  }
0x75: {  	v3 =	vadd.f32 v57, v3;
	_ =	sdelay $0x1  }
0x76: {  	[tilespmem:v58+s22+$0x0] =	vst.idx.msk $0xffff, v3  }
0x77: {  	v3 =	vld.idx.msk [tilespmem:v59+s12+$0x0], $0xffff  }
0x78: {  	v60 =	vld [tilespmem:s29+$0xFFFFFC30];
	_ =	sdelay $0x1  }
0x79: {  	v61 =	vor.u32 $0xB, v1  }
0x7a: {  	v62 =	vor.u32 $0xC, v2;
	_ =	sdelay $0x1  }
0x7b: {  	v3 =	vadd.f32 v60, v3;
	_ =	sdelay $0x1  }
0x7c: {  	[tilespmem:v61+s22+$0x0] =	vst.idx.msk $0xffff, v3  }
0x7d: {  	v3 =	vld.idx.msk [tilespmem:v62+s12+$0x0], $0xffff  }
0x7e: {  	v63 =	vld [tilespmem:s29+$0xFFFFFC40];
	_ =	sdelay $0x1  }
0x7f: {  	v9 =	vor.u32 $0xC, v1  }
0x80: {  	v10 =	vor.u32 $0xD, v2;
	_ =	sdelay $0x1  }
0x81: {  	v3 =	vadd.f32 v63, v3;
	_ =	sdelay $0x1  }
0x82: {  	[tilespmem:v9+s22+$0x0] =	vst.idx.msk $0xffff, v3  }
0x83: {  	v3 =	vld.idx.msk [tilespmem:v10+s12+$0x0], $0xffff  }
0x84: {  	v11 =	vld [tilespmem:s29+$0xFFFFFC50];
	_ =	sdelay $0x1  }
0x85: {  	v12 =	vor.u32 $0xD, v1  }
0x86: {  	v13 =	vor.u32 $0xE, v2;
	_ =	sdelay $0x1  }
0x87: {  	v3 =	vadd.f32 v11, v3;
	_ =	sdelay $0x1  }
0x88: {  	[tilespmem:v12+s22+$0x0] =	vst.idx.msk $0xffff, v3  }
0x89: {  	v3 =	vld.idx.msk [tilespmem:v13+s12+$0x0], $0xffff  }
0x8a: {  	v14 =	vld [tilespmem:s29+$0xFFFFFC60];
	_ =	sdelay $0x1  }
0x8b: {  	v15 =	vor.u32 $0xE, v1  }
0x8c: {  	v16 =	vor.u32 $0xF, v2;
	_ =	sdelay $0x1  }
0x8d: {  	v3 =	vadd.f32 v14, v3;
	_ =	sdelay $0x1  }
0x8e: {  	[tilespmem:v15+s22+$0x0] =	vst.idx.msk $0xffff, v3  }
0x8f: {  	v3 =	vld.idx.msk [tilespmem:v16+s12+$0x0], $0xffff  }
0x90: {  	v17 =	vld [tilespmem:s29+$0xFFFFFC70];
	_ =	sdelay $0x1  }
0x91: {  	v18 =	vor.u32 $0xF, v1  }
0x92: {  	v19 =	vor.u32 $0x10, v2;
	_ =	sdelay $0x1  }
0x93: {  	v3 =	vadd.f32 v17, v3;
	_ =	sdelay $0x1  }
0x94: {  	[tilespmem:v18+s22+$0x0] =	vst.idx.msk $0xffff, v3  }
0x95: {  	v3 =	vld.idx.msk [tilespmem:v19+s12+$0x0], $0xffff  }
0x96: {  	v20 =	vld [tilespmem:s29+$0x0];
	_ =	sdelay $0x1  }
0x97: {  	v21 =	vor.u32 $0x10, v1  }
0x98: {  	v22 =	vor.u32 $0x11, v2;
	_ =	sdelay $0x1  }
0x99: {  	v3 =	vadd.f32 v20, v3;
	_ =	sdelay $0x1  }
0x9a: {  	[tilespmem:v21+s22+$0x0] =	vst.idx.msk $0xffff, v3  }
0x9b: {  	v3 =	vld.idx.msk [tilespmem:v22+s12+$0x0], $0xffff  }
0x9c: {  	v23 =	vld [tilespmem:s29+$0x10];
	_ =	sdelay $0x1  }
0x9d: {  	v24 =	vor.u32 $0x11, v1  }
0x9e: {  	v25 =	vor.u32 $0x12, v2;
	_ =	sdelay $0x1  }
0x9f: {  	v3 =	vadd.f32 v23, v3;
	_ =	sdelay $0x1  }
0xa0: {  	[tilespmem:v24+s22+$0x0] =	vst.idx.msk $0xffff, v3  }
0xa1: {  	v3 =	vld.idx.msk [tilespmem:v25+s12+$0x0], $0xffff  }
0xa2: {  	v26 =	vld [tilespmem:s29+$0x20];
	_ =	sdelay $0x1  }
0xa3: {  	v27 =	vor.u32 $0x12, v1  }
0xa4: {  	v28 =	vor.u32 $0x13, v2;
	_ =	sdelay $0x1  }
0xa5: {  	v3 =	vadd.f32 v26, v3;
	_ =	sdelay $0x1  }
0xa6: {  	[tilespmem:v27+s22+$0x0] =	vst.idx.msk $0xffff, v3  }
0xa7: {  	v3 =	vld.idx.msk [tilespmem:v28+s12+$0x0], $0xffff  }
0xa8: {  	v29 =	vld [tilespmem:s29+$0x30];
	_ =	sdelay $0x1  }
0xa9: {  	v30 =	vor.u32 $0x13, v1  }
0xaa: {  	v31 =	vor.u32 $0x14, v2;
	_ =	sdelay $0x1  }
0xab: {  	v3 =	vadd.f32 v29, v3;
	_ =	sdelay $0x1  }
0xac: {  	[tilespmem:v30+s22+$0x0] =	vst.idx.msk $0xffff, v3  }
0xad: {  	v3 =	vld.idx.msk [tilespmem:v31+s12+$0x0], $0xffff  }
0xae: {  	v32 =	vld [tilespmem:s29+$0x40];
	_ =	sdelay $0x1  }
0xaf: {  	v33 =	vor.u32 $0x14, v1  }
0xb0: {  	v34 =	vor.u32 $0x15, v2;
	_ =	sdelay $0x1  }
0xb1: {  	v3 =	vadd.f32 v32, v3;
	_ =	sdelay $0x1  }
0xb2: {  	[tilespmem:v33+s22+$0x0] =	vst.idx.msk $0xffff, v3  }
0xb3: {  	v3 =	vld.idx.msk [tilespmem:v34+s12+$0x0], $0xffff  }
0xb4: {  	v35 =	vld [tilespmem:s29+$0x50];
	_ =	sdelay $0x1  }
0xb5: {  	v36 =	vor.u32 $0x15, v1  }
0xb6: {  	v37 =	vor.u32 $0x16, v2;
	_ =	sdelay $0x1  }
0xb7: {  	v3 =	vadd.f32 v35, v3;
	_ =	sdelay $0x1  }
0xb8: {  	[tilespmem:v36+s22+$0x0] =	vst.idx.msk $0xffff, v3  }
0xb9: {  	v3 =	vld.idx.msk [tilespmem:v37+s12+$0x0], $0xffff  }
0xba: {  	v38 =	vld [tilespmem:s29+$0x60];
	_ =	sdelay $0x1  }
0xbb: {  	v39 =	vor.u32 $0x16, v1  }
0xbc: {  	v40 =	vor.u32 $0x17, v2;
	_ =	sdelay $0x1  }
0xbd: {  	v3 =	vadd.f32 v38, v3;
	_ =	sdelay $0x1  }
0xbe: {  	[tilespmem:v39+s22+$0x0] =	vst.idx.msk $0xffff, v3  }
0xbf: {  	v3 =	vld.idx.msk [tilespmem:v40+s12+$0x0], $0xffff  }
0xc0: {  	v41 =	vld [tilespmem:s29+$0x70];
	_ =	sdelay $0x1  }
0xc1: {  	v42 =	vor.u32 $0x17, v1  }
0xc2: {  	v43 =	vor.u32 $0x18, v2;
	_ =	sdelay $0x1  }
0xc3: {  	v3 =	vadd.f32 v41, v3;
	_ =	sdelay $0x1  }
0xc4: {  	[tilespmem:v42+s22+$0x0] =	vst.idx.msk $0xffff, v3  }
0xc5: {  	v3 =	vld.idx.msk [tilespmem:v43+s12+$0x0], $0xffff  }
0xc6: {  	v44 =	vld [tilespmem:s29+$0x400];
	_ =	sdelay $0x1  }
0xc7: {  	v45 =	vor.u32 $0x18, v1  }
0xc8: {  	v46 =	vor.u32 $0x19, v2;
	_ =	sdelay $0x1  }
0xc9: {  	v3 =	vadd.f32 v44, v3;
	_ =	sdelay $0x1  }
0xca: {  	[tilespmem:v45+s22+$0x0] =	vst.idx.msk $0xffff, v3  }
0xcb: {  	v3 =	vld.idx.msk [tilespmem:v46+s12+$0x0], $0xffff  }
0xcc: {  	v47 =	vld [tilespmem:s29+$0x410];
	_ =	sdelay $0x1  }
0xcd: {  	v48 =	vor.u32 $0x19, v1  }
0xce: {  	v49 =	vor.u32 $0x1A, v2;
	_ =	sdelay $0x1  }
0xcf: {  	v3 =	vadd.f32 v47, v3;
	_ =	sdelay $0x1  }
0xd0: {  	[tilespmem:v48+s22+$0x0] =	vst.idx.msk $0xffff, v3  }
0xd1: {  	v3 =	vld.idx.msk [tilespmem:v49+s12+$0x0], $0xffff  }
0xd2: {  	v50 =	vld [tilespmem:s29+$0x420];
	_ =	sdelay $0x1  }
0xd3: {  	v51 =	vor.u32 $0x1A, v1  }
0xd4: {  	v52 =	vor.u32 $0x1B, v2;
	_ =	sdelay $0x1  }
0xd5: {  	v3 =	vadd.f32 v50, v3;
	_ =	sdelay $0x1  }
0xd6: {  	[tilespmem:v51+s22+$0x0] =	vst.idx.msk $0xffff, v3  }
0xd7: {  	v3 =	vld.idx.msk [tilespmem:v52+s12+$0x0], $0xffff  }
0xd8: {  	v53 =	vld [tilespmem:s29+$0x430];
	_ =	sdelay $0x1  }
0xd9: {  	v54 =	vor.u32 $0x1B, v1  }
0xda: {  	v55 =	vor.u32 $0x1C, v2;
	_ =	sdelay $0x1  }
0xdb: {  	v3 =	vadd.f32 v53, v3;
	_ =	sdelay $0x1  }
0xdc: {  	[tilespmem:v54+s22+$0x0] =	vst.idx.msk $0xffff, v3  }
0xdd: {  	v3 =	vld.idx.msk [tilespmem:v55+s12+$0x0], $0xffff  }
0xde: {  	v56 =	vld [tilespmem:s29+$0x440];
	_ =	sdelay $0x1  }
0xdf: {  	v57 =	vor.u32 $0x1C, v1  }
0xe0: {  	v58 =	vor.u32 $0x1D, v2;
	_ =	sdelay $0x1  }
0xe1: {  	v3 =	vadd.f32 v56, v3;
	_ =	sdelay $0x1  }
0xe2: {  	[tilespmem:v57+s22+$0x0] =	vst.idx.msk $0xffff, v3  }
0xe3: {  	v3 =	vld.idx.msk [tilespmem:v58+s12+$0x0], $0xffff  }
0xe4: {  	v59 =	vld [tilespmem:s29+$0x450];
	_ =	sdelay $0x1  }
0xe5: {  	v60 =	vor.u32 $0x1D, v1  }
0xe6: {  	v61 =	vor.u32 $0x1E, v2;
	_ =	sdelay $0x1  }
0xe7: {  	v3 =	vadd.f32 v59, v3;
	_ =	sdelay $0x1  }
0xe8: {  	[tilespmem:v60+s22+$0x0] =	vst.idx.msk $0xffff, v3  }
0xe9: {  	v3 =	vld.idx.msk [tilespmem:v61+s12+$0x0], $0xffff  }
0xea: {  	v62 =	vld [tilespmem:s29+$0x460];
	_ =	sdelay $0x1  }
0xeb: {  	v63 =	vor.u32 $0x1E, v1  }
0xec: {  	v2 =	vor.u32 $0x1F, v2;
	_ =	sdelay $0x1  }
0xed: {  	v3 =	vadd.f32 v62, v3;
	_ =	sdelay $0x1  }
0xee: {  	[tilespmem:v63+s22+$0x0] =	vst.idx.msk $0xffff, v3  }
0xef: {  	v2 =	vld.idx.msk [tilespmem:v2+s12+$0x0], $0xffff  }
0xf0: {  	v3 =	vld [tilespmem:s29+$0x470];
	_ =	sdelay $0x1  }
0xf1: {  	p0 =	sne.s32 s28, $0x40;
	v1 =	vor.u32 $0x1F, v1  }
.Ltmp0:
0xf2: {  	_ = 	snop;
	(pc) =	sbr.rel @p0 .LBB2_3-.Ltmp0, $3  }
0xf3: {  	_ = 	snop  }
0xf4: {  	v2 =	vadd.f32 v3, v2;
	_ =	sdelay $0x1  }
0xf5: {  	s30 =	sadd.s32 $0x10, s30;
	s28 =	sadd.s32 $0x10, s28;
	s29 =	sadd.s32 $0x80, s29;
	[tilespmem:v1+s22+$0x0] =	vst.idx.msk $0xffff, v2  }
0xf6: {  	s28 =	simm.s32 $0x50;
	s29 =	simm.s32 $0xA00;
	s30 =	simm.s32 $0x300  }
.LBB2_5:
0xf7: {  	v1 =	vld [tilespmem:s30+$0x0];
	_ =	sdelay $0x3  }
0xf8: {  	v2 =	vmov s28  }
0xf9: {  	v2 =	vshll.u32 v2, $0x7;
	v1 =	vshll.u32 v1, $0x5  }
0xfa: {  	v3 =	vand.u32 $0x60, v1;
	v1 =	vor.u32 v0, v2  }
0xfb: {  	v2 =	vor.u32 v1, v3;
	_ =	sdelay $0x1  }
0xfc: {  	s31 =	sand.u32 $0x1000, s29;
	s0 =	sand.u32 $0x380, s26  }
0xfd: {  	s0 =	sor.u32 s0, s31  }
0xfe: {  	v4 =	vld [tilespmem:s0+$0x19800]  }
0xff: {  	v3 =	vld.idx.msk [tilespmem:v2+s12+$0x0], $0xffff;
	_ =	sdelay $0x2  }
0x100: {  	v5 =	vor.u32 $0x1, v2;
	_ =	sdelay $0x1  }
0x101: {  	v3 =	vadd.f32 v4, v3;
	_ =	sdelay $0x1  }
0x102: {  	[tilespmem:v1+s22+$0x0] =	vst.idx.msk $0xffff, v3  }
0x103: {  	s31 =	sadd.s32 $0x19800, s0;
	v3 =	vld.idx.msk [tilespmem:v5+s12+$0x0], $0xffff  }
0x104: {  	v31 =	vld [tilespmem:s31+$0x10];
	_ =	sdelay $0x1  }
0x105: {  	v32 =	vor.u32 $0x1, v1  }
0x106: {  	v6 =	vor.u32 $0x2, v2;
	_ =	sdelay $0x1  }
0x107: {  	v3 =	vadd.f32 v31, v3;
	_ =	sdelay $0x1  }
0x108: {  	[tilespmem:v32+s22+$0x0] =	vst.idx.msk $0xffff, v3  }
0x109: {  	v3 =	vld.idx.msk [tilespmem:v6+s12+$0x0], $0xffff  }
0x10a: {  	v33 =	vld [tilespmem:s31+$0x20];
	_ =	sdelay $0x1  }
0x10b: {  	v34 =	vor.u32 $0x2, v1  }
0x10c: {  	v35 =	vor.u32 $0x3, v2;
	_ =	sdelay $0x1  }
0x10d: {  	v3 =	vadd.f32 v33, v3;
	_ =	sdelay $0x1  }
0x10e: {  	[tilespmem:v34+s22+$0x0] =	vst.idx.msk $0xffff, v3  }
0x10f: {  	v3 =	vld.idx.msk [tilespmem:v35+s12+$0x0], $0xffff  }
0x110: {  	v36 =	vld [tilespmem:s31+$0x30];
	_ =	sdelay $0x1  }
0x111: {  	v37 =	vor.u32 $0x3, v1  }
0x112: {  	v38 =	vor.u32 $0x4, v2;
	_ =	sdelay $0x1  }
0x113: {  	v3 =	vadd.f32 v36, v3;
	_ =	sdelay $0x1  }
0x114: {  	[tilespmem:v37+s22+$0x0] =	vst.idx.msk $0xffff, v3  }
0x115: {  	v3 =	vld.idx.msk [tilespmem:v38+s12+$0x0], $0xffff  }
0x116: {  	v39 =	vld [tilespmem:s31+$0x40];
	_ =	sdelay $0x1  }
0x117: {  	v40 =	vor.u32 $0x4, v1  }
0x118: {  	v41 =	vor.u32 $0x5, v2;
	_ =	sdelay $0x1  }
0x119: {  	v3 =	vadd.f32 v39, v3;
	_ =	sdelay $0x1  }
0x11a: {  	[tilespmem:v40+s22+$0x0] =	vst.idx.msk $0xffff, v3  }
0x11b: {  	v3 =	vld.idx.msk [tilespmem:v41+s12+$0x0], $0xffff  }
0x11c: {  	v42 =	vld [tilespmem:s31+$0x50];
	_ =	sdelay $0x1  }
0x11d: {  	v43 =	vor.u32 $0x5, v1  }
0x11e: {  	v44 =	vor.u32 $0x6, v2;
	_ =	sdelay $0x1  }
0x11f: {  	v3 =	vadd.f32 v42, v3;
	_ =	sdelay $0x1  }
0x120: {  	[tilespmem:v43+s22+$0x0] =	vst.idx.msk $0xffff, v3  }
0x121: {  	v3 =	vld.idx.msk [tilespmem:v44+s12+$0x0], $0xffff  }
0x122: {  	v45 =	vld [tilespmem:s31+$0x60];
	_ =	sdelay $0x1  }
0x123: {  	v46 =	vor.u32 $0x6, v1  }
0x124: {  	v47 =	vor.u32 $0x7, v2;
	_ =	sdelay $0x1  }
0x125: {  	v3 =	vadd.f32 v45, v3;
	_ =	sdelay $0x1  }
0x126: {  	[tilespmem:v46+s22+$0x0] =	vst.idx.msk $0xffff, v3  }
0x127: {  	v3 =	vld.idx.msk [tilespmem:v47+s12+$0x0], $0xffff  }
0x128: {  	v48 =	vld [tilespmem:s31+$0x70];
	_ =	sdelay $0x1  }
0x129: {  	v49 =	vor.u32 $0x7, v1  }
0x12a: {  	v50 =	vor.u32 $0x8, v2;
	_ =	sdelay $0x1  }
0x12b: {  	v3 =	vadd.f32 v48, v3;
	_ =	sdelay $0x1  }
0x12c: {  	[tilespmem:v49+s22+$0x0] =	vst.idx.msk $0xffff, v3  }
0x12d: {  	v3 =	vld.idx.msk [tilespmem:v50+s12+$0x0], $0xffff  }
0x12e: {  	v51 =	vld [tilespmem:s31+$0x400];
	_ =	sdelay $0x1  }
0x12f: {  	v52 =	vor.u32 $0x8, v1  }
0x130: {  	v53 =	vor.u32 $0x9, v2;
	_ =	sdelay $0x1  }
0x131: {  	v3 =	vadd.f32 v51, v3;
	_ =	sdelay $0x1  }
0x132: {  	[tilespmem:v52+s22+$0x0] =	vst.idx.msk $0xffff, v3  }
0x133: {  	v3 =	vld.idx.msk [tilespmem:v53+s12+$0x0], $0xffff  }
0x134: {  	v54 =	vld [tilespmem:s31+$0x410];
	_ =	sdelay $0x1  }
0x135: {  	v55 =	vor.u32 $0x9, v1  }
0x136: {  	v56 =	vor.u32 $0xA, v2;
	_ =	sdelay $0x1  }
0x137: {  	v3 =	vadd.f32 v54, v3;
	_ =	sdelay $0x1  }
0x138: {  	[tilespmem:v55+s22+$0x0] =	vst.idx.msk $0xffff, v3  }
0x139: {  	v3 =	vld.idx.msk [tilespmem:v56+s12+$0x0], $0xffff  }
0x13a: {  	v57 =	vld [tilespmem:s31+$0x420];
	_ =	sdelay $0x1  }
0x13b: {  	v58 =	vor.u32 $0xA, v1  }
0x13c: {  	v59 =	vor.u32 $0xB, v2;
	_ =	sdelay $0x1  }
0x13d: {  	v3 =	vadd.f32 v57, v3;
	_ =	sdelay $0x1  }
0x13e: {  	[tilespmem:v58+s22+$0x0] =	vst.idx.msk $0xffff, v3  }
0x13f: {  	v3 =	vld.idx.msk [tilespmem:v59+s12+$0x0], $0xffff  }
0x140: {  	v60 =	vld [tilespmem:s31+$0x430];
	_ =	sdelay $0x1  }
0x141: {  	v61 =	vor.u32 $0xB, v1  }
0x142: {  	v62 =	vor.u32 $0xC, v2;
	_ =	sdelay $0x1  }
0x143: {  	v3 =	vadd.f32 v60, v3;
	_ =	sdelay $0x1  }
0x144: {  	[tilespmem:v61+s22+$0x0] =	vst.idx.msk $0xffff, v3  }
0x145: {  	v3 =	vld.idx.msk [tilespmem:v62+s12+$0x0], $0xffff  }
0x146: {  	v63 =	vld [tilespmem:s31+$0x440];
	_ =	sdelay $0x1  }
0x147: {  	v9 =	vor.u32 $0xC, v1  }
0x148: {  	v10 =	vor.u32 $0xD, v2;
	_ =	sdelay $0x1  }
0x149: {  	v3 =	vadd.f32 v63, v3;
	_ =	sdelay $0x1  }
0x14a: {  	[tilespmem:v9+s22+$0x0] =	vst.idx.msk $0xffff, v3  }
0x14b: {  	v3 =	vld.idx.msk [tilespmem:v10+s12+$0x0], $0xffff  }
0x14c: {  	v11 =	vld [tilespmem:s31+$0x450];
	_ =	sdelay $0x1  }
0x14d: {  	v12 =	vor.u32 $0xD, v1  }
0x14e: {  	v13 =	vor.u32 $0xE, v2;
	_ =	sdelay $0x1  }
0x14f: {  	v3 =	vadd.f32 v11, v3;
	_ =	sdelay $0x1  }
0x150: {  	[tilespmem:v12+s22+$0x0] =	vst.idx.msk $0xffff, v3  }
0x151: {  	v3 =	vld.idx.msk [tilespmem:v13+s12+$0x0], $0xffff  }
0x152: {  	v14 =	vld [tilespmem:s31+$0x460];
	_ =	sdelay $0x1  }
0x153: {  	v15 =	vor.u32 $0xE, v1  }
0x154: {  	v16 =	vor.u32 $0xF, v2;
	_ =	sdelay $0x1  }
0x155: {  	v3 =	vadd.f32 v14, v3;
	_ =	sdelay $0x1  }
0x156: {  	[tilespmem:v15+s22+$0x0] =	vst.idx.msk $0xffff, v3  }
0x157: {  	v3 =	vld.idx.msk [tilespmem:v16+s12+$0x0], $0xffff  }
0x158: {  	v17 =	vld [tilespmem:s31+$0x470];
	_ =	sdelay $0x1  }
0x159: {  	v18 =	vor.u32 $0xF, v1  }
0x15a: {  	v19 =	vor.u32 $0x10, v2;
	_ =	sdelay $0x1  }
0x15b: {  	v3 =	vadd.f32 v17, v3;
	_ =	sdelay $0x1  }
0x15c: {  	[tilespmem:v18+s22+$0x0] =	vst.idx.msk $0xffff, v3  }
0x15d: {  	v3 =	vld.idx.msk [tilespmem:v19+s12+$0x0], $0xffff  }
0x15e: {  	v20 =	vld [tilespmem:s31+$0x800];
	_ =	sdelay $0x1  }
0x15f: {  	v21 =	vor.u32 $0x10, v1  }
0x160: {  	v22 =	vor.u32 $0x11, v2;
	_ =	sdelay $0x1  }
0x161: {  	v3 =	vadd.f32 v20, v3;
	_ =	sdelay $0x1  }
0x162: {  	[tilespmem:v21+s22+$0x0] =	vst.idx.msk $0xffff, v3  }
0x163: {  	v3 =	vld.idx.msk [tilespmem:v22+s12+$0x0], $0xffff  }
0x164: {  	v23 =	vld [tilespmem:s31+$0x810];
	_ =	sdelay $0x1  }
0x165: {  	v24 =	vor.u32 $0x11, v1  }
0x166: {  	v25 =	vor.u32 $0x12, v2;
	_ =	sdelay $0x1  }
0x167: {  	v3 =	vadd.f32 v23, v3;
	_ =	sdelay $0x1  }
0x168: {  	[tilespmem:v24+s22+$0x0] =	vst.idx.msk $0xffff, v3  }
0x169: {  	v3 =	vld.idx.msk [tilespmem:v25+s12+$0x0], $0xffff  }
0x16a: {  	v26 =	vld [tilespmem:s31+$0x820];
	_ =	sdelay $0x1  }
0x16b: {  	v27 =	vor.u32 $0x12, v1  }
0x16c: {  	v28 =	vor.u32 $0x13, v2;
	_ =	sdelay $0x1  }
0x16d: {  	v3 =	vadd.f32 v26, v3;
	_ =	sdelay $0x1  }
0x16e: {  	[tilespmem:v27+s22+$0x0] =	vst.idx.msk $0xffff, v3  }
0x16f: {  	v3 =	vld.idx.msk [tilespmem:v28+s12+$0x0], $0xffff  }
0x170: {  	v29 =	vld [tilespmem:s31+$0x830];
	_ =	sdelay $0x1  }
0x171: {  	v30 =	vor.u32 $0x13, v1  }
0x172: {  	v31 =	vor.u32 $0x14, v2;
	_ =	sdelay $0x1  }
0x173: {  	v3 =	vadd.f32 v29, v3;
	_ =	sdelay $0x1  }
0x174: {  	[tilespmem:v30+s22+$0x0] =	vst.idx.msk $0xffff, v3  }
0x175: {  	v3 =	vld.idx.msk [tilespmem:v31+s12+$0x0], $0xffff  }
0x176: {  	v32 =	vld [tilespmem:s31+$0x840];
	_ =	sdelay $0x1  }
0x177: {  	v33 =	vor.u32 $0x14, v1  }
0x178: {  	v34 =	vor.u32 $0x15, v2;
	_ =	sdelay $0x1  }
0x179: {  	v3 =	vadd.f32 v32, v3;
	_ =	sdelay $0x1  }
0x17a: {  	[tilespmem:v33+s22+$0x0] =	vst.idx.msk $0xffff, v3  }
0x17b: {  	v3 =	vld.idx.msk [tilespmem:v34+s12+$0x0], $0xffff  }
0x17c: {  	v35 =	vld [tilespmem:s31+$0x850];
	_ =	sdelay $0x1  }
0x17d: {  	v36 =	vor.u32 $0x15, v1  }
0x17e: {  	v37 =	vor.u32 $0x16, v2;
	_ =	sdelay $0x1  }
0x17f: {  	v3 =	vadd.f32 v35, v3;
	_ =	sdelay $0x1  }
0x180: {  	[tilespmem:v36+s22+$0x0] =	vst.idx.msk $0xffff, v3  }
0x181: {  	v3 =	vld.idx.msk [tilespmem:v37+s12+$0x0], $0xffff  }
0x182: {  	v38 =	vld [tilespmem:s31+$0x860];
	_ =	sdelay $0x1  }
0x183: {  	v39 =	vor.u32 $0x16, v1  }
0x184: {  	v40 =	vor.u32 $0x17, v2;
	_ =	sdelay $0x1  }
0x185: {  	v3 =	vadd.f32 v38, v3;
	_ =	sdelay $0x1  }
0x186: {  	[tilespmem:v39+s22+$0x0] =	vst.idx.msk $0xffff, v3  }
0x187: {  	v3 =	vld.idx.msk [tilespmem:v40+s12+$0x0], $0xffff  }
0x188: {  	v41 =	vld [tilespmem:s31+$0x870];
	_ =	sdelay $0x1  }
0x189: {  	v42 =	vor.u32 $0x17, v1  }
0x18a: {  	v43 =	vor.u32 $0x18, v2;
	_ =	sdelay $0x1  }
0x18b: {  	v3 =	vadd.f32 v41, v3;
	_ =	sdelay $0x1  }
0x18c: {  	[tilespmem:v42+s22+$0x0] =	vst.idx.msk $0xffff, v3  }
0x18d: {  	v3 =	vld.idx.msk [tilespmem:v43+s12+$0x0], $0xffff  }
0x18e: {  	v44 =	vld [tilespmem:s31+$0xC00];
	_ =	sdelay $0x1  }
0x18f: {  	v45 =	vor.u32 $0x18, v1  }
0x190: {  	v46 =	vor.u32 $0x19, v2;
	_ =	sdelay $0x1  }
0x191: {  	v3 =	vadd.f32 v44, v3;
	_ =	sdelay $0x1  }
0x192: {  	[tilespmem:v45+s22+$0x0] =	vst.idx.msk $0xffff, v3  }
0x193: {  	v3 =	vld.idx.msk [tilespmem:v46+s12+$0x0], $0xffff  }
0x194: {  	v47 =	vld [tilespmem:s31+$0xC10];
	_ =	sdelay $0x1  }
0x195: {  	v48 =	vor.u32 $0x19, v1  }
0x196: {  	v49 =	vor.u32 $0x1A, v2;
	_ =	sdelay $0x1  }
0x197: {  	v3 =	vadd.f32 v47, v3;
	_ =	sdelay $0x1  }
0x198: {  	[tilespmem:v48+s22+$0x0] =	vst.idx.msk $0xffff, v3  }
0x199: {  	v3 =	vld.idx.msk [tilespmem:v49+s12+$0x0], $0xffff  }
0x19a: {  	v50 =	vld [tilespmem:s31+$0xC20];
	_ =	sdelay $0x1  }
0x19b: {  	v51 =	vor.u32 $0x1A, v1  }
0x19c: {  	v52 =	vor.u32 $0x1B, v2;
	_ =	sdelay $0x1  }
0x19d: {  	v3 =	vadd.f32 v50, v3;
	_ =	sdelay $0x1  }
0x19e: {  	[tilespmem:v51+s22+$0x0] =	vst.idx.msk $0xffff, v3  }
0x19f: {  	v3 =	vld.idx.msk [tilespmem:v52+s12+$0x0], $0xffff  }
0x1a0: {  	v53 =	vld [tilespmem:s31+$0xC30];
	_ =	sdelay $0x1  }
0x1a1: {  	v54 =	vor.u32 $0x1B, v1  }
0x1a2: {  	v55 =	vor.u32 $0x1C, v2;
	_ =	sdelay $0x1  }
0x1a3: {  	v3 =	vadd.f32 v53, v3;
	_ =	sdelay $0x1  }
0x1a4: {  	[tilespmem:v54+s22+$0x0] =	vst.idx.msk $0xffff, v3  }
0x1a5: {  	v3 =	vld.idx.msk [tilespmem:v55+s12+$0x0], $0xffff  }
0x1a6: {  	v56 =	vld [tilespmem:s31+$0xC40];
	_ =	sdelay $0x1  }
0x1a7: {  	v57 =	vor.u32 $0x1C, v1  }
0x1a8: {  	v58 =	vor.u32 $0x1D, v2;
	_ =	sdelay $0x1  }
0x1a9: {  	v3 =	vadd.f32 v56, v3;
	_ =	sdelay $0x1  }
0x1aa: {  	[tilespmem:v57+s22+$0x0] =	vst.idx.msk $0xffff, v3  }
0x1ab: {  	v3 =	vld.idx.msk [tilespmem:v58+s12+$0x0], $0xffff  }
0x1ac: {  	v59 =	vld [tilespmem:s31+$0xC50];
	_ =	sdelay $0x1  }
0x1ad: {  	v60 =	vor.u32 $0x1D, v1  }
0x1ae: {  	v61 =	vor.u32 $0x1E, v2;
	_ =	sdelay $0x1  }
0x1af: {  	v3 =	vadd.f32 v59, v3;
	_ =	sdelay $0x1  }
0x1b0: {  	[tilespmem:v60+s22+$0x0] =	vst.idx.msk $0xffff, v3  }
0x1b1: {  	v3 =	vld.idx.msk [tilespmem:v61+s12+$0x0], $0xffff  }
0x1b2: {  	v62 =	vld [tilespmem:s31+$0xC60];
	_ =	sdelay $0x1  }
0x1b3: {  	v63 =	vor.u32 $0x1E, v1  }
0x1b4: {  	v2 =	vor.u32 $0x1F, v2;
	_ =	sdelay $0x1  }
0x1b5: {  	v3 =	vadd.f32 v62, v3;
	_ =	sdelay $0x1  }
0x1b6: {  	[tilespmem:v63+s22+$0x0] =	vst.idx.msk $0xffff, v3  }
0x1b7: {  	v2 =	vld.idx.msk [tilespmem:v2+s12+$0x0], $0xffff  }
0x1b8: {  	v3 =	vld [tilespmem:s31+$0xC70];
	_ =	sdelay $0x1  }
0x1b9: {  	p0 =	sne.s32 s28, $0x90;
	v1 =	vor.u32 $0x1F, v1  }
.Ltmp1:
0x1ba: {  	_ = 	snop;
	(pc) =	sbr.rel @p0 .LBB2_5-.Ltmp1, $4  }
0x1bb: {  	_ = 	snop  }
0x1bc: {  	v2 =	vadd.f32 v3, v2  }
0x1bd: {  	s26 =	sadd.s32 $0x80, s26  }
0x1be: {  	s29 =	sadd.s32 $0x200, s29;
	s30 =	sadd.s32 $0x10, s30;
	s28 =	sadd.s32 $0x10, s28;
	[tilespmem:v1+s22+$0x0] =	vst.idx.msk $0xffff, v2  }
0x1bf: {  	s26 =	simm.s32 $0x0  }
0x1c0: {  	s28 =	simm.s32 $0x1400;
	s29 =	simm.s32 $0x380;
	s30 =	simm.s32 $0xA0  }
.LBB2_7:
0x1c1: {  	v1 =	vld [tilespmem:s29+$0x0];
	_ =	sdelay $0x3  }
0x1c2: {  	v2 =	vmov s30  }
0x1c3: {  	v2 =	vshll.u32 v2, $0x7;
	v1 =	vshll.u32 v1, $0x5  }
0x1c4: {  	v3 =	vand.u32 $0x60, v1;
	v1 =	vor.u32 v0, v2  }
0x1c5: {  	v2 =	vor.u32 v1, v3  }
0x1c6: {  	s0 =	sshra.s32 s26, $0x2;
	s31 =	sand.u32 $0x3FFFF000, s28  }
0x1c7: {  	s0 =	sadd.s32 s31, s0  }
0x1c8: {  	s31 =	sadd.s32 $0x19800, s0  }
0x1c9: {  	v4 =	vld [tilespmem:s31+$0x100]  }
0x1ca: {  	v3 =	vld.idx.msk [tilespmem:v2+s12+$0x0], $0xffff;
	_ =	sdelay $0x2  }
0x1cb: {  	v5 =	vor.u32 $0x1, v2;
	_ =	sdelay $0x1  }
0x1cc: {  	v3 =	vadd.f32 v4, v3;
	_ =	sdelay $0x1  }
0x1cd: {  	[tilespmem:v1+s22+$0x0] =	vst.idx.msk $0xffff, v3  }
0x1ce: {  	v3 =	vld.idx.msk [tilespmem:v5+s12+$0x0], $0xffff  }
0x1cf: {  	v31 =	vld [tilespmem:s31+$0x110];
	_ =	sdelay $0x1  }
0x1d0: {  	v32 =	vor.u32 $0x1, v1  }
0x1d1: {  	v6 =	vor.u32 $0x2, v2;
	_ =	sdelay $0x1  }
0x1d2: {  	v3 =	vadd.f32 v31, v3;
	_ =	sdelay $0x1  }
0x1d3: {  	[tilespmem:v32+s22+$0x0] =	vst.idx.msk $0xffff, v3  }
0x1d4: {  	v3 =	vld.idx.msk [tilespmem:v6+s12+$0x0], $0xffff  }
0x1d5: {  	v33 =	vld [tilespmem:s31+$0x120];
	_ =	sdelay $0x1  }
0x1d6: {  	v34 =	vor.u32 $0x2, v1  }
0x1d7: {  	v35 =	vor.u32 $0x3, v2;
	_ =	sdelay $0x1  }
0x1d8: {  	v3 =	vadd.f32 v33, v3;
	_ =	sdelay $0x1  }
0x1d9: {  	[tilespmem:v34+s22+$0x0] =	vst.idx.msk $0xffff, v3  }
0x1da: {  	v3 =	vld.idx.msk [tilespmem:v35+s12+$0x0], $0xffff  }
0x1db: {  	v36 =	vld [tilespmem:s31+$0x130];
	_ =	sdelay $0x1  }
0x1dc: {  	v37 =	vor.u32 $0x3, v1  }
0x1dd: {  	v38 =	vor.u32 $0x4, v2;
	_ =	sdelay $0x1  }
0x1de: {  	v3 =	vadd.f32 v36, v3;
	_ =	sdelay $0x1  }
0x1df: {  	[tilespmem:v37+s22+$0x0] =	vst.idx.msk $0xffff, v3  }
0x1e0: {  	v3 =	vld.idx.msk [tilespmem:v38+s12+$0x0], $0xffff  }
0x1e1: {  	v39 =	vld [tilespmem:s31+$0x140];
	_ =	sdelay $0x1  }
0x1e2: {  	v40 =	vor.u32 $0x4, v1  }
0x1e3: {  	v41 =	vor.u32 $0x5, v2;
	_ =	sdelay $0x1  }
0x1e4: {  	v3 =	vadd.f32 v39, v3;
	_ =	sdelay $0x1  }
0x1e5: {  	[tilespmem:v40+s22+$0x0] =	vst.idx.msk $0xffff, v3  }
0x1e6: {  	v3 =	vld.idx.msk [tilespmem:v41+s12+$0x0], $0xffff  }
0x1e7: {  	v42 =	vld [tilespmem:s31+$0x150];
	_ =	sdelay $0x1  }
0x1e8: {  	v43 =	vor.u32 $0x5, v1  }
0x1e9: {  	v44 =	vor.u32 $0x6, v2;
	_ =	sdelay $0x1  }
0x1ea: {  	v3 =	vadd.f32 v42, v3;
	_ =	sdelay $0x1  }
0x1eb: {  	[tilespmem:v43+s22+$0x0] =	vst.idx.msk $0xffff, v3  }
0x1ec: {  	v3 =	vld.idx.msk [tilespmem:v44+s12+$0x0], $0xffff  }
0x1ed: {  	v45 =	vld [tilespmem:s31+$0x160];
	_ =	sdelay $0x1  }
0x1ee: {  	v46 =	vor.u32 $0x6, v1  }
0x1ef: {  	v47 =	vor.u32 $0x7, v2;
	_ =	sdelay $0x1  }
0x1f0: {  	v3 =	vadd.f32 v45, v3;
	_ =	sdelay $0x1  }
0x1f1: {  	[tilespmem:v46+s22+$0x0] =	vst.idx.msk $0xffff, v3  }
0x1f2: {  	v3 =	vld.idx.msk [tilespmem:v47+s12+$0x0], $0xffff  }
0x1f3: {  	v48 =	vld [tilespmem:s31+$0x170];
	_ =	sdelay $0x1  }
0x1f4: {  	v49 =	vor.u32 $0x7, v1  }
0x1f5: {  	v50 =	vor.u32 $0x8, v2;
	_ =	sdelay $0x1  }
0x1f6: {  	v3 =	vadd.f32 v48, v3;
	_ =	sdelay $0x1  }
0x1f7: {  	[tilespmem:v49+s22+$0x0] =	vst.idx.msk $0xffff, v3  }
0x1f8: {  	v3 =	vld.idx.msk [tilespmem:v50+s12+$0x0], $0xffff  }
0x1f9: {  	v51 =	vld [tilespmem:s31+$0x500];
	_ =	sdelay $0x1  }
0x1fa: {  	v52 =	vor.u32 $0x8, v1  }
0x1fb: {  	v53 =	vor.u32 $0x9, v2;
	_ =	sdelay $0x1  }
0x1fc: {  	v3 =	vadd.f32 v51, v3;
	_ =	sdelay $0x1  }
0x1fd: {  	[tilespmem:v52+s22+$0x0] =	vst.idx.msk $0xffff, v3  }
0x1fe: {  	v3 =	vld.idx.msk [tilespmem:v53+s12+$0x0], $0xffff  }
0x1ff: {  	v54 =	vld [tilespmem:s31+$0x510];
	_ =	sdelay $0x1  }
0x200: {  	v55 =	vor.u32 $0x9, v1  }
0x201: {  	v56 =	vor.u32 $0xA, v2;
	_ =	sdelay $0x1  }
0x202: {  	v3 =	vadd.f32 v54, v3;
	_ =	sdelay $0x1  }
0x203: {  	[tilespmem:v55+s22+$0x0] =	vst.idx.msk $0xffff, v3  }
0x204: {  	v3 =	vld.idx.msk [tilespmem:v56+s12+$0x0], $0xffff  }
0x205: {  	v57 =	vld [tilespmem:s31+$0x520];
	_ =	sdelay $0x1  }
0x206: {  	v58 =	vor.u32 $0xA, v1  }
0x207: {  	v59 =	vor.u32 $0xB, v2;
	_ =	sdelay $0x1  }
0x208: {  	v3 =	vadd.f32 v57, v3;
	_ =	sdelay $0x1  }
0x209: {  	[tilespmem:v58+s22+$0x0] =	vst.idx.msk $0xffff, v3  }
0x20a: {  	v3 =	vld.idx.msk [tilespmem:v59+s12+$0x0], $0xffff  }
0x20b: {  	v60 =	vld [tilespmem:s31+$0x530];
	_ =	sdelay $0x1  }
0x20c: {  	v61 =	vor.u32 $0xB, v1  }
0x20d: {  	v62 =	vor.u32 $0xC, v2;
	_ =	sdelay $0x1  }
0x20e: {  	v3 =	vadd.f32 v60, v3;
	_ =	sdelay $0x1  }
0x20f: {  	[tilespmem:v61+s22+$0x0] =	vst.idx.msk $0xffff, v3  }
0x210: {  	v3 =	vld.idx.msk [tilespmem:v62+s12+$0x0], $0xffff  }
0x211: {  	v63 =	vld [tilespmem:s31+$0x540];
	_ =	sdelay $0x1  }
0x212: {  	v9 =	vor.u32 $0xC, v1  }
0x213: {  	v10 =	vor.u32 $0xD, v2;
	_ =	sdelay $0x1  }
0x214: {  	v3 =	vadd.f32 v63, v3;
	_ =	sdelay $0x1  }
0x215: {  	[tilespmem:v9+s22+$0x0] =	vst.idx.msk $0xffff, v3  }
0x216: {  	v3 =	vld.idx.msk [tilespmem:v10+s12+$0x0], $0xffff  }
0x217: {  	v11 =	vld [tilespmem:s31+$0x550];
	_ =	sdelay $0x1  }
0x218: {  	v12 =	vor.u32 $0xD, v1  }
0x219: {  	v13 =	vor.u32 $0xE, v2;
	_ =	sdelay $0x1  }
0x21a: {  	v3 =	vadd.f32 v11, v3;
	_ =	sdelay $0x1  }
0x21b: {  	[tilespmem:v12+s22+$0x0] =	vst.idx.msk $0xffff, v3  }
0x21c: {  	v3 =	vld.idx.msk [tilespmem:v13+s12+$0x0], $0xffff  }
0x21d: {  	v14 =	vld [tilespmem:s31+$0x560];
	_ =	sdelay $0x1  }
0x21e: {  	v15 =	vor.u32 $0xE, v1  }
0x21f: {  	v16 =	vor.u32 $0xF, v2;
	_ =	sdelay $0x1  }
0x220: {  	v3 =	vadd.f32 v14, v3;
	_ =	sdelay $0x1  }
0x221: {  	[tilespmem:v15+s22+$0x0] =	vst.idx.msk $0xffff, v3  }
0x222: {  	v3 =	vld.idx.msk [tilespmem:v16+s12+$0x0], $0xffff  }
0x223: {  	v17 =	vld [tilespmem:s31+$0x570];
	_ =	sdelay $0x1  }
0x224: {  	v18 =	vor.u32 $0xF, v1  }
0x225: {  	v19 =	vor.u32 $0x10, v2;
	_ =	sdelay $0x1  }
0x226: {  	v3 =	vadd.f32 v17, v3;
	_ =	sdelay $0x1  }
0x227: {  	[tilespmem:v18+s22+$0x0] =	vst.idx.msk $0xffff, v3  }
0x228: {  	v3 =	vld.idx.msk [tilespmem:v19+s12+$0x0], $0xffff  }
0x229: {  	v20 =	vld [tilespmem:s31+$0x900];
	_ =	sdelay $0x1  }
0x22a: {  	v21 =	vor.u32 $0x10, v1  }
0x22b: {  	v22 =	vor.u32 $0x11, v2;
	_ =	sdelay $0x1  }
0x22c: {  	v3 =	vadd.f32 v20, v3;
	_ =	sdelay $0x1  }
0x22d: {  	[tilespmem:v21+s22+$0x0] =	vst.idx.msk $0xffff, v3  }
0x22e: {  	v3 =	vld.idx.msk [tilespmem:v22+s12+$0x0], $0xffff  }
0x22f: {  	v23 =	vld [tilespmem:s31+$0x910];
	_ =	sdelay $0x1  }
0x230: {  	v24 =	vor.u32 $0x11, v1  }
0x231: {  	v25 =	vor.u32 $0x12, v2;
	_ =	sdelay $0x1  }
0x232: {  	v3 =	vadd.f32 v23, v3;
	_ =	sdelay $0x1  }
0x233: {  	[tilespmem:v24+s22+$0x0] =	vst.idx.msk $0xffff, v3  }
0x234: {  	v3 =	vld.idx.msk [tilespmem:v25+s12+$0x0], $0xffff  }
0x235: {  	v26 =	vld [tilespmem:s31+$0x920];
	_ =	sdelay $0x1  }
0x236: {  	v27 =	vor.u32 $0x12, v1  }
0x237: {  	v28 =	vor.u32 $0x13, v2;
	_ =	sdelay $0x1  }
0x238: {  	v3 =	vadd.f32 v26, v3;
	_ =	sdelay $0x1  }
0x239: {  	[tilespmem:v27+s22+$0x0] =	vst.idx.msk $0xffff, v3  }
0x23a: {  	v3 =	vld.idx.msk [tilespmem:v28+s12+$0x0], $0xffff  }
0x23b: {  	v29 =	vld [tilespmem:s31+$0x930];
	_ =	sdelay $0x1  }
0x23c: {  	v30 =	vor.u32 $0x13, v1  }
0x23d: {  	v31 =	vor.u32 $0x14, v2;
	_ =	sdelay $0x1  }
0x23e: {  	v3 =	vadd.f32 v29, v3;
	_ =	sdelay $0x1  }
0x23f: {  	[tilespmem:v30+s22+$0x0] =	vst.idx.msk $0xffff, v3  }
0x240: {  	v3 =	vld.idx.msk [tilespmem:v31+s12+$0x0], $0xffff  }
0x241: {  	v32 =	vld [tilespmem:s31+$0x940];
	_ =	sdelay $0x1  }
0x242: {  	v33 =	vor.u32 $0x14, v1  }
0x243: {  	v34 =	vor.u32 $0x15, v2;
	_ =	sdelay $0x1  }
0x244: {  	v3 =	vadd.f32 v32, v3;
	_ =	sdelay $0x1  }
0x245: {  	[tilespmem:v33+s22+$0x0] =	vst.idx.msk $0xffff, v3  }
0x246: {  	v3 =	vld.idx.msk [tilespmem:v34+s12+$0x0], $0xffff  }
0x247: {  	v35 =	vld [tilespmem:s31+$0x950];
	_ =	sdelay $0x1  }
0x248: {  	v36 =	vor.u32 $0x15, v1  }
0x249: {  	v37 =	vor.u32 $0x16, v2;
	_ =	sdelay $0x1  }
0x24a: {  	v3 =	vadd.f32 v35, v3;
	_ =	sdelay $0x1  }
0x24b: {  	[tilespmem:v36+s22+$0x0] =	vst.idx.msk $0xffff, v3  }
0x24c: {  	v3 =	vld.idx.msk [tilespmem:v37+s12+$0x0], $0xffff  }
0x24d: {  	v38 =	vld [tilespmem:s31+$0x960];
	_ =	sdelay $0x1  }
0x24e: {  	v39 =	vor.u32 $0x16, v1  }
0x24f: {  	v40 =	vor.u32 $0x17, v2;
	_ =	sdelay $0x1  }
0x250: {  	v3 =	vadd.f32 v38, v3;
	_ =	sdelay $0x1  }
0x251: {  	[tilespmem:v39+s22+$0x0] =	vst.idx.msk $0xffff, v3  }
0x252: {  	v3 =	vld.idx.msk [tilespmem:v40+s12+$0x0], $0xffff  }
0x253: {  	v41 =	vld [tilespmem:s31+$0x970];
	_ =	sdelay $0x1  }
0x254: {  	v42 =	vor.u32 $0x17, v1  }
0x255: {  	v43 =	vor.u32 $0x18, v2;
	_ =	sdelay $0x1  }
0x256: {  	v3 =	vadd.f32 v41, v3;
	_ =	sdelay $0x1  }
0x257: {  	[tilespmem:v42+s22+$0x0] =	vst.idx.msk $0xffff, v3  }
0x258: {  	v3 =	vld.idx.msk [tilespmem:v43+s12+$0x0], $0xffff  }
0x259: {  	v44 =	vld [tilespmem:s31+$0xD00];
	_ =	sdelay $0x1  }
0x25a: {  	v45 =	vor.u32 $0x18, v1  }
0x25b: {  	v46 =	vor.u32 $0x19, v2;
	_ =	sdelay $0x1  }
0x25c: {  	v3 =	vadd.f32 v44, v3;
	_ =	sdelay $0x1  }
0x25d: {  	[tilespmem:v45+s22+$0x0] =	vst.idx.msk $0xffff, v3  }
0x25e: {  	v3 =	vld.idx.msk [tilespmem:v46+s12+$0x0], $0xffff  }
0x25f: {  	v47 =	vld [tilespmem:s31+$0xD10];
	_ =	sdelay $0x1  }
0x260: {  	v48 =	vor.u32 $0x19, v1  }
0x261: {  	v49 =	vor.u32 $0x1A, v2;
	_ =	sdelay $0x1  }
0x262: {  	v3 =	vadd.f32 v47, v3;
	_ =	sdelay $0x1  }
0x263: {  	[tilespmem:v48+s22+$0x0] =	vst.idx.msk $0xffff, v3  }
0x264: {  	v3 =	vld.idx.msk [tilespmem:v49+s12+$0x0], $0xffff  }
0x265: {  	v50 =	vld [tilespmem:s31+$0xD20];
	_ =	sdelay $0x1  }
0x266: {  	v51 =	vor.u32 $0x1A, v1  }
0x267: {  	v52 =	vor.u32 $0x1B, v2;
	_ =	sdelay $0x1  }
0x268: {  	v3 =	vadd.f32 v50, v3;
	_ =	sdelay $0x1  }
0x269: {  	[tilespmem:v51+s22+$0x0] =	vst.idx.msk $0xffff, v3  }
0x26a: {  	v3 =	vld.idx.msk [tilespmem:v52+s12+$0x0], $0xffff  }
0x26b: {  	v53 =	vld [tilespmem:s31+$0xD30];
	_ =	sdelay $0x1  }
0x26c: {  	v54 =	vor.u32 $0x1B, v1  }
0x26d: {  	v55 =	vor.u32 $0x1C, v2;
	_ =	sdelay $0x1  }
0x26e: {  	v3 =	vadd.f32 v53, v3;
	_ =	sdelay $0x1  }
0x26f: {  	[tilespmem:v54+s22+$0x0] =	vst.idx.msk $0xffff, v3  }
0x270: {  	v3 =	vld.idx.msk [tilespmem:v55+s12+$0x0], $0xffff  }
0x271: {  	v56 =	vld [tilespmem:s31+$0xD40];
	_ =	sdelay $0x1  }
0x272: {  	v57 =	vor.u32 $0x1C, v1  }
0x273: {  	v58 =	vor.u32 $0x1D, v2;
	_ =	sdelay $0x1  }
0x274: {  	v3 =	vadd.f32 v56, v3;
	_ =	sdelay $0x1  }
0x275: {  	[tilespmem:v57+s22+$0x0] =	vst.idx.msk $0xffff, v3  }
0x276: {  	v3 =	vld.idx.msk [tilespmem:v58+s12+$0x0], $0xffff  }
0x277: {  	v59 =	vld [tilespmem:s31+$0xD50];
	_ =	sdelay $0x1  }
0x278: {  	v60 =	vor.u32 $0x1D, v1  }
0x279: {  	v61 =	vor.u32 $0x1E, v2;
	_ =	sdelay $0x1  }
0x27a: {  	v3 =	vadd.f32 v59, v3;
	_ =	sdelay $0x1  }
0x27b: {  	[tilespmem:v60+s22+$0x0] =	vst.idx.msk $0xffff, v3  }
0x27c: {  	v3 =	vld.idx.msk [tilespmem:v61+s12+$0x0], $0xffff  }
0x27d: {  	v62 =	vld [tilespmem:s31+$0xD60];
	_ =	sdelay $0x1  }
0x27e: {  	v63 =	vor.u32 $0x1E, v1  }
0x27f: {  	v2 =	vor.u32 $0x1F, v2;
	_ =	sdelay $0x1  }
0x280: {  	v3 =	vadd.f32 v62, v3;
	_ =	sdelay $0x1  }
0x281: {  	[tilespmem:v63+s22+$0x0] =	vst.idx.msk $0xffff, v3  }
0x282: {  	v2 =	vld.idx.msk [tilespmem:v2+s12+$0x0], $0xffff  }
0x283: {  	v3 =	vld [tilespmem:s31+$0xD70];
	_ =	sdelay $0x1  }
0x284: {  	p0 =	sne.s32 s26, $0x800;
	v1 =	vor.u32 $0x1F, v1  }
.Ltmp2:
0x285: {  	_ = 	snop;
	(pc) =	sbr.rel @p0 .LBB2_7-.Ltmp2, $4  }
0x286: {  	_ = 	snop  }
0x287: {  	v2 =	vadd.f32 v3, v2  }
0x288: {  	s28 =	sadd.s32 $0x200, s28  }
0x289: {  	s29 =	sadd.s32 $0x10, s29;
	s30 =	sadd.s32 $0x10, s30;
	s26 =	sadd.s32 $0x200, s26;
	[tilespmem:v1+s22+$0x0] =	vst.idx.msk $0xffff, v2  }
0x28a: {  	s26 =	simm.s32 $0xF0  }
0x28b: {  	s28 =	simm.s32 $0x780;
	s29 =	simm.s32 $0x1E00;
	s30 =	simm.s32 $0x400  }
.LBB2_9:
0x28c: {  	v1 =	vld [tilespmem:s30+$0x0];
	_ =	sdelay $0x3  }
0x28d: {  	v2 =	vmov s26  }
0x28e: {  	v2 =	vshll.u32 v2, $0x7;
	v1 =	vshll.u32 v1, $0x5  }
0x28f: {  	v3 =	vand.u32 $0x60, v1;
	v1 =	vor.u32 v0, v2  }
0x290: {  	v2 =	vor.u32 v1, v3;
	_ =	sdelay $0x1  }
0x291: {  	s0 =	sand.u32 $0x3000, s29;
	s31 =	sand.u32 $0x380, s28  }
0x292: {  	s0 =	sor.u32 s31, s0  }
0x293: {  	v4 =	vld [tilespmem:s0+$0x19800]  }
0x294: {  	v3 =	vld.idx.msk [tilespmem:v2+s12+$0x0], $0xffff;
	_ =	sdelay $0x2  }
0x295: {  	v5 =	vor.u32 $0x1, v2;
	_ =	sdelay $0x1  }
0x296: {  	v3 =	vadd.f32 v4, v3;
	_ =	sdelay $0x1  }
0x297: {  	[tilespmem:v1+s22+$0x0] =	vst.idx.msk $0xffff, v3  }
0x298: {  	s31 =	sadd.s32 $0x19800, s0;
	v3 =	vld.idx.msk [tilespmem:v5+s12+$0x0], $0xffff  }
0x299: {  	v31 =	vld [tilespmem:s31+$0x10];
	_ =	sdelay $0x1  }
0x29a: {  	v32 =	vor.u32 $0x1, v1  }
0x29b: {  	v6 =	vor.u32 $0x2, v2;
	_ =	sdelay $0x1  }
0x29c: {  	v3 =	vadd.f32 v31, v3;
	_ =	sdelay $0x1  }
0x29d: {  	[tilespmem:v32+s22+$0x0] =	vst.idx.msk $0xffff, v3  }
0x29e: {  	v3 =	vld.idx.msk [tilespmem:v6+s12+$0x0], $0xffff  }
0x29f: {  	v33 =	vld [tilespmem:s31+$0x20];
	_ =	sdelay $0x1  }
0x2a0: {  	v34 =	vor.u32 $0x2, v1  }
0x2a1: {  	v35 =	vor.u32 $0x3, v2;
	_ =	sdelay $0x1  }
0x2a2: {  	v3 =	vadd.f32 v33, v3;
	_ =	sdelay $0x1  }
0x2a3: {  	[tilespmem:v34+s22+$0x0] =	vst.idx.msk $0xffff, v3  }
0x2a4: {  	v3 =	vld.idx.msk [tilespmem:v35+s12+$0x0], $0xffff  }
0x2a5: {  	v36 =	vld [tilespmem:s31+$0x30];
	_ =	sdelay $0x1  }
0x2a6: {  	v37 =	vor.u32 $0x3, v1  }
0x2a7: {  	v38 =	vor.u32 $0x4, v2;
	_ =	sdelay $0x1  }
0x2a8: {  	v3 =	vadd.f32 v36, v3;
	_ =	sdelay $0x1  }
0x2a9: {  	[tilespmem:v37+s22+$0x0] =	vst.idx.msk $0xffff, v3  }
0x2aa: {  	v3 =	vld.idx.msk [tilespmem:v38+s12+$0x0], $0xffff  }
0x2ab: {  	v39 =	vld [tilespmem:s31+$0x40];
	_ =	sdelay $0x1  }
0x2ac: {  	v40 =	vor.u32 $0x4, v1  }
0x2ad: {  	v41 =	vor.u32 $0x5, v2;
	_ =	sdelay $0x1  }
0x2ae: {  	v3 =	vadd.f32 v39, v3;
	_ =	sdelay $0x1  }
0x2af: {  	[tilespmem:v40+s22+$0x0] =	vst.idx.msk $0xffff, v3  }
0x2b0: {  	v3 =	vld.idx.msk [tilespmem:v41+s12+$0x0], $0xffff  }
0x2b1: {  	v42 =	vld [tilespmem:s31+$0x50];
	_ =	sdelay $0x1  }
0x2b2: {  	v43 =	vor.u32 $0x5, v1  }
0x2b3: {  	v44 =	vor.u32 $0x6, v2;
	_ =	sdelay $0x1  }
0x2b4: {  	v3 =	vadd.f32 v42, v3;
	_ =	sdelay $0x1  }
0x2b5: {  	[tilespmem:v43+s22+$0x0] =	vst.idx.msk $0xffff, v3  }
0x2b6: {  	v3 =	vld.idx.msk [tilespmem:v44+s12+$0x0], $0xffff  }
0x2b7: {  	v45 =	vld [tilespmem:s31+$0x60];
	_ =	sdelay $0x1  }
0x2b8: {  	v46 =	vor.u32 $0x6, v1  }
0x2b9: {  	v47 =	vor.u32 $0x7, v2;
	_ =	sdelay $0x1  }
0x2ba: {  	v3 =	vadd.f32 v45, v3;
	_ =	sdelay $0x1  }
0x2bb: {  	[tilespmem:v46+s22+$0x0] =	vst.idx.msk $0xffff, v3  }
0x2bc: {  	v3 =	vld.idx.msk [tilespmem:v47+s12+$0x0], $0xffff  }
0x2bd: {  	v48 =	vld [tilespmem:s31+$0x70];
	_ =	sdelay $0x1  }
0x2be: {  	v49 =	vor.u32 $0x7, v1  }
0x2bf: {  	v50 =	vor.u32 $0x8, v2;
	_ =	sdelay $0x1  }
0x2c0: {  	v3 =	vadd.f32 v48, v3;
	_ =	sdelay $0x1  }
0x2c1: {  	[tilespmem:v49+s22+$0x0] =	vst.idx.msk $0xffff, v3  }
0x2c2: {  	v3 =	vld.idx.msk [tilespmem:v50+s12+$0x0], $0xffff  }
0x2c3: {  	v51 =	vld [tilespmem:s31+$0x400];
	_ =	sdelay $0x1  }
0x2c4: {  	v52 =	vor.u32 $0x8, v1  }
0x2c5: {  	v53 =	vor.u32 $0x9, v2;
	_ =	sdelay $0x1  }
0x2c6: {  	v3 =	vadd.f32 v51, v3;
	_ =	sdelay $0x1  }
0x2c7: {  	[tilespmem:v52+s22+$0x0] =	vst.idx.msk $0xffff, v3  }
0x2c8: {  	v3 =	vld.idx.msk [tilespmem:v53+s12+$0x0], $0xffff  }
0x2c9: {  	v54 =	vld [tilespmem:s31+$0x410];
	_ =	sdelay $0x1  }
0x2ca: {  	v55 =	vor.u32 $0x9, v1  }
0x2cb: {  	v56 =	vor.u32 $0xA, v2;
	_ =	sdelay $0x1  }
0x2cc: {  	v3 =	vadd.f32 v54, v3;
	_ =	sdelay $0x1  }
0x2cd: {  	[tilespmem:v55+s22+$0x0] =	vst.idx.msk $0xffff, v3  }
0x2ce: {  	v3 =	vld.idx.msk [tilespmem:v56+s12+$0x0], $0xffff  }
0x2cf: {  	v57 =	vld [tilespmem:s31+$0x420];
	_ =	sdelay $0x1  }
0x2d0: {  	v58 =	vor.u32 $0xA, v1  }
0x2d1: {  	v59 =	vor.u32 $0xB, v2;
	_ =	sdelay $0x1  }
0x2d2: {  	v3 =	vadd.f32 v57, v3;
	_ =	sdelay $0x1  }
0x2d3: {  	[tilespmem:v58+s22+$0x0] =	vst.idx.msk $0xffff, v3  }
0x2d4: {  	v3 =	vld.idx.msk [tilespmem:v59+s12+$0x0], $0xffff  }
0x2d5: {  	v60 =	vld [tilespmem:s31+$0x430];
	_ =	sdelay $0x1  }
0x2d6: {  	v61 =	vor.u32 $0xB, v1  }
0x2d7: {  	v62 =	vor.u32 $0xC, v2;
	_ =	sdelay $0x1  }
0x2d8: {  	v3 =	vadd.f32 v60, v3;
	_ =	sdelay $0x1  }
0x2d9: {  	[tilespmem:v61+s22+$0x0] =	vst.idx.msk $0xffff, v3  }
0x2da: {  	v3 =	vld.idx.msk [tilespmem:v62+s12+$0x0], $0xffff  }
0x2db: {  	v63 =	vld [tilespmem:s31+$0x440];
	_ =	sdelay $0x1  }
0x2dc: {  	v9 =	vor.u32 $0xC, v1  }
0x2dd: {  	v10 =	vor.u32 $0xD, v2;
	_ =	sdelay $0x1  }
0x2de: {  	v3 =	vadd.f32 v63, v3;
	_ =	sdelay $0x1  }
0x2df: {  	[tilespmem:v9+s22+$0x0] =	vst.idx.msk $0xffff, v3  }
0x2e0: {  	v3 =	vld.idx.msk [tilespmem:v10+s12+$0x0], $0xffff  }
0x2e1: {  	v11 =	vld [tilespmem:s31+$0x450];
	_ =	sdelay $0x1  }
0x2e2: {  	v12 =	vor.u32 $0xD, v1  }
0x2e3: {  	v13 =	vor.u32 $0xE, v2;
	_ =	sdelay $0x1  }
0x2e4: {  	v3 =	vadd.f32 v11, v3;
	_ =	sdelay $0x1  }
0x2e5: {  	[tilespmem:v12+s22+$0x0] =	vst.idx.msk $0xffff, v3  }
0x2e6: {  	v3 =	vld.idx.msk [tilespmem:v13+s12+$0x0], $0xffff  }
0x2e7: {  	v14 =	vld [tilespmem:s31+$0x460];
	_ =	sdelay $0x1  }
0x2e8: {  	v15 =	vor.u32 $0xE, v1  }
0x2e9: {  	v16 =	vor.u32 $0xF, v2;
	_ =	sdelay $0x1  }
0x2ea: {  	v3 =	vadd.f32 v14, v3;
	_ =	sdelay $0x1  }
0x2eb: {  	[tilespmem:v15+s22+$0x0] =	vst.idx.msk $0xffff, v3  }
0x2ec: {  	v3 =	vld.idx.msk [tilespmem:v16+s12+$0x0], $0xffff  }
0x2ed: {  	v17 =	vld [tilespmem:s31+$0x470];
	_ =	sdelay $0x1  }
0x2ee: {  	v18 =	vor.u32 $0xF, v1  }
0x2ef: {  	v19 =	vor.u32 $0x10, v2;
	_ =	sdelay $0x1  }
0x2f0: {  	v3 =	vadd.f32 v17, v3;
	_ =	sdelay $0x1  }
0x2f1: {  	[tilespmem:v18+s22+$0x0] =	vst.idx.msk $0xffff, v3  }
0x2f2: {  	v3 =	vld.idx.msk [tilespmem:v19+s12+$0x0], $0xffff  }
0x2f3: {  	v20 =	vld [tilespmem:s31+$0x800];
	_ =	sdelay $0x1  }
0x2f4: {  	v21 =	vor.u32 $0x10, v1  }
0x2f5: {  	v22 =	vor.u32 $0x11, v2;
	_ =	sdelay $0x1  }
0x2f6: {  	v3 =	vadd.f32 v20, v3;
	_ =	sdelay $0x1  }
0x2f7: {  	[tilespmem:v21+s22+$0x0] =	vst.idx.msk $0xffff, v3  }
0x2f8: {  	v3 =	vld.idx.msk [tilespmem:v22+s12+$0x0], $0xffff  }
0x2f9: {  	v23 =	vld [tilespmem:s31+$0x810];
	_ =	sdelay $0x1  }
0x2fa: {  	v24 =	vor.u32 $0x11, v1  }
0x2fb: {  	v25 =	vor.u32 $0x12, v2;
	_ =	sdelay $0x1  }
0x2fc: {  	v3 =	vadd.f32 v23, v3;
	_ =	sdelay $0x1  }
0x2fd: {  	[tilespmem:v24+s22+$0x0] =	vst.idx.msk $0xffff, v3  }
0x2fe: {  	v3 =	vld.idx.msk [tilespmem:v25+s12+$0x0], $0xffff  }
0x2ff: {  	v26 =	vld [tilespmem:s31+$0x820];
	_ =	sdelay $0x1  }
0x300: {  	v27 =	vor.u32 $0x12, v1  }
0x301: {  	v28 =	vor.u32 $0x13, v2;
	_ =	sdelay $0x1  }
0x302: {  	v3 =	vadd.f32 v26, v3;
	_ =	sdelay $0x1  }
0x303: {  	[tilespmem:v27+s22+$0x0] =	vst.idx.msk $0xffff, v3  }
0x304: {  	v3 =	vld.idx.msk [tilespmem:v28+s12+$0x0], $0xffff  }
0x305: {  	v29 =	vld [tilespmem:s31+$0x830];
	_ =	sdelay $0x1  }
0x306: {  	v30 =	vor.u32 $0x13, v1  }
0x307: {  	v31 =	vor.u32 $0x14, v2;
	_ =	sdelay $0x1  }
0x308: {  	v3 =	vadd.f32 v29, v3;
	_ =	sdelay $0x1  }
0x309: {  	[tilespmem:v30+s22+$0x0] =	vst.idx.msk $0xffff, v3  }
0x30a: {  	v3 =	vld.idx.msk [tilespmem:v31+s12+$0x0], $0xffff  }
0x30b: {  	v32 =	vld [tilespmem:s31+$0x840];
	_ =	sdelay $0x1  }
0x30c: {  	v33 =	vor.u32 $0x14, v1  }
0x30d: {  	v34 =	vor.u32 $0x15, v2;
	_ =	sdelay $0x1  }
0x30e: {  	v3 =	vadd.f32 v32, v3;
	_ =	sdelay $0x1  }
0x30f: {  	[tilespmem:v33+s22+$0x0] =	vst.idx.msk $0xffff, v3  }
0x310: {  	v3 =	vld.idx.msk [tilespmem:v34+s12+$0x0], $0xffff  }
0x311: {  	v35 =	vld [tilespmem:s31+$0x850];
	_ =	sdelay $0x1  }
0x312: {  	v36 =	vor.u32 $0x15, v1  }
0x313: {  	v37 =	vor.u32 $0x16, v2;
	_ =	sdelay $0x1  }
0x314: {  	v3 =	vadd.f32 v35, v3;
	_ =	sdelay $0x1  }
0x315: {  	[tilespmem:v36+s22+$0x0] =	vst.idx.msk $0xffff, v3  }
0x316: {  	v3 =	vld.idx.msk [tilespmem:v37+s12+$0x0], $0xffff  }
0x317: {  	v38 =	vld [tilespmem:s31+$0x860];
	_ =	sdelay $0x1  }
0x318: {  	v39 =	vor.u32 $0x16, v1  }
0x319: {  	v40 =	vor.u32 $0x17, v2;
	_ =	sdelay $0x1  }
0x31a: {  	v3 =	vadd.f32 v38, v3;
	_ =	sdelay $0x1  }
0x31b: {  	[tilespmem:v39+s22+$0x0] =	vst.idx.msk $0xffff, v3  }
0x31c: {  	v3 =	vld.idx.msk [tilespmem:v40+s12+$0x0], $0xffff  }
0x31d: {  	v41 =	vld [tilespmem:s31+$0x870];
	_ =	sdelay $0x1  }
0x31e: {  	v42 =	vor.u32 $0x17, v1  }
0x31f: {  	v43 =	vor.u32 $0x18, v2;
	_ =	sdelay $0x1  }
0x320: {  	v3 =	vadd.f32 v41, v3;
	_ =	sdelay $0x1  }
0x321: {  	[tilespmem:v42+s22+$0x0] =	vst.idx.msk $0xffff, v3  }
0x322: {  	v3 =	vld.idx.msk [tilespmem:v43+s12+$0x0], $0xffff  }
0x323: {  	v44 =	vld [tilespmem:s31+$0xC00];
	_ =	sdelay $0x1  }
0x324: {  	v45 =	vor.u32 $0x18, v1  }
0x325: {  	v46 =	vor.u32 $0x19, v2;
	_ =	sdelay $0x1  }
0x326: {  	v3 =	vadd.f32 v44, v3;
	_ =	sdelay $0x1  }
0x327: {  	[tilespmem:v45+s22+$0x0] =	vst.idx.msk $0xffff, v3  }
0x328: {  	v3 =	vld.idx.msk [tilespmem:v46+s12+$0x0], $0xffff  }
0x329: {  	v47 =	vld [tilespmem:s31+$0xC10];
	_ =	sdelay $0x1  }
0x32a: {  	v48 =	vor.u32 $0x19, v1  }
0x32b: {  	v49 =	vor.u32 $0x1A, v2;
	_ =	sdelay $0x1  }
0x32c: {  	v3 =	vadd.f32 v47, v3;
	_ =	sdelay $0x1  }
0x32d: {  	[tilespmem:v48+s22+$0x0] =	vst.idx.msk $0xffff, v3  }
0x32e: {  	v3 =	vld.idx.msk [tilespmem:v49+s12+$0x0], $0xffff  }
0x32f: {  	v50 =	vld [tilespmem:s31+$0xC20];
	_ =	sdelay $0x1  }
0x330: {  	v51 =	vor.u32 $0x1A, v1  }
0x331: {  	v52 =	vor.u32 $0x1B, v2;
	_ =	sdelay $0x1  }
0x332: {  	v3 =	vadd.f32 v50, v3;
	_ =	sdelay $0x1  }
0x333: {  	[tilespmem:v51+s22+$0x0] =	vst.idx.msk $0xffff, v3  }
0x334: {  	v3 =	vld.idx.msk [tilespmem:v52+s12+$0x0], $0xffff  }
0x335: {  	v53 =	vld [tilespmem:s31+$0xC30];
	_ =	sdelay $0x1  }
0x336: {  	v54 =	vor.u32 $0x1B, v1  }
0x337: {  	v55 =	vor.u32 $0x1C, v2;
	_ =	sdelay $0x1  }
0x338: {  	v3 =	vadd.f32 v53, v3;
	_ =	sdelay $0x1  }
0x339: {  	[tilespmem:v54+s22+$0x0] =	vst.idx.msk $0xffff, v3  }
0x33a: {  	v3 =	vld.idx.msk [tilespmem:v55+s12+$0x0], $0xffff  }
0x33b: {  	v56 =	vld [tilespmem:s31+$0xC40];
	_ =	sdelay $0x1  }
0x33c: {  	v57 =	vor.u32 $0x1C, v1  }
0x33d: {  	v58 =	vor.u32 $0x1D, v2;
	_ =	sdelay $0x1  }
0x33e: {  	v3 =	vadd.f32 v56, v3;
	_ =	sdelay $0x1  }
0x33f: {  	[tilespmem:v57+s22+$0x0] =	vst.idx.msk $0xffff, v3  }
0x340: {  	v3 =	vld.idx.msk [tilespmem:v58+s12+$0x0], $0xffff  }
0x341: {  	v59 =	vld [tilespmem:s31+$0xC50];
	_ =	sdelay $0x1  }
0x342: {  	v60 =	vor.u32 $0x1D, v1  }
0x343: {  	v61 =	vor.u32 $0x1E, v2;
	_ =	sdelay $0x1  }
0x344: {  	v3 =	vadd.f32 v59, v3;
	_ =	sdelay $0x1  }
0x345: {  	[tilespmem:v60+s22+$0x0] =	vst.idx.msk $0xffff, v3  }
0x346: {  	v3 =	vld.idx.msk [tilespmem:v61+s12+$0x0], $0xffff  }
0x347: {  	v62 =	vld [tilespmem:s31+$0xC60];
	_ =	sdelay $0x1  }
0x348: {  	v63 =	vor.u32 $0x1E, v1  }
0x349: {  	v2 =	vor.u32 $0x1F, v2;
	_ =	sdelay $0x1  }
0x34a: {  	v3 =	vadd.f32 v62, v3;
	_ =	sdelay $0x1  }
0x34b: {  	[tilespmem:v63+s22+$0x0] =	vst.idx.msk $0xffff, v3  }
0x34c: {  	v2 =	vld.idx.msk [tilespmem:v2+s12+$0x0], $0xffff  }
0x34d: {  	v3 =	vld [tilespmem:s31+$0xC70];
	_ =	sdelay $0x1  }
0x34e: {  	p0 =	sne.s32 s26, $0x130;
	v1 =	vor.u32 $0x1F, v1  }
.Ltmp3:
0x34f: {  	_ = 	snop;
	(pc) =	sbr.rel @p0 .LBB2_9-.Ltmp3, $4  }
0x350: {  	_ = 	snop  }
0x351: {  	v2 =	vadd.f32 v3, v2  }
0x352: {  	s28 =	sadd.s32 $0x80, s28  }
0x353: {  	s29 =	sadd.s32 $0x200, s29;
	s30 =	sadd.s32 $0x10, s30;
	s26 =	sadd.s32 $0x10, s26;
	[tilespmem:v1+s22+$0x0] =	vst.idx.msk $0xffff, v2  }
0x354: {  	s26 =	simm.s32 $0x480  }
0x355: {  	v1 =	vld [tilespmem:s26+$0x0];
	_ =	sdelay $0x2  }
0x356: {  	s0 =	simm.s32 $0x140  }
0x357: {  	v2 =	vmov s0  }
0x358: {  	v2 =	vshll.u32 v2, $0x7;
	v1 =	vshll.u32 v1, $0x5  }
0x359: {  	v3 =	vand.u32 $0x60, v1;
	v1 =	vor.u32 v0, v2  }
0x35a: {  	v2 =	vor.u32 v1, v3  }
0x35b: {  	s28 =	simm.s32 $0xA00;
	s29 =	simm.s32 $0x2800  }
0x35c: {  	s31 =	sand.u32 $0x3000, s29;
	s30 =	sand.u32 $0x380, s28  }
0x35d: {  	s0 =	sor.u32 s30, s31  }
0x35e: {  	v4 =	vld [tilespmem:s0+$0x19800]  }
0x35f: {  	v3 =	vld.idx.msk [tilespmem:v2+s12+$0x0], $0xffff;
	_ =	sdelay $0x2  }
0x360: {  	v5 =	vor.u32 $0x1, v2;
	_ =	sdelay $0x1  }
0x361: {  	v3 =	vadd.f32 v4, v3;
	_ =	sdelay $0x1  }
0x362: {  	[tilespmem:v1+s22+$0x0] =	vst.idx.msk $0xffff, v3  }
0x363: {  	s30 =	sadd.s32 $0x19800, s0;
	v3 =	vld.idx.msk [tilespmem:v5+s12+$0x0], $0xffff  }
0x364: {  	v31 =	vld [tilespmem:s30+$0x10];
	_ =	sdelay $0x1  }
0x365: {  	v32 =	vor.u32 $0x1, v1  }
0x366: {  	v6 =	vor.u32 $0x2, v2;
	_ =	sdelay $0x1  }
0x367: {  	v3 =	vadd.f32 v31, v3;
	_ =	sdelay $0x1  }
0x368: {  	[tilespmem:v32+s22+$0x0] =	vst.idx.msk $0xffff, v3  }
0x369: {  	v3 =	vld.idx.msk [tilespmem:v6+s12+$0x0], $0xffff  }
0x36a: {  	v33 =	vld [tilespmem:s30+$0x20];
	_ =	sdelay $0x1  }
0x36b: {  	v34 =	vor.u32 $0x2, v1  }
0x36c: {  	v35 =	vor.u32 $0x3, v2;
	_ =	sdelay $0x1  }
0x36d: {  	v3 =	vadd.f32 v33, v3;
	_ =	sdelay $0x1  }
0x36e: {  	[tilespmem:v34+s22+$0x0] =	vst.idx.msk $0xffff, v3  }
0x36f: {  	v3 =	vld.idx.msk [tilespmem:v35+s12+$0x0], $0xffff  }
0x370: {  	v36 =	vld [tilespmem:s30+$0x30];
	_ =	sdelay $0x1  }
0x371: {  	v37 =	vor.u32 $0x3, v1  }
0x372: {  	v38 =	vor.u32 $0x4, v2;
	_ =	sdelay $0x1  }
0x373: {  	v3 =	vadd.f32 v36, v3;
	_ =	sdelay $0x1  }
0x374: {  	[tilespmem:v37+s22+$0x0] =	vst.idx.msk $0xffff, v3  }
0x375: {  	v3 =	vld.idx.msk [tilespmem:v38+s12+$0x0], $0xffff  }
0x376: {  	v39 =	vld [tilespmem:s30+$0x40];
	_ =	sdelay $0x1  }
0x377: {  	v40 =	vor.u32 $0x4, v1  }
0x378: {  	v41 =	vor.u32 $0x5, v2;
	_ =	sdelay $0x1  }
0x379: {  	v3 =	vadd.f32 v39, v3;
	_ =	sdelay $0x1  }
0x37a: {  	[tilespmem:v40+s22+$0x0] =	vst.idx.msk $0xffff, v3  }
0x37b: {  	v3 =	vld.idx.msk [tilespmem:v41+s12+$0x0], $0xffff  }
0x37c: {  	v42 =	vld [tilespmem:s30+$0x50];
	_ =	sdelay $0x1  }
0x37d: {  	v43 =	vor.u32 $0x5, v1  }
0x37e: {  	v44 =	vor.u32 $0x6, v2;
	_ =	sdelay $0x1  }
0x37f: {  	v3 =	vadd.f32 v42, v3;
	_ =	sdelay $0x1  }
0x380: {  	[tilespmem:v43+s22+$0x0] =	vst.idx.msk $0xffff, v3  }
0x381: {  	v3 =	vld.idx.msk [tilespmem:v44+s12+$0x0], $0xffff  }
0x382: {  	v45 =	vld [tilespmem:s30+$0x60];
	_ =	sdelay $0x1  }
0x383: {  	v46 =	vor.u32 $0x6, v1  }
0x384: {  	v47 =	vor.u32 $0x7, v2;
	_ =	sdelay $0x1  }
0x385: {  	v3 =	vadd.f32 v45, v3;
	_ =	sdelay $0x1  }
0x386: {  	[tilespmem:v46+s22+$0x0] =	vst.idx.msk $0xffff, v3  }
0x387: {  	v3 =	vld.idx.msk [tilespmem:v47+s12+$0x0], $0xffff  }
0x388: {  	v48 =	vld [tilespmem:s30+$0x70];
	_ =	sdelay $0x1  }
0x389: {  	v49 =	vor.u32 $0x7, v1  }
0x38a: {  	v50 =	vor.u32 $0x8, v2;
	_ =	sdelay $0x1  }
0x38b: {  	v3 =	vadd.f32 v48, v3;
	_ =	sdelay $0x1  }
0x38c: {  	[tilespmem:v49+s22+$0x0] =	vst.idx.msk $0xffff, v3  }
0x38d: {  	v3 =	vld.idx.msk [tilespmem:v50+s12+$0x0], $0xffff  }
0x38e: {  	v51 =	vld [tilespmem:s30+$0x400];
	_ =	sdelay $0x1  }
0x38f: {  	v52 =	vor.u32 $0x8, v1  }
0x390: {  	v53 =	vor.u32 $0x9, v2;
	_ =	sdelay $0x1  }
0x391: {  	v3 =	vadd.f32 v51, v3;
	_ =	sdelay $0x1  }
0x392: {  	[tilespmem:v52+s22+$0x0] =	vst.idx.msk $0xffff, v3  }
0x393: {  	v3 =	vld.idx.msk [tilespmem:v53+s12+$0x0], $0xffff  }
0x394: {  	v54 =	vld [tilespmem:s30+$0x410];
	_ =	sdelay $0x1  }
0x395: {  	v55 =	vor.u32 $0x9, v1  }
0x396: {  	v56 =	vor.u32 $0xA, v2;
	_ =	sdelay $0x1  }
0x397: {  	v3 =	vadd.f32 v54, v3;
	_ =	sdelay $0x1  }
0x398: {  	[tilespmem:v55+s22+$0x0] =	vst.idx.msk $0xffff, v3  }
0x399: {  	v3 =	vld.idx.msk [tilespmem:v56+s12+$0x0], $0xffff  }
0x39a: {  	v57 =	vld [tilespmem:s30+$0x420];
	_ =	sdelay $0x1  }
0x39b: {  	v58 =	vor.u32 $0xA, v1  }
0x39c: {  	v59 =	vor.u32 $0xB, v2;
	_ =	sdelay $0x1  }
0x39d: {  	v3 =	vadd.f32 v57, v3;
	_ =	sdelay $0x1  }
0x39e: {  	[tilespmem:v58+s22+$0x0] =	vst.idx.msk $0xffff, v3  }
0x39f: {  	v3 =	vld.idx.msk [tilespmem:v59+s12+$0x0], $0xffff  }
0x3a0: {  	v60 =	vld [tilespmem:s30+$0x430];
	_ =	sdelay $0x1  }
0x3a1: {  	v61 =	vor.u32 $0xB, v1  }
0x3a2: {  	v62 =	vor.u32 $0xC, v2;
	_ =	sdelay $0x1  }
0x3a3: {  	v3 =	vadd.f32 v60, v3;
	_ =	sdelay $0x1  }
0x3a4: {  	[tilespmem:v61+s22+$0x0] =	vst.idx.msk $0xffff, v3  }
0x3a5: {  	v3 =	vld.idx.msk [tilespmem:v62+s12+$0x0], $0xffff  }
0x3a6: {  	v63 =	vld [tilespmem:s30+$0x440];
	_ =	sdelay $0x1  }
0x3a7: {  	v9 =	vor.u32 $0xC, v1  }
0x3a8: {  	v10 =	vor.u32 $0xD, v2;
	_ =	sdelay $0x1  }
0x3a9: {  	v3 =	vadd.f32 v63, v3;
	_ =	sdelay $0x1  }
0x3aa: {  	[tilespmem:v9+s22+$0x0] =	vst.idx.msk $0xffff, v3  }
0x3ab: {  	v3 =	vld.idx.msk [tilespmem:v10+s12+$0x0], $0xffff  }
0x3ac: {  	v11 =	vld [tilespmem:s30+$0x450];
	_ =	sdelay $0x1  }
0x3ad: {  	v12 =	vor.u32 $0xD, v1  }
0x3ae: {  	v13 =	vor.u32 $0xE, v2;
	_ =	sdelay $0x1  }
0x3af: {  	v3 =	vadd.f32 v11, v3;
	_ =	sdelay $0x1  }
0x3b0: {  	[tilespmem:v12+s22+$0x0] =	vst.idx.msk $0xffff, v3  }
0x3b1: {  	v3 =	vld.idx.msk [tilespmem:v13+s12+$0x0], $0xffff  }
0x3b2: {  	v14 =	vld [tilespmem:s30+$0x460];
	_ =	sdelay $0x1  }
0x3b3: {  	v15 =	vor.u32 $0xE, v1  }
0x3b4: {  	v16 =	vor.u32 $0xF, v2;
	_ =	sdelay $0x1  }
0x3b5: {  	v3 =	vadd.f32 v14, v3;
	_ =	sdelay $0x1  }
0x3b6: {  	[tilespmem:v15+s22+$0x0] =	vst.idx.msk $0xffff, v3  }
0x3b7: {  	v3 =	vld.idx.msk [tilespmem:v16+s12+$0x0], $0xffff  }
0x3b8: {  	v17 =	vld [tilespmem:s30+$0x470];
	_ =	sdelay $0x1  }
0x3b9: {  	v18 =	vor.u32 $0xF, v1  }
0x3ba: {  	v19 =	vor.u32 $0x10, v2;
	_ =	sdelay $0x1  }
0x3bb: {  	v3 =	vadd.f32 v17, v3;
	_ =	sdelay $0x1  }
0x3bc: {  	[tilespmem:v18+s22+$0x0] =	vst.idx.msk $0xffff, v3  }
0x3bd: {  	v3 =	vld.idx.msk [tilespmem:v19+s12+$0x0], $0xffff  }
0x3be: {  	v20 =	vld [tilespmem:s30+$0x800];
	_ =	sdelay $0x1  }
0x3bf: {  	v21 =	vor.u32 $0x10, v1  }
0x3c0: {  	v22 =	vor.u32 $0x11, v2;
	_ =	sdelay $0x1  }
0x3c1: {  	v3 =	vadd.f32 v20, v3;
	_ =	sdelay $0x1  }
0x3c2: {  	[tilespmem:v21+s22+$0x0] =	vst.idx.msk $0xffff, v3  }
0x3c3: {  	v3 =	vld.idx.msk [tilespmem:v22+s12+$0x0], $0xffff  }
0x3c4: {  	v23 =	vld [tilespmem:s30+$0x810];
	_ =	sdelay $0x1  }
0x3c5: {  	v24 =	vor.u32 $0x11, v1  }
0x3c6: {  	v25 =	vor.u32 $0x12, v2;
	_ =	sdelay $0x1  }
0x3c7: {  	v3 =	vadd.f32 v23, v3;
	_ =	sdelay $0x1  }
0x3c8: {  	[tilespmem:v24+s22+$0x0] =	vst.idx.msk $0xffff, v3  }
0x3c9: {  	v3 =	vld.idx.msk [tilespmem:v25+s12+$0x0], $0xffff  }
0x3ca: {  	v26 =	vld [tilespmem:s30+$0x820];
	_ =	sdelay $0x1  }
0x3cb: {  	v27 =	vor.u32 $0x12, v1  }
0x3cc: {  	v28 =	vor.u32 $0x13, v2;
	_ =	sdelay $0x1  }
0x3cd: {  	v3 =	vadd.f32 v26, v3;
	_ =	sdelay $0x1  }
0x3ce: {  	[tilespmem:v27+s22+$0x0] =	vst.idx.msk $0xffff, v3  }
0x3cf: {  	v3 =	vld.idx.msk [tilespmem:v28+s12+$0x0], $0xffff  }
0x3d0: {  	v29 =	vld [tilespmem:s30+$0x830];
	_ =	sdelay $0x1  }
0x3d1: {  	v30 =	vor.u32 $0x13, v1  }
0x3d2: {  	v31 =	vor.u32 $0x14, v2;
	_ =	sdelay $0x1  }
0x3d3: {  	v3 =	vadd.f32 v29, v3;
	_ =	sdelay $0x1  }
0x3d4: {  	[tilespmem:v30+s22+$0x0] =	vst.idx.msk $0xffff, v3  }
0x3d5: {  	v3 =	vld.idx.msk [tilespmem:v31+s12+$0x0], $0xffff  }
0x3d6: {  	v32 =	vld [tilespmem:s30+$0x840];
	_ =	sdelay $0x1  }
0x3d7: {  	v33 =	vor.u32 $0x14, v1  }
0x3d8: {  	v34 =	vor.u32 $0x15, v2;
	_ =	sdelay $0x1  }
0x3d9: {  	v3 =	vadd.f32 v32, v3;
	_ =	sdelay $0x1  }
0x3da: {  	[tilespmem:v33+s22+$0x0] =	vst.idx.msk $0xffff, v3  }
0x3db: {  	v3 =	vld.idx.msk [tilespmem:v34+s12+$0x0], $0xffff  }
0x3dc: {  	v35 =	vld [tilespmem:s30+$0x850];
	_ =	sdelay $0x1  }
0x3dd: {  	v36 =	vor.u32 $0x15, v1  }
0x3de: {  	v37 =	vor.u32 $0x16, v2;
	_ =	sdelay $0x1  }
0x3df: {  	v3 =	vadd.f32 v35, v3;
	_ =	sdelay $0x1  }
0x3e0: {  	[tilespmem:v36+s22+$0x0] =	vst.idx.msk $0xffff, v3  }
0x3e1: {  	v3 =	vld.idx.msk [tilespmem:v37+s12+$0x0], $0xffff  }
0x3e2: {  	v38 =	vld [tilespmem:s30+$0x860];
	_ =	sdelay $0x1  }
0x3e3: {  	v39 =	vor.u32 $0x16, v1  }
0x3e4: {  	v40 =	vor.u32 $0x17, v2;
	_ =	sdelay $0x1  }
0x3e5: {  	v3 =	vadd.f32 v38, v3;
	_ =	sdelay $0x1  }
0x3e6: {  	[tilespmem:v39+s22+$0x0] =	vst.idx.msk $0xffff, v3  }
0x3e7: {  	v3 =	vld.idx.msk [tilespmem:v40+s12+$0x0], $0xffff  }
0x3e8: {  	v41 =	vld [tilespmem:s30+$0x870];
	_ =	sdelay $0x1  }
0x3e9: {  	v42 =	vor.u32 $0x17, v1  }
0x3ea: {  	v43 =	vor.u32 $0x18, v2;
	_ =	sdelay $0x1  }
0x3eb: {  	v3 =	vadd.f32 v41, v3;
	_ =	sdelay $0x1  }
0x3ec: {  	[tilespmem:v42+s22+$0x0] =	vst.idx.msk $0xffff, v3  }
0x3ed: {  	v3 =	vld.idx.msk [tilespmem:v43+s12+$0x0], $0xffff  }
0x3ee: {  	v44 =	vld [tilespmem:s30+$0xC00];
	_ =	sdelay $0x1  }
0x3ef: {  	v45 =	vor.u32 $0x18, v1  }
0x3f0: {  	v46 =	vor.u32 $0x19, v2;
	_ =	sdelay $0x1  }
0x3f1: {  	v3 =	vadd.f32 v44, v3;
	_ =	sdelay $0x1  }
0x3f2: {  	[tilespmem:v45+s22+$0x0] =	vst.idx.msk $0xffff, v3  }
0x3f3: {  	v3 =	vld.idx.msk [tilespmem:v46+s12+$0x0], $0xffff  }
0x3f4: {  	v47 =	vld [tilespmem:s30+$0xC10];
	_ =	sdelay $0x1  }
0x3f5: {  	v48 =	vor.u32 $0x19, v1  }
0x3f6: {  	v49 =	vor.u32 $0x1A, v2;
	_ =	sdelay $0x1  }
0x3f7: {  	v3 =	vadd.f32 v47, v3;
	_ =	sdelay $0x1  }
0x3f8: {  	[tilespmem:v48+s22+$0x0] =	vst.idx.msk $0xffff, v3  }
0x3f9: {  	v3 =	vld.idx.msk [tilespmem:v49+s12+$0x0], $0xffff  }
0x3fa: {  	v50 =	vld [tilespmem:s30+$0xC20];
	_ =	sdelay $0x1  }
0x3fb: {  	v51 =	vor.u32 $0x1A, v1  }
0x3fc: {  	v52 =	vor.u32 $0x1B, v2;
	_ =	sdelay $0x1  }
0x3fd: {  	v3 =	vadd.f32 v50, v3;
	_ =	sdelay $0x1  }
0x3fe: {  	[tilespmem:v51+s22+$0x0] =	vst.idx.msk $0xffff, v3  }
0x3ff: {  	v3 =	vld.idx.msk [tilespmem:v52+s12+$0x0], $0xffff  }
0x400: {  	v53 =	vld [tilespmem:s30+$0xC30];
	_ =	sdelay $0x1  }
0x401: {  	v54 =	vor.u32 $0x1B, v1  }
0x402: {  	v55 =	vor.u32 $0x1C, v2;
	_ =	sdelay $0x1  }
0x403: {  	v3 =	vadd.f32 v53, v3;
	_ =	sdelay $0x1  }
0x404: {  	[tilespmem:v54+s22+$0x0] =	vst.idx.msk $0xffff, v3  }
0x405: {  	v3 =	vld.idx.msk [tilespmem:v55+s12+$0x0], $0xffff  }
0x406: {  	v56 =	vld [tilespmem:s30+$0xC40];
	_ =	sdelay $0x1  }
0x407: {  	v57 =	vor.u32 $0x1C, v1  }
0x408: {  	v58 =	vor.u32 $0x1D, v2;
	_ =	sdelay $0x1  }
0x409: {  	v3 =	vadd.f32 v56, v3;
	_ =	sdelay $0x1  }
0x40a: {  	[tilespmem:v57+s22+$0x0] =	vst.idx.msk $0xffff, v3  }
0x40b: {  	v3 =	vld.idx.msk [tilespmem:v58+s12+$0x0], $0xffff  }
0x40c: {  	v59 =	vld [tilespmem:s30+$0xC50];
	_ =	sdelay $0x1  }
0x40d: {  	v60 =	vor.u32 $0x1D, v1  }
0x40e: {  	v61 =	vor.u32 $0x1E, v2;
	_ =	sdelay $0x1  }
0x40f: {  	v3 =	vadd.f32 v59, v3;
	_ =	sdelay $0x1  }
0x410: {  	[tilespmem:v60+s22+$0x0] =	vst.idx.msk $0xffff, v3  }
0x411: {  	v3 =	vld.idx.msk [tilespmem:v61+s12+$0x0], $0xffff  }
0x412: {  	v62 =	vld [tilespmem:s30+$0xC60];
	_ =	sdelay $0x1  }
0x413: {  	v63 =	vor.u32 $0x1E, v1  }
0x414: {  	v2 =	vor.u32 $0x1F, v2;
	_ =	sdelay $0x1  }
0x415: {  	v3 =	vadd.f32 v62, v3;
	_ =	sdelay $0x1  }
0x416: {  	[tilespmem:v63+s22+$0x0] =	vst.idx.msk $0xffff, v3  }
0x417: {  	v2 =	vld.idx.msk [tilespmem:v2+s12+$0x0], $0xffff  }
0x418: {  	v3 =	vld [tilespmem:s30+$0xC70];
	_ =	sdelay $0x1  }
0x419: {  	v1 =	vor.u32 $0x1F, v1;
	_ =	sdelay $0x2  }
0x41a: {  	s30 =	simm.s32 $0x150;
	v2 =	vadd.f32 v3, v2  }
.LBB2_11:
0x41b: {  	_ = 	snop  }
0x41c: {  	s28 =	sadd.s32 $0x80, s28;
	s29 =	sadd.s32 $0x200, s29;
	s26 =	sadd.s32 $0x10, s26;
	[tilespmem:v1+s22+$0x0] =	vst.idx.msk $0xffff, v2  }
0x41d: {  	p0 =	sne.s32 s30, $0x180;
	s0 =	smov.u32 s30;
	s30 =	sadd.s32 $0x10, s30;
	v1 =	vld [tilespmem:s26+$0x0]  }
0x41e: {  	_ =	sdelay $0x2  }
0x41f: {  	v2 =	vmov s0  }
0x420: {  	v2 =	vshll.u32 v2, $0x7;
	v1 =	vshll.u32 v1, $0x5  }
0x421: {  	v3 =	vand.u32 $0x60, v1;
	v1 =	vor.u32 v0, v2  }
0x422: {  	v2 =	vor.u32 v1, v3;
	_ =	sdelay $0x3  }
0x423: {  	s0 =	sand.u32 $0x3000, s29;
	s31 =	sand.u32 $0x380, s28  }
0x424: {  	s0 =	sor.u32 s31, s0;
	v3 =	vld.idx.msk [tilespmem:v2+s12+$0x0], $0xffff  }
0x425: {  	v4 =	vld [tilespmem:s0+$0x19800];
	_ =	sdelay $0x2  }
0x426: {  	v5 =	vor.u32 $0x1, v2;
	_ =	sdelay $0x1  }
0x427: {  	v3 =	vadd.f32 v4, v3;
	_ =	sdelay $0x1  }
0x428: {  	[tilespmem:v1+s22+$0x0] =	vst.idx.msk $0xffff, v3  }
0x429: {  	s31 =	sadd.s32 $0x19800, s0;
	v3 =	vld.idx.msk [tilespmem:v5+s12+$0x0], $0xffff  }
0x42a: {  	v4 =	vld [tilespmem:s31+$0x10];
	_ =	sdelay $0x1  }
0x42b: {  	v5 =	vor.u32 $0x1, v1  }
0x42c: {  	v6 =	vor.u32 $0x2, v2;
	_ =	sdelay $0x1  }
0x42d: {  	v3 =	vadd.f32 v4, v3;
	_ =	sdelay $0x1  }
0x42e: {  	[tilespmem:v5+s22+$0x0] =	vst.idx.msk $0xffff, v3  }
0x42f: {  	v3 =	vld.idx.msk [tilespmem:v6+s12+$0x0], $0xffff  }
0x430: {  	v4 =	vld [tilespmem:s31+$0x20];
	_ =	sdelay $0x1  }
0x431: {  	v5 =	vor.u32 $0x2, v1  }
0x432: {  	v6 =	vor.u32 $0x3, v2;
	_ =	sdelay $0x1  }
0x433: {  	v3 =	vadd.f32 v4, v3;
	_ =	sdelay $0x1  }
0x434: {  	[tilespmem:v5+s22+$0x0] =	vst.idx.msk $0xffff, v3  }
0x435: {  	v3 =	vld.idx.msk [tilespmem:v6+s12+$0x0], $0xffff  }
0x436: {  	v4 =	vld [tilespmem:s31+$0x30];
	_ =	sdelay $0x1  }
0x437: {  	v5 =	vor.u32 $0x3, v1  }
0x438: {  	v6 =	vor.u32 $0x4, v2;
	_ =	sdelay $0x1  }
0x439: {  	v3 =	vadd.f32 v4, v3;
	_ =	sdelay $0x1  }
0x43a: {  	[tilespmem:v5+s22+$0x0] =	vst.idx.msk $0xffff, v3  }
0x43b: {  	v3 =	vld.idx.msk [tilespmem:v6+s12+$0x0], $0xffff  }
0x43c: {  	v4 =	vld [tilespmem:s31+$0x40];
	_ =	sdelay $0x1  }
0x43d: {  	v5 =	vor.u32 $0x4, v1  }
0x43e: {  	v6 =	vor.u32 $0x5, v2;
	_ =	sdelay $0x1  }
0x43f: {  	v3 =	vadd.f32 v4, v3;
	_ =	sdelay $0x1  }
0x440: {  	[tilespmem:v5+s22+$0x0] =	vst.idx.msk $0xffff, v3  }
0x441: {  	v3 =	vld.idx.msk [tilespmem:v6+s12+$0x0], $0xffff  }
0x442: {  	v4 =	vld [tilespmem:s31+$0x50];
	_ =	sdelay $0x1  }
0x443: {  	v5 =	vor.u32 $0x5, v1  }
0x444: {  	v6 =	vor.u32 $0x6, v2;
	_ =	sdelay $0x1  }
0x445: {  	v3 =	vadd.f32 v4, v3;
	_ =	sdelay $0x1  }
0x446: {  	[tilespmem:v5+s22+$0x0] =	vst.idx.msk $0xffff, v3  }
0x447: {  	v3 =	vld.idx.msk [tilespmem:v6+s12+$0x0], $0xffff  }
0x448: {  	v4 =	vld [tilespmem:s31+$0x60];
	_ =	sdelay $0x1  }
0x449: {  	v5 =	vor.u32 $0x6, v1  }
0x44a: {  	v6 =	vor.u32 $0x7, v2;
	_ =	sdelay $0x1  }
0x44b: {  	v3 =	vadd.f32 v4, v3;
	_ =	sdelay $0x1  }
0x44c: {  	[tilespmem:v5+s22+$0x0] =	vst.idx.msk $0xffff, v3  }
0x44d: {  	v3 =	vld.idx.msk [tilespmem:v6+s12+$0x0], $0xffff  }
0x44e: {  	v4 =	vld [tilespmem:s31+$0x70];
	_ =	sdelay $0x1  }
0x44f: {  	v5 =	vor.u32 $0x7, v1  }
0x450: {  	v6 =	vor.u32 $0x8, v2;
	_ =	sdelay $0x1  }
0x451: {  	v3 =	vadd.f32 v4, v3;
	_ =	sdelay $0x1  }
0x452: {  	[tilespmem:v5+s22+$0x0] =	vst.idx.msk $0xffff, v3  }
0x453: {  	v3 =	vld.idx.msk [tilespmem:v6+s12+$0x0], $0xffff  }
0x454: {  	v4 =	vld [tilespmem:s31+$0x400];
	_ =	sdelay $0x1  }
0x455: {  	v5 =	vor.u32 $0x8, v1  }
0x456: {  	v6 =	vor.u32 $0x9, v2;
	_ =	sdelay $0x1  }
0x457: {  	v3 =	vadd.f32 v4, v3;
	_ =	sdelay $0x1  }
0x458: {  	[tilespmem:v5+s22+$0x0] =	vst.idx.msk $0xffff, v3  }
0x459: {  	v3 =	vld.idx.msk [tilespmem:v6+s12+$0x0], $0xffff  }
0x45a: {  	v4 =	vld [tilespmem:s31+$0x410];
	_ =	sdelay $0x1  }
0x45b: {  	v5 =	vor.u32 $0x9, v1  }
0x45c: {  	v6 =	vor.u32 $0xA, v2;
	_ =	sdelay $0x1  }
0x45d: {  	v3 =	vadd.f32 v4, v3;
	_ =	sdelay $0x1  }
0x45e: {  	[tilespmem:v5+s22+$0x0] =	vst.idx.msk $0xffff, v3  }
0x45f: {  	v3 =	vld.idx.msk [tilespmem:v6+s12+$0x0], $0xffff  }
0x460: {  	v4 =	vld [tilespmem:s31+$0x420];
	_ =	sdelay $0x1  }
0x461: {  	v5 =	vor.u32 $0xA, v1  }
0x462: {  	v6 =	vor.u32 $0xB, v2;
	_ =	sdelay $0x1  }
0x463: {  	v3 =	vadd.f32 v4, v3;
	_ =	sdelay $0x1  }
0x464: {  	[tilespmem:v5+s22+$0x0] =	vst.idx.msk $0xffff, v3  }
0x465: {  	v3 =	vld.idx.msk [tilespmem:v6+s12+$0x0], $0xffff  }
0x466: {  	v4 =	vld [tilespmem:s31+$0x430];
	_ =	sdelay $0x1  }
0x467: {  	v5 =	vor.u32 $0xB, v1  }
0x468: {  	v6 =	vor.u32 $0xC, v2;
	_ =	sdelay $0x1  }
0x469: {  	v3 =	vadd.f32 v4, v3;
	_ =	sdelay $0x1  }
0x46a: {  	[tilespmem:v5+s22+$0x0] =	vst.idx.msk $0xffff, v3  }
0x46b: {  	v3 =	vld.idx.msk [tilespmem:v6+s12+$0x0], $0xffff  }
0x46c: {  	v4 =	vld [tilespmem:s31+$0x440];
	_ =	sdelay $0x1  }
0x46d: {  	v5 =	vor.u32 $0xC, v1  }
0x46e: {  	v6 =	vor.u32 $0xD, v2;
	_ =	sdelay $0x1  }
0x46f: {  	v3 =	vadd.f32 v4, v3;
	_ =	sdelay $0x1  }
0x470: {  	[tilespmem:v5+s22+$0x0] =	vst.idx.msk $0xffff, v3  }
0x471: {  	v3 =	vld.idx.msk [tilespmem:v6+s12+$0x0], $0xffff  }
0x472: {  	v4 =	vld [tilespmem:s31+$0x450];
	_ =	sdelay $0x1  }
0x473: {  	v5 =	vor.u32 $0xD, v1  }
0x474: {  	v6 =	vor.u32 $0xE, v2;
	_ =	sdelay $0x1  }
0x475: {  	v3 =	vadd.f32 v4, v3;
	_ =	sdelay $0x1  }
0x476: {  	[tilespmem:v5+s22+$0x0] =	vst.idx.msk $0xffff, v3  }
0x477: {  	v3 =	vld.idx.msk [tilespmem:v6+s12+$0x0], $0xffff  }
0x478: {  	v4 =	vld [tilespmem:s31+$0x460];
	_ =	sdelay $0x1  }
0x479: {  	v5 =	vor.u32 $0xE, v1  }
0x47a: {  	v6 =	vor.u32 $0xF, v2;
	_ =	sdelay $0x1  }
0x47b: {  	v3 =	vadd.f32 v4, v3;
	_ =	sdelay $0x1  }
0x47c: {  	[tilespmem:v5+s22+$0x0] =	vst.idx.msk $0xffff, v3  }
0x47d: {  	v3 =	vld.idx.msk [tilespmem:v6+s12+$0x0], $0xffff  }
0x47e: {  	v4 =	vld [tilespmem:s31+$0x470];
	_ =	sdelay $0x1  }
0x47f: {  	v5 =	vor.u32 $0xF, v1  }
0x480: {  	v6 =	vor.u32 $0x10, v2;
	_ =	sdelay $0x1  }
0x481: {  	v3 =	vadd.f32 v4, v3;
	_ =	sdelay $0x1  }
0x482: {  	[tilespmem:v5+s22+$0x0] =	vst.idx.msk $0xffff, v3  }
0x483: {  	v3 =	vld.idx.msk [tilespmem:v6+s12+$0x0], $0xffff  }
0x484: {  	v4 =	vld [tilespmem:s31+$0x800];
	_ =	sdelay $0x1  }
0x485: {  	v5 =	vor.u32 $0x10, v1  }
0x486: {  	v6 =	vor.u32 $0x11, v2;
	_ =	sdelay $0x1  }
0x487: {  	v3 =	vadd.f32 v4, v3;
	_ =	sdelay $0x1  }
0x488: {  	[tilespmem:v5+s22+$0x0] =	vst.idx.msk $0xffff, v3  }
0x489: {  	v3 =	vld.idx.msk [tilespmem:v6+s12+$0x0], $0xffff  }
0x48a: {  	v4 =	vld [tilespmem:s31+$0x810];
	_ =	sdelay $0x1  }
0x48b: {  	v5 =	vor.u32 $0x11, v1  }
0x48c: {  	v6 =	vor.u32 $0x12, v2;
	_ =	sdelay $0x1  }
0x48d: {  	v3 =	vadd.f32 v4, v3;
	_ =	sdelay $0x1  }
0x48e: {  	[tilespmem:v5+s22+$0x0] =	vst.idx.msk $0xffff, v3  }
0x48f: {  	v3 =	vld.idx.msk [tilespmem:v6+s12+$0x0], $0xffff  }
0x490: {  	v4 =	vld [tilespmem:s31+$0x820];
	_ =	sdelay $0x1  }
0x491: {  	v5 =	vor.u32 $0x12, v1  }
0x492: {  	v6 =	vor.u32 $0x13, v2;
	_ =	sdelay $0x1  }
0x493: {  	v3 =	vadd.f32 v4, v3;
	_ =	sdelay $0x1  }
0x494: {  	[tilespmem:v5+s22+$0x0] =	vst.idx.msk $0xffff, v3  }
0x495: {  	v3 =	vld.idx.msk [tilespmem:v6+s12+$0x0], $0xffff  }
0x496: {  	v4 =	vld [tilespmem:s31+$0x830];
	_ =	sdelay $0x1  }
0x497: {  	v5 =	vor.u32 $0x13, v1  }
0x498: {  	v6 =	vor.u32 $0x14, v2;
	_ =	sdelay $0x1  }
0x499: {  	v3 =	vadd.f32 v4, v3;
	_ =	sdelay $0x1  }
0x49a: {  	[tilespmem:v5+s22+$0x0] =	vst.idx.msk $0xffff, v3  }
0x49b: {  	v3 =	vld.idx.msk [tilespmem:v6+s12+$0x0], $0xffff  }
0x49c: {  	v4 =	vld [tilespmem:s31+$0x840];
	_ =	sdelay $0x1  }
0x49d: {  	v5 =	vor.u32 $0x14, v1  }
0x49e: {  	v6 =	vor.u32 $0x15, v2;
	_ =	sdelay $0x1  }
0x49f: {  	v3 =	vadd.f32 v4, v3;
	_ =	sdelay $0x1  }
0x4a0: {  	[tilespmem:v5+s22+$0x0] =	vst.idx.msk $0xffff, v3  }
0x4a1: {  	v3 =	vld.idx.msk [tilespmem:v6+s12+$0x0], $0xffff  }
0x4a2: {  	v4 =	vld [tilespmem:s31+$0x850];
	_ =	sdelay $0x1  }
0x4a3: {  	v5 =	vor.u32 $0x15, v1  }
0x4a4: {  	v6 =	vor.u32 $0x16, v2;
	_ =	sdelay $0x1  }
0x4a5: {  	v3 =	vadd.f32 v4, v3;
	_ =	sdelay $0x1  }
0x4a6: {  	[tilespmem:v5+s22+$0x0] =	vst.idx.msk $0xffff, v3  }
0x4a7: {  	v3 =	vld.idx.msk [tilespmem:v6+s12+$0x0], $0xffff  }
0x4a8: {  	v4 =	vld [tilespmem:s31+$0x860];
	_ =	sdelay $0x1  }
0x4a9: {  	v5 =	vor.u32 $0x16, v1  }
0x4aa: {  	v6 =	vor.u32 $0x17, v2;
	_ =	sdelay $0x1  }
0x4ab: {  	v3 =	vadd.f32 v4, v3;
	_ =	sdelay $0x1  }
0x4ac: {  	[tilespmem:v5+s22+$0x0] =	vst.idx.msk $0xffff, v3  }
0x4ad: {  	v3 =	vld.idx.msk [tilespmem:v6+s12+$0x0], $0xffff  }
0x4ae: {  	v4 =	vld [tilespmem:s31+$0x870];
	_ =	sdelay $0x1  }
0x4af: {  	v5 =	vor.u32 $0x17, v1  }
0x4b0: {  	v6 =	vor.u32 $0x18, v2;
	_ =	sdelay $0x1  }
0x4b1: {  	v3 =	vadd.f32 v4, v3;
	_ =	sdelay $0x1  }
0x4b2: {  	[tilespmem:v5+s22+$0x0] =	vst.idx.msk $0xffff, v3  }
0x4b3: {  	v3 =	vld.idx.msk [tilespmem:v6+s12+$0x0], $0xffff  }
0x4b4: {  	v4 =	vld [tilespmem:s31+$0xC00];
	_ =	sdelay $0x1  }
0x4b5: {  	v5 =	vor.u32 $0x18, v1  }
0x4b6: {  	v6 =	vor.u32 $0x19, v2;
	_ =	sdelay $0x1  }
0x4b7: {  	v3 =	vadd.f32 v4, v3;
	_ =	sdelay $0x1  }
0x4b8: {  	[tilespmem:v5+s22+$0x0] =	vst.idx.msk $0xffff, v3  }
0x4b9: {  	v3 =	vld.idx.msk [tilespmem:v6+s12+$0x0], $0xffff  }
0x4ba: {  	v4 =	vld [tilespmem:s31+$0xC10];
	_ =	sdelay $0x1  }
0x4bb: {  	v5 =	vor.u32 $0x19, v1  }
0x4bc: {  	v6 =	vor.u32 $0x1A, v2;
	_ =	sdelay $0x1  }
0x4bd: {  	v3 =	vadd.f32 v4, v3;
	_ =	sdelay $0x1  }
0x4be: {  	[tilespmem:v5+s22+$0x0] =	vst.idx.msk $0xffff, v3  }
0x4bf: {  	v3 =	vld.idx.msk [tilespmem:v6+s12+$0x0], $0xffff  }
0x4c0: {  	v4 =	vld [tilespmem:s31+$0xC20];
	_ =	sdelay $0x1  }
0x4c1: {  	v5 =	vor.u32 $0x1A, v1  }
0x4c2: {  	v6 =	vor.u32 $0x1B, v2;
	_ =	sdelay $0x1  }
0x4c3: {  	v3 =	vadd.f32 v4, v3;
	_ =	sdelay $0x1  }
0x4c4: {  	[tilespmem:v5+s22+$0x0] =	vst.idx.msk $0xffff, v3  }
0x4c5: {  	v3 =	vld.idx.msk [tilespmem:v6+s12+$0x0], $0xffff  }
0x4c6: {  	v4 =	vld [tilespmem:s31+$0xC30];
	_ =	sdelay $0x1  }
0x4c7: {  	v5 =	vor.u32 $0x1B, v1  }
0x4c8: {  	v6 =	vor.u32 $0x1C, v2;
	_ =	sdelay $0x1  }
0x4c9: {  	v3 =	vadd.f32 v4, v3;
	_ =	sdelay $0x1  }
0x4ca: {  	[tilespmem:v5+s22+$0x0] =	vst.idx.msk $0xffff, v3  }
0x4cb: {  	v3 =	vld.idx.msk [tilespmem:v6+s12+$0x0], $0xffff  }
0x4cc: {  	v4 =	vld [tilespmem:s31+$0xC40];
	_ =	sdelay $0x1  }
0x4cd: {  	v5 =	vor.u32 $0x1C, v1  }
0x4ce: {  	v6 =	vor.u32 $0x1D, v2;
	_ =	sdelay $0x1  }
0x4cf: {  	v3 =	vadd.f32 v4, v3;
	_ =	sdelay $0x1  }
0x4d0: {  	[tilespmem:v5+s22+$0x0] =	vst.idx.msk $0xffff, v3  }
0x4d1: {  	v3 =	vld.idx.msk [tilespmem:v6+s12+$0x0], $0xffff  }
0x4d2: {  	v4 =	vld [tilespmem:s31+$0xC50];
	_ =	sdelay $0x1  }
0x4d3: {  	v5 =	vor.u32 $0x1D, v1  }
0x4d4: {  	v6 =	vor.u32 $0x1E, v2;
	_ =	sdelay $0x1  }
0x4d5: {  	v3 =	vadd.f32 v4, v3;
	_ =	sdelay $0x1  }
0x4d6: {  	[tilespmem:v5+s22+$0x0] =	vst.idx.msk $0xffff, v3  }
0x4d7: {  	v3 =	vld.idx.msk [tilespmem:v6+s12+$0x0], $0xffff  }
0x4d8: {  	v4 =	vld [tilespmem:s31+$0xC60];
	_ =	sdelay $0x1  }
0x4d9: {  	v5 =	vor.u32 $0x1E, v1  }
0x4da: {  	v2 =	vor.u32 $0x1F, v2;
	_ =	sdelay $0x1  }
0x4db: {  	v3 =	vadd.f32 v4, v3;
	_ =	sdelay $0x1  }
0x4dc: {  	[tilespmem:v5+s22+$0x0] =	vst.idx.msk $0xffff, v3  }
0x4dd: {  	v2 =	vld.idx.msk [tilespmem:v2+s12+$0x0], $0xffff  }
0x4de: {  	v3 =	vld [tilespmem:s31+$0xC70]  }
.Ltmp4:
0x4df: {  	(pc) =	sbr.rel @p0 .LBB2_11-.Ltmp4, $2  }
0x4e0: {  	v1 =	vor.u32 $0x1F, v1;
	_ =	sdelay $0x2  }
0x4e1: {  	v2 =	vadd.f32 v3, v2  }
0x4e2: {  	_ =	sdelay $0x1  }
0x4e3: {  	s24 =	sadd.s32 $0x1, s24  }
0x4e4: {  	s0 =	sshll.u32 s25, $0x4;
	p0 =	sne.s32 s24, $0x40  }
.Ltmp5:
0x4e5: {  	[tilespmem:v1+s22+$0x0] =	vst.idx.msk $0xffff, v2;
	s0 =	sadd.s32 s5, s0;
	(pc) =	sbr.rel @p0 .LBB2_2-.Ltmp5, $4  }
0x4e6: {  	[hbm4b:s0+s4] =	stream.linear.scatter [tilespmem:s22], [sflag:$0x2], $0xC800, $0x38;
	[tilespmem:$0x1D800] =	vst v63  }
0x4e7: {  	_ =	swait.ge [sflag:s10], $0xC800  }
0x4e8: {  	[sflag:s10] =	ssyncset.done $0x0  }
0x4e9: {  	[sflag:s10] =	ssyncadd.s32 $0xFFFF3800  }
0x4ea: {  	s23 =	sadd.s32 $0x1, s23  }
0x4eb: {  	p0 =	sne.s32 s23, s8  }
.Ltmp6:
0x4ec: {  	_ = 	snop;
	(pc) =	sbr.rel @p0 .LBB2_1-.Ltmp6, $1  }
0x4ed: {  	_ =	sdelay $0x3  }
0x4ee: {  	_ =	sfence.sel $0x180000  }
0x4ef: {  	[bflag:$0x0] =	sbarrier.arrive $0xFFFF  }
0x4f0: {  	_ =	strace $0x90000047  }
0x4f1: {  	[bflag:$0x2] =	sbarrier.arrive $0xFFFF  }
0x4f2: {  	p0 =	sne.s32 s3, $0x0;
	s0 =	rddreg [dreg:$0x4]  }
0x4f3: {  	s0 =	sadd.s32 @!p0 $0x100000, s0  }
0x4f4: {  	[sflag:s0] =	ssyncadd.tile.s32 @!p0 $0x1;
	_ =	shalt  }
.Lfunc_end2:
_tile_overlayer_lowered:
.L_overlay_start_2:
0x4f5: {  	(tag) =	ssettag $0x2  }
0x4f6: {  	s0 =	rddreg [dreg:$0x0];
	s2 =	stileid.u32  }
0x4f7: {  	s1 =	rddreg [dreg:$0x1];
	p0 =	sne.s32 s2, $0x0  }
0x4f8: {  	s3 =	rddreg [dreg:$0x2];
	[bflag:$0x3] =	sbarrier.arrive $0xFFFF;
	s2 =	simm.s32 @!p0 $0x1C02  }
0x4f9: {  	[timem:s3], [sflag:s2] =	dma.local @!p0 [hbm:s0], s1  }
0x4fa: {  	s0 =	simm.s32 @!p0 $0x2  }
0x4fb: {  	_ =	swait.ge @!p0 [sflag:s0], s1  }
0x4fc: {  	s1 =	ssub.s32 @!p0 $0x0, s1;
	[sflag:s0] =	ssyncset.done @!p0 $0x0  }
0x4fd: {  	[sflag:s0] =	ssyncadd.s32 @!p0 s1  }
0x4fe: {  	[bflag:$0x3] =	sbarrier.arrive $0xFFFF  }
0x4ff: {  	_ =	shalt  }

</sc_bundles>
